<compile_context>
chip_gen: v7x
topology: tpu7x:2x2x1
jax: 0.10.2.dev20260603
libtpu: 0.0.44.dev20260713+nightly
codegen_flags: <defaults>
</compile_context>

<pallas_src>
import functools

import jax
import jax.numpy as jnp
from jax import lax
from jax.experimental import pallas as pl
from jax.experimental.pallas import tpu as pltpu
from jax.experimental.pallas import tpu_sc as plsc

_E = 8
_D = 768
_T = 2048
_BLK = 256
_NB = (_T + _E * _BLK) // _BLK
_PAD = _NB * _BLK
_NC = 2
_NS = 16
_NW = _NC * _NS
_CH = _T // _NW
_GW = 128


def _router_z_body(x_ref, wg_ref, z_ref, g16_ref, pos_ref, bexp_ref, xc_ref):
    x = x_ref[...] + z_ref[0, 0]
    xc_ref[...] = x
    logits = jnp.dot(x, wg_ref[...], preferred_element_type=jnp.float32)
    _router_common(logits, g16_ref, pos_ref, bexp_ref)


def _router_l_body(lg_ref, g16_ref, pos_ref, bexp_ref):
    _router_common(lg_ref[:, :_E], g16_ref, pos_ref, bexp_ref)


def _router_common(logits, g16_ref, pos_ref, bexp_ref):
    m = jnp.max(logits, axis=-1, keepdims=True)
    ssum = jnp.sum(jnp.exp(logits - m), axis=-1, keepdims=True)
    g = 1.0 / ssum
    col = lax.broadcasted_iota(jnp.int32, (_T, _E), 1)
    eidx = jnp.min(jnp.where(logits >= m, col, _E), axis=-1, keepdims=True)
    oh = (col == eidx).astype(jnp.int32)

    c = oh
    sh = 1
    while sh < _T:
        c = c + jnp.concatenate(
            [jnp.zeros((sh, _E), jnp.int32), c[: _T - sh, :]], axis=0)
        sh *= 2
    counts = c[_T - 1 : _T, :]
    padded = ((counts + (_BLK - 1)) // _BLK) * _BLK

    ao = jnp.concatenate(
        [jnp.zeros((1, 1), jnp.int32), padded[:, : _E - 1]], axis=1)
    shl = 1
    while shl < _E:
        ao = ao + jnp.concatenate(
            [jnp.zeros((1, shl), jnp.int32), ao[:, : _E - shl]], axis=1)
        shl *= 2
    ao_end = ao + padded

    pos = (jnp.sum(oh * ao, axis=-1, keepdims=True)
           + jnp.sum(oh * c, axis=-1, keepdims=True) - 1)
    pos_ref[...] = jnp.reshape(pos, (_T // 128, 128))
    g16_ref[...] = jnp.broadcast_to(g, (_T, _GW))

    brow = lax.broadcasted_iota(jnp.int32, (128, _E), 0) * _BLK
    be = jnp.sum((brow >= ao_end).astype(jnp.int32), axis=-1, keepdims=True)
    be = jnp.minimum(be, _E - 1)
    rid = lax.broadcasted_iota(jnp.int32, (128, 1), 0)
    used_blocks = ao_end[:, _E - 1 :] // _BLK
    valid = rid < used_blocks
    be_prev = jnp.concatenate([be[:1], be[:-1]], axis=0)
    chg = (valid & (rid > 0) & (be != be_prev)).astype(jnp.int32)
    isstart = ((rid == 0) | (chg == 1)).astype(jnp.int32)
    slot = chg
    shc = 1
    while shc < 128:
        slot = slot + jnp.concatenate(
            [jnp.zeros((shc, 1), jnp.int32), slot[: 128 - shc]], axis=0)
        shc *= 2
    slot = slot % 2
    present = counts > 0
    col8 = lax.broadcasted_iota(jnp.int32, (1, _E), 1)
    v = jnp.where(present, col8, _E)

    def _shl(a, k):
        return jnp.concatenate(
            [a[:, k:], jnp.full((1, k), _E, jnp.int32)], axis=1)

    r = _shl(v, 1)
    r = jnp.minimum(r, _shl(r, 1))
    r = jnp.minimum(r, _shl(r, 2))
    r = jnp.minimum(r, _shl(r, 4))
    nexte_e = jnp.where(r > _E - 1, -1, r)
    ohb = (lax.broadcasted_iota(jnp.int32, (128, _E), 1) == be).astype(jnp.int32)
    nexte = jnp.sum(ohb * nexte_e, axis=-1, keepdims=True)
    c0 = jnp.where(rid == _NB, used_blocks, be)
    bexp_ref[...] = jnp.transpose(
        jnp.concatenate([c0, slot, isstart, nexte], axis=1))


_router_l = pl.pallas_call(
    _router_l_body,
    out_shape=[
        jax.ShapeDtypeStruct((_T, _GW), jnp.float32),
        jax.ShapeDtypeStruct((_T // 128, 128), jnp.int32),
        jax.ShapeDtypeStruct((4, 128), jnp.int32),
    ],
)

_router_z = pl.pallas_call(
    _router_z_body,
    out_shape=[
        jax.ShapeDtypeStruct((_T, _GW), jnp.float32),
        jax.ShapeDtypeStruct((_T // 128, 128), jnp.int32),
        jax.ShapeDtypeStruct((4, 128), jnp.int32),
        jax.ShapeDtypeStruct((_T, _D), jnp.float32),
    ],
)


def _wid():
    return lax.axis_index("s") * _NC + lax.axis_index("c")


@functools.lru_cache(maxsize=None)
def _sc_kernels():
    mesh = plsc.VectorSubcoreMesh(
        core_axis_name="c", subcore_axis_name="s", num_cores=_NC)

    @functools.partial(
        pl.kernel,
        mesh=mesh,
        out_type=[
            jax.ShapeDtypeStruct((_PAD, _D), jnp.float32),
            jax.ShapeDtypeStruct((_PAD, _GW), jnp.float32),
        ],
        scratch_types=[
            pltpu.VMEM((_CH,), jnp.int32),
            pltpu.VMEM((_CH, _D), jnp.float32),
            pltpu.VMEM((_CH, _GW), jnp.float32),
            pltpu.SemaphoreType.DMA,
        ],
    )
    def sc_scatter(x_hbm, pos_hbm, g16_hbm, xb_hbm, gb_hbm,
                   idx_v, rows_v, g_v, sem):
        base = _wid() * _CH
        ld0 = pltpu.async_copy(pos_hbm.at[pl.ds(base, _CH)], idx_v, sem)
        ld1 = pltpu.async_copy(x_hbm.at[pl.ds(base, _CH)], rows_v, sem)
        ld2 = pltpu.async_copy(g16_hbm.at[pl.ds(base, _CH)], g_v, sem)
        ld0.wait(); ld1.wait(); ld2.wait()
        st0 = pltpu.async_copy(rows_v, xb_hbm.at[idx_v], sem)
        st1 = pltpu.async_copy(g_v, gb_hbm.at[idx_v], sem)
        st0.wait(); st1.wait()

    @functools.partial(
        pl.kernel,
        mesh=mesh,
        out_type=jax.ShapeDtypeStruct((_T, _GW), jnp.float32),
        scratch_types=[
            pltpu.VMEM((_CH,), jnp.int32),
            pltpu.VMEM((_CH, _GW), jnp.float32),
            pltpu.SemaphoreType.DMA,
        ],
    )
    def sc_gather_l(src_hbm, pos_hbm, out_hbm, idx_v, rows_v, sem):
        base = _wid() * _CH
        pltpu.sync_copy(pos_hbm.at[pl.ds(base, _CH)], idx_v)
        pltpu.async_copy(src_hbm.at[idx_v], rows_v, sem).wait()
        pltpu.sync_copy(rows_v, out_hbm.at[pl.ds(base, _CH)])

    @functools.partial(
        pl.kernel,
        mesh=mesh,
        out_type=[
            jax.ShapeDtypeStruct((_PAD, _D), jnp.float32),
            jax.ShapeDtypeStruct((_PAD, _GW), jnp.float32),
        ],
        scratch_types=[
            pltpu.VMEM((_CH,), jnp.int32),
            pltpu.VMEM((_CH,), jnp.int32),
            pltpu.VMEM((_CH, _D), jnp.float32),
            pltpu.VMEM((_CH, _GW), jnp.float32),
            pltpu.SemaphoreType.DMA,
        ],
    )
    def sc_gather_scatter(src_hbm, pos0_hbm, pos1_hbm, g16_hbm, xb_hbm, gb_hbm,
                          idx0_v, idx1_v, rows_v, g_v, sem):
        base = _wid() * _CH
        ld0 = pltpu.async_copy(pos0_hbm.at[pl.ds(base, _CH)], idx0_v, sem)
        ld1 = pltpu.async_copy(pos1_hbm.at[pl.ds(base, _CH)], idx1_v, sem)
        ld2 = pltpu.async_copy(g16_hbm.at[pl.ds(base, _CH)], g_v, sem)
        ld0.wait(); ld1.wait(); ld2.wait()
        gat = pltpu.async_copy(src_hbm.at[idx0_v], rows_v, sem)
        st1 = pltpu.async_copy(g_v, gb_hbm.at[idx1_v], sem)
        gat.wait()
        st0 = pltpu.async_copy(rows_v, xb_hbm.at[idx1_v], sem)
        st1.wait(); st0.wait()

    @functools.partial(
        pl.kernel,
        mesh=mesh,
        out_type=[jax.ShapeDtypeStruct((_T, _D), jnp.float32)] * 3,
        scratch_types=[
            pltpu.VMEM((_CH,), jnp.int32),
            pltpu.VMEM((_CH, _D), jnp.float32),
            pltpu.VMEM((_CH, _D), jnp.float32),
            pltpu.SemaphoreType.DMA,
        ],
    )
    def sc_gather3(a_hbm, b_hbm, c_hbm, pos_hbm, oa_hbm, ob_hbm, oc_hbm,
                   idx_v, rows0_v, rows1_v, sem):
        base = _wid() * _CH
        pltpu.sync_copy(pos_hbm.at[pl.ds(base, _CH)], idx_v)
        bufs = (rows0_v, rows1_v)
        srcs = (a_hbm, b_hbm, c_hbm)
        dsts = (oa_hbm, ob_hbm, oc_hbm)
        pend = pltpu.async_copy(srcs[0].at[idx_v], bufs[0], sem)
        for i in range(3):
            pend.wait()
            if i < 2:
                pend = pltpu.async_copy(srcs[i + 1].at[idx_v], bufs[(i + 1) % 2], sem)
            pltpu.sync_copy(bufs[i % 2], dsts[i].at[pl.ds(base, _CH)])

    return sc_scatter, sc_gather_l, sc_gather_scatter, sc_gather3


def _make_mlp_body(nw):
    def body(bctl_ref, xb_ref, gb_ref, *rest):
        whbms = rest[:nw]
        if nw == 3:
            wg_ref = rest[nw]
            outs = rest[nw + 1:nw + 3]
        else:
            outs = rest[nw:nw + 3]
        wbuf, sem0, sem1 = rest[-3], rest[-2], rest[-1]
        b = pl.program_id(0)
        e = bctl_ref[b]
        sl = bctl_ref[128 + b]
        strt = bctl_ref[256 + b]
        nxt = bctl_ref[384 + b]
        used = bctl_ref[_NB]

        def fire(expert, slot, sem):
            for i, wh in enumerate(whbms):
                pltpu.make_async_copy(wh.at[expert], wbuf.at[slot, i], sem).start()

        def drain1(slot, i, sem):
            pltpu.make_async_copy(whbms[i].at[0], wbuf.at[slot, i], sem).wait()

        @pl.when(b == 0)
        def _():
            fire(e, 0, sem0)

        def drain_sl(i):
            @pl.when((strt == 1) & (sl == 0))
            def _():
                drain1(0, i, sem0)

            @pl.when((strt == 1) & (sl == 1))
            def _():
                drain1(1, i, sem1)

        @pl.when(b < used)
        def _():
            @pl.when((strt == 1) & (nxt >= 0) & (sl == 0))
            def _():
                fire(nxt, 1, sem1)

            @pl.when((strt == 1) & (nxt >= 0) & (sl == 1))
            def _():
                fire(nxt, 0, sem0)

            g = gb_ref[:, 0:1]
            drain_sl(0)
            h = jnp.maximum(
                jnp.dot(xb_ref[...], wbuf[sl, 0],
                        preferred_element_type=jnp.float32), 0.0)
            drain_sl(1)
            h = jnp.dot(h, wbuf[sl, 1], preferred_element_type=jnp.float32)
            drain_sl(2)
            mu = jnp.dot(h, wbuf[sl, 2], preferred_element_type=jnp.float32)
            mug = mu * g
            outs[0][...] = mug
            if nw == 3:
                lg = jnp.dot(mug, wg_ref[...],
                             preferred_element_type=jnp.float32)
                outs[1][...] = jnp.concatenate(
                    [lg, jnp.zeros((_BLK, _GW - _E), jnp.float32)], axis=1)
            else:
                drain_sl(3)
                outs[1][...] = jnp.dot(
                    h, wbuf[sl, 3], preferred_element_type=jnp.float32) * g
                drain_sl(4)
                outs[2][...] = jnp.dot(
                    mu, wbuf[sl, 4], preferred_element_type=jnp.float32) * g
    return body


def _clampb(b, s):
    return (jnp.minimum(b, s[_NB] - 1), 0)


_xspec = pl.BlockSpec((_BLK, _D), _clampb)
_gspec = pl.BlockSpec((_BLK, _GW), _clampb)
_wspec = pl.BlockSpec(memory_space=pl.ANY)
_ospec = pl.BlockSpec((_BLK, _D), _clampb)

_wgspec = pl.BlockSpec((_D, _E), lambda b, s: (0, 0))
_lspec = pl.BlockSpec((_BLK, _GW), _clampb)

_mlp_first = pl.pallas_call(
    _make_mlp_body(3),
    grid_spec=pltpu.PrefetchScalarGridSpec(
        num_scalar_prefetch=1,
        grid=(_NB,),
        in_specs=[_xspec, _gspec, _wspec, _wspec, _wspec, _wgspec],
        out_specs=[_ospec, _lspec],
        scratch_shapes=[
            pltpu.VMEM((2, 3, _D, _D), jnp.float32),
            pltpu.SemaphoreType.DMA,
            pltpu.SemaphoreType.DMA,
        ],
    ),
    out_shape=[
        jax.ShapeDtypeStruct((_PAD, _D), jnp.float32),
        jax.ShapeDtypeStruct((_PAD, _GW), jnp.float32),
    ],
)

_mlp_last = pl.pallas_call(
    _make_mlp_body(5),
    grid_spec=pltpu.PrefetchScalarGridSpec(
        num_scalar_prefetch=1,
        grid=(_NB,),
        in_specs=[_xspec, _gspec, _wspec, _wspec, _wspec, _wspec, _wspec],
        out_specs=[_ospec, _ospec, _ospec],
        scratch_shapes=[
            pltpu.VMEM((2, 5, _D, _D), jnp.float32),
            pltpu.SemaphoreType.DMA,
            pltpu.SemaphoreType.DMA,
        ],
    ),
    out_shape=[jax.ShapeDtypeStruct((_PAD, _D), jnp.float32)] * 3,
)


def kernel(x, params, deep):
    sc_scatter, sc_gather_l, sc_gather_scatter, sc_gather3 = _sc_kernels()
    zarr = jnp.asarray(deep - 2, jnp.float32).reshape(1, 1)

    p0, p1 = params[0], params[1]
    g16, pos0, bctl, xcur = _router_z(x, p0["Wg"], zarr)
    pos0, bctl = pos0.reshape(_T), bctl.reshape(512)
    xb, gb = sc_scatter(xcur, pos0, g16)
    mub0, lgb = _mlp_first(bctl, xb, gb, p0["Wmlp"][0], p0["Wmlp"][1],
                           p0["Wmu"], p1["Wg"])
    lg1 = sc_gather_l(lgb, pos0)

    g16, pos1, bctl = _router_l(lg1)
    pos1, bctl = pos1.reshape(_T), bctl.reshape(512)
    xb, gb = sc_gather_scatter(mub0, pos0, pos1, g16)
    mub, lvb, xhb = _mlp_last(bctl, xb, gb, p1["Wmlp"][0], p1["Wmlp"][1],
                              p1["Wmu"], p1["Wlv"], p1["Wrec"])
    mu, lv, xh = sc_gather3(mub, lvb, xhb, pos1)
    return (mu, lv, xh)

# --- scband reference (transcript-rebuilt; emitter-appended) ---
"""Pipeline reference for scband-deep-mono-mo-e-77386720739406 (READ-ONLY COPY).

The authoritative reference and input builder live on the scoring server;
editing this copy changes nothing except your own understanding.
"""

import jax, jax.numpy as jnp
import numpy as np

E = 8
D = 768
NUM_MLP = 2
NUM_LAYERS = 3
TOKENS = 2048
DEEP = 2


def _init_params(key):
    params = []
    scale = 1.0 / np.sqrt(D)
    for l in range(NUM_LAYERS):
        kl = jax.random.fold_in(key, l)
        ks = jax.random.split(kl, 5)
        layer = {
            "Wg": jax.random.normal(ks[0], (D, E), dtype=jnp.float32) * scale,
            "Wmlp": [jax.random.normal(jax.random.fold_in(ks[1], i), (E, D, D), dtype=jnp.float32) * scale for i in range(NUM_MLP)],
            "Wmu": jax.random.normal(ks[2], (E, D, D), dtype=jnp.float32) * scale,
            "Wlv": jax.random.normal(ks[3], (E, D, D), dtype=jnp.float32) * scale,
            "Wrec": jax.random.normal(ks[4], (E, D, D), dtype=jnp.float32) * scale,
        }
        params.append(layer)
    return params


def _mono_moe(x, layer):
    # top-1 routed mixture-of-experts layer returning (mu, logvar, x_hat)
    logits = x @ layer["Wg"]                      # [T, E]
    gates = jax.nn.softmax(logits, axis=-1)
    eidx = jnp.argmax(logits, axis=-1)            # [T]
    g = jnp.take_along_axis(gates, eidx[:, None], axis=1)  # [T, 1]
    T = x.shape[0]
    mu = jnp.zeros((T, D), x.dtype)
    lv = jnp.zeros((T, D), x.dtype)
    xh = jnp.zeros((T, D), x.dtype)
    for e in range(E):
        mask = (eidx == e)[:, None]
        h = x
        for i in range(NUM_MLP):
            h = h @ layer["Wmlp"][i][e]
            if i < NUM_MLP - 1:
                h = jax.nn.relu(h)
        mu_e = h @ layer["Wmu"][e]
        lv_e = h @ layer["Wlv"][e]
        xh_e = mu_e @ layer["Wrec"][e]
        mu = jnp.where(mask, mu_e, mu)
        lv = jnp.where(mask, lv_e, lv)
        xh = jnp.where(mask, xh_e, xh)
    return mu * g, lv * g, xh * g


def setup_inputs(seed: int = 0):
    key = jax.random.key(seed)
    x = jax.random.normal(jax.random.fold_in(key, 0), (TOKENS, D), dtype=jnp.float32)
    params = _init_params(jax.random.fold_in(key, 1))
    return {"x": x, "params": params, "deep": DEEP}


def reference(x, params, deep):
    zero = jnp.asarray(deep - DEEP).astype(x.dtype)
    x_next = x + zero
    logvar = None
    x_hat = None
    for l in range(DEEP):
        x_next, logvar, x_hat = _mono_moe(x_next, params[l])
    mu = x_next
    return (mu, logvar, x_hat)

if __name__ == "__main__":
    import jax
    _d = setup_inputs()
    print(jax.jit(kernel)(*tuple(_d.values())))

</pallas_src>

<mosaic_0001>
#map = affine_map<(d0, d1) -> (0, 0)>
#map1 = affine_map<(d0, d1) -> (0)>
module attributes {stable_mosaic.version = 14 : i64} {
  func.func @sc_gather_l(%arg0: i32, %arg1: i32, %arg2: memref<4096x128xf32, #tpu.memory_space<hbm>>, %arg3: memref<2048xi32, #tpu.memory_space<hbm>>, %arg4: memref<2048x128xf32, #tpu.memory_space<hbm>>, %arg5: memref<64xi32, #tpu.memory_space<vmem>>, %arg6: memref<64x128xf32, #tpu.memory_space<vmem>>, %arg7: memref<!tpu.dma_semaphore, #tpu.memory_space<semaphore_mem>>) attributes {dimension_semantics = [#tpu.dimension_semantics<core_parallel>, #tpu.dimension_semantics<subcore_parallel>], iteration_bounds = array<i64: 2, 16>, scalar_prefetch = 0 : i64, scratch_operands = 3 : i64, tpu.core_type = #tpu.core_type<sc_vector_subcore>, window_params = [{transform_indices = #map}, {transform_indices = #map1}, {transform_indices = #map}]} {
    %mul3A = arith.constant 2 : i32
    %mul3A_0 = arith.muli %arg1, %mul3A : i32
    %add3A = arith.addi %mul3A_0, %arg0 : i32
    %mul3A_1 = arith.constant 64 : i32
    %mul3A_2 = arith.muli %add3A, %mul3A_1 : i32
    "tpu.region"() ({
      %run_scoped3A = tpu.sem_alloc : memref<!tpu.dma_semaphore, #tpu.memory_space<semaphore_mem>>
      %dma_start3A_7 = tpu.memref_slice %arg3[%mul3A_2] : memref<2048xi32, #tpu.memory_space<hbm>> -> memref<64xi32, #tpu.memory_space<hbm>>
      %dma_start3A_8 = tpu.memref_slice %arg3[%mul3A_2] : memref<2048xi32, #tpu.memory_space<hbm>> -> memref<64xi32, #tpu.memory_space<hbm>>
      tpu.enqueue_dma source(%dma_start3A_8 : memref<64xi32, #tpu.memory_space<hbm>>) target(%arg5 : memref<64xi32, #tpu.memory_space<vmem>>) target_semaphore(%run_scoped3A : memref<!tpu.dma_semaphore, #tpu.memory_space<semaphore_mem>>)
      %dma_wait3A_9 = tpu.memref_slice %arg3[%mul3A_2] : memref<2048xi32, #tpu.memory_space<hbm>> -> memref<64xi32, #tpu.memory_space<hbm>>
      %dma_wait3A_10 = tpu.memref_slice %arg3[%mul3A_2] : memref<2048xi32, #tpu.memory_space<hbm>> -> memref<64xi32, #tpu.memory_space<hbm>>
      tpu.wait_dma2 semaphore(%run_scoped3A : memref<!tpu.dma_semaphore, #tpu.memory_space<semaphore_mem>>) src(%dma_wait3A_10 : memref<64xi32, #tpu.memory_space<hbm>>) dst(%arg5 : memref<64xi32, #tpu.memory_space<vmem>>)
      tpu.yield
    }) : () -> ()
    %dma_start3A = arith.constant 0 : i32
    %dma_start3A_3 = arith.constant 0 : i32
    %dma_start3A_4 = tpu.memref_slice %arg2[%dma_start3A, %dma_start3A_3] : memref<4096x128xf32, #tpu.memory_space<hbm>> -> memref<4096x128xf32, #tpu.memory_space<hbm>>
    tpu.enqueue_indirect_dma source(%dma_start3A_4 : memref<4096x128xf32, #tpu.memory_space<hbm>>) target(%arg6 : memref<64x128xf32, #tpu.memory_space<vmem>>) offsets(%arg5 : memref<64xi32, #tpu.memory_space<vmem>>) semaphore(%arg7 : memref<!tpu.dma_semaphore, #tpu.memory_space<semaphore_mem>>)
    %dma_wait3A = arith.constant 0 : i32
    %dma_wait3A_5 = arith.constant 0 : i32
    %dma_wait3A_6 = tpu.memref_slice %arg2[%dma_wait3A, %dma_wait3A_5] : memref<4096x128xf32, #tpu.memory_space<hbm>> -> memref<4096x128xf32, #tpu.memory_space<hbm>>
    tpu.wait_indirect_dma semaphore(%arg7 : memref<!tpu.dma_semaphore, #tpu.memory_space<semaphore_mem>>) src(%dma_wait3A_6 : memref<4096x128xf32, #tpu.memory_space<hbm>>) dst(%arg6 : memref<64x128xf32, #tpu.memory_space<vmem>>)
    "tpu.region"() ({
      %run_scoped3A = tpu.sem_alloc : memref<!tpu.dma_semaphore, #tpu.memory_space<semaphore_mem>>
      %dma_start3A_7 = arith.constant 0 : i32
      %dma_start3A_8 = tpu.memref_slice %arg4[%mul3A_2, %dma_start3A_7] : memref<2048x128xf32, #tpu.memory_space<hbm>> -> memref<64x128xf32, #tpu.memory_space<hbm>>
      %dma_start3A_9 = arith.constant 0 : i32
      %dma_start3A_10 = tpu.memref_slice %arg4[%mul3A_2, %dma_start3A_9] : memref<2048x128xf32, #tpu.memory_space<hbm>> -> memref<64x128xf32, #tpu.memory_space<hbm>>
      tpu.enqueue_dma source(%arg6 : memref<64x128xf32, #tpu.memory_space<vmem>>) target(%dma_start3A_10 : memref<64x128xf32, #tpu.memory_space<hbm>>) target_semaphore(%run_scoped3A : memref<!tpu.dma_semaphore, #tpu.memory_space<semaphore_mem>>)
      %dma_wait3A_11 = arith.constant 0 : i32
      %dma_wait3A_12 = tpu.memref_slice %arg4[%mul3A_2, %dma_wait3A_11] : memref<2048x128xf32, #tpu.memory_space<hbm>> -> memref<64x128xf32, #tpu.memory_space<hbm>>
      %dma_wait3A_13 = arith.constant 0 : i32
      %dma_wait3A_14 = tpu.memref_slice %arg4[%mul3A_2, %dma_wait3A_13] : memref<2048x128xf32, #tpu.memory_space<hbm>> -> memref<64x128xf32, #tpu.memory_space<hbm>>
      tpu.wait_dma2 semaphore(%run_scoped3A : memref<!tpu.dma_semaphore, #tpu.memory_space<semaphore_mem>>) src(%arg6 : memref<64x128xf32, #tpu.memory_space<vmem>>) dst(%dma_wait3A_14 : memref<64x128xf32, #tpu.memory_space<hbm>>)
      tpu.yield
    }) : () -> ()
    return
  }
}

#map = affine_map<(d0, d1) -> (0, 0)>
#map1 = affine_map<(d0, d1) -> (0)>
module attributes {stable_mosaic.version = 14 : i64} {
  func.func @sc_scatter(%arg0: i32, %arg1: i32, %arg2: memref<2048x768xf32, #tpu.memory_space<hbm>>, %arg3: memref<2048xi32, #tpu.memory_space<hbm>>, %arg4: memref<2048x128xf32, #tpu.memory_space<hbm>>, %arg5: memref<4096x768xf32, #tpu.memory_space<hbm>>, %arg6: memref<4096x128xf32, #tpu.memory_space<hbm>>, %arg7: memref<64xi32, #tpu.memory_space<vmem>>, %arg8: memref<64x768xf32, #tpu.memory_space<vmem>>, %arg9: memref<64x128xf32, #tpu.memory_space<vmem>>, %arg10: memref<!tpu.dma_semaphore, #tpu.memory_space<semaphore_mem>>) attributes {dimension_semantics = [#tpu.dimension_semantics<core_parallel>, #tpu.dimension_semantics<subcore_parallel>], iteration_bounds = array<i64: 2, 16>, scalar_prefetch = 0 : i64, scratch_operands = 4 : i64, tpu.core_type = #tpu.core_type<sc_vector_subcore>, window_params = [{transform_indices = #map}, {transform_indices = #map1}, {transform_indices = #map}, {transform_indices = #map}, {transform_indices = #map}]} {
    %mul3A = arith.constant 2 : i32
    %mul3A_0 = arith.muli %arg1, %mul3A : i32
    %add3A = arith.addi %mul3A_0, %arg0 : i32
    %mul3A_1 = arith.constant 64 : i32
    %mul3A_2 = arith.muli %add3A, %mul3A_1 : i32
    %dma_start3A = tpu.memref_slice %arg3[%mul3A_2] : memref<2048xi32, #tpu.memory_space<hbm>> -> memref<64xi32, #tpu.memory_space<hbm>>
    %dma_start3A_3 = tpu.memref_slice %arg3[%mul3A_2] : memref<2048xi32, #tpu.memory_space<hbm>> -> memref<64xi32, #tpu.memory_space<hbm>>
    tpu.enqueue_dma source(%dma_start3A_3 : memref<64xi32, #tpu.memory_space<hbm>>) target(%arg7 : memref<64xi32, #tpu.memory_space<vmem>>) target_semaphore(%arg10 : memref<!tpu.dma_semaphore, #tpu.memory_space<semaphore_mem>>)
    %dma_start3A_4 = arith.constant 0 : i32
    %dma_start3A_5 = tpu.memref_slice %arg2[%mul3A_2, %dma_start3A_4] : memref<2048x768xf32, #tpu.memory_space<hbm>> -> memref<64x768xf32, #tpu.memory_space<hbm>>
    %dma_start3A_6 = arith.constant 0 : i32
    %dma_start3A_7 = tpu.memref_slice %arg2[%mul3A_2, %dma_start3A_6] : memref<2048x768xf32, #tpu.memory_space<hbm>> -> memref<64x768xf32, #tpu.memory_space<hbm>>
    tpu.enqueue_dma source(%dma_start3A_7 : memref<64x768xf32, #tpu.memory_space<hbm>>) target(%arg8 : memref<64x768xf32, #tpu.memory_space<vmem>>) target_semaphore(%arg10 : memref<!tpu.dma_semaphore, #tpu.memory_space<semaphore_mem>>)
    %dma_start3A_8 = arith.constant 0 : i32
    %dma_start3A_9 = tpu.memref_slice %arg4[%mul3A_2, %dma_start3A_8] : memref<2048x128xf32, #tpu.memory_space<hbm>> -> memref<64x128xf32, #tpu.memory_space<hbm>>
    %dma_start3A_10 = arith.constant 0 : i32
    %dma_start3A_11 = tpu.memref_slice %arg4[%mul3A_2, %dma_start3A_10] : memref<2048x128xf32, #tpu.memory_space<hbm>> -> memref<64x128xf32, #tpu.memory_space<hbm>>
    tpu.enqueue_dma source(%dma_start3A_11 : memref<64x128xf32, #tpu.memory_space<hbm>>) target(%arg9 : memref<64x128xf32, #tpu.memory_space<vmem>>) target_semaphore(%arg10 : memref<!tpu.dma_semaphore, #tpu.memory_space<semaphore_mem>>)
    %dma_wait3A = tpu.memref_slice %arg3[%mul3A_2] : memref<2048xi32, #tpu.memory_space<hbm>> -> memref<64xi32, #tpu.memory_space<hbm>>
    %dma_wait3A_12 = tpu.memref_slice %arg3[%mul3A_2] : memref<2048xi32, #tpu.memory_space<hbm>> -> memref<64xi32, #tpu.memory_space<hbm>>
    tpu.wait_dma2 semaphore(%arg10 : memref<!tpu.dma_semaphore, #tpu.memory_space<semaphore_mem>>) src(%dma_wait3A_12 : memref<64xi32, #tpu.memory_space<hbm>>) dst(%arg7 : memref<64xi32, #tpu.memory_space<vmem>>)
    %dma_wait3A_13 = arith.constant 0 : i32
    %dma_wait3A_14 = tpu.memref_slice %arg2[%mul3A_2, %dma_wait3A_13] : memref<2048x768xf32, #tpu.memory_space<hbm>> -> memref<64x768xf32, #tpu.memory_space<hbm>>
    %dma_wait3A_15 = arith.constant 0 : i32
    %dma_wait3A_16 = tpu.memref_slice %arg2[%mul3A_2, %dma_wait3A_15] : memref<2048x768xf32, #tpu.memory_space<hbm>> -> memref<64x768xf32, #tpu.memory_space<hbm>>
    tpu.wait_dma2 semaphore(%arg10 : memref<!tpu.dma_semaphore, #tpu.memory_space<semaphore_mem>>) src(%dma_wait3A_16 : memref<64x768xf32, #tpu.memory_space<hbm>>) dst(%arg8 : memref<64x768xf32, #tpu.memory_space<vmem>>)
    %dma_wait3A_17 = arith.constant 0 : i32
    %dma_wait3A_18 = tpu.memref_slice %arg4[%mul3A_2, %dma_wait3A_17] : memref<2048x128xf32, #tpu.memory_space<hbm>> -> memref<64x128xf32, #tpu.memory_space<hbm>>
    %dma_wait3A_19 = arith.constant 0 : i32
    %dma_wait3A_20 = tpu.memref_slice %arg4[%mul3A_2, %dma_wait3A_19] : memref<2048x128xf32, #tpu.memory_space<hbm>> -> memref<64x128xf32, #tpu.memory_space<hbm>>
    tpu.wait_dma2 semaphore(%arg10 : memref<!tpu.dma_semaphore, #tpu.memory_space<semaphore_mem>>) src(%dma_wait3A_20 : memref<64x128xf32, #tpu.memory_space<hbm>>) dst(%arg9 : memref<64x128xf32, #tpu.memory_space<vmem>>)
    %dma_start3A_21 = arith.constant 0 : i32
    %dma_start3A_22 = arith.constant 0 : i32
    %dma_start3A_23 = tpu.memref_slice %arg5[%dma_start3A_21, %dma_start3A_22] : memref<4096x768xf32, #tpu.memory_space<hbm>> -> memref<4096x768xf32, #tpu.memory_space<hbm>>
    tpu.enqueue_indirect_dma source(%arg8 : memref<64x768xf32, #tpu.memory_space<vmem>>) target(%dma_start3A_23 : memref<4096x768xf32, #tpu.memory_space<hbm>>) offsets(%arg7 : memref<64xi32, #tpu.memory_space<vmem>>) semaphore(%arg10 : memref<!tpu.dma_semaphore, #tpu.memory_space<semaphore_mem>>)
    %dma_start3A_24 = arith.constant 0 : i32
    %dma_start3A_25 = arith.constant 0 : i32
    %dma_start3A_26 = tpu.memref_slice %arg6[%dma_start3A_24, %dma_start3A_25] : memref<4096x128xf32, #tpu.memory_space<hbm>> -> memref<4096x128xf32, #tpu.memory_space<hbm>>
    tpu.enqueue_indirect_dma source(%arg9 : memref<64x128xf32, #tpu.memory_space<vmem>>) target(%dma_start3A_26 : memref<4096x128xf32, #tpu.memory_space<hbm>>) offsets(%arg7 : memref<64xi32, #tpu.memory_space<vmem>>) semaphore(%arg10 : memref<!tpu.dma_semaphore, #tpu.memory_space<semaphore_mem>>)
    %dma_wait3A_27 = arith.constant 0 : i32
    %dma_wait3A_28 = arith.constant 0 : i32
    %dma_wait3A_29 = tpu.memref_slice %arg5[%dma_wait3A_27, %dma_wait3A_28] : memref<4096x768xf32, #tpu.memory_space<hbm>> -> memref<4096x768xf32, #tpu.memory_space<hbm>>
    tpu.wait_indirect_dma semaphore(%arg10 : memref<!tpu.dma_semaphore, #tpu.memory_space<semaphore_mem>>) src(%arg8 : memref<64x768xf32, #tpu.memory_space<vmem>>) dst(%dma_wait3A_29 : memref<4096x768xf32, #tpu.memory_space<hbm>>)
    %dma_wait3A_30 = arith.constant 0 : i32
    %dma_wait3A_31 = arith.constant 0 : i32
    %dma_wait3A_32 = tpu.memref_slice %arg6[%dma_wait3A_30, %dma_wait3A_31] : memref<4096x128xf32, #tpu.memory_space<hbm>> -> memref<4096x128xf32, #tpu.memory_space<hbm>>
    tpu.wait_indirect_dma semaphore(%arg10 : memref<!tpu.dma_semaphore, #tpu.memory_space<semaphore_mem>>) src(%arg9 : memref<64x128xf32, #tpu.memory_space<vmem>>) dst(%dma_wait3A_32 : memref<4096x128xf32, #tpu.memory_space<hbm>>)
    return
  }
}

#map = affine_map<(d0, d1) -> (0, 0)>
#map1 = affine_map<(d0, d1) -> (0)>
module attributes {stable_mosaic.version = 14 : i64} {
  func.func @sc_gather_scatter(%arg0: i32, %arg1: i32, %arg2: memref<4096x768xf32, #tpu.memory_space<hbm>>, %arg3: memref<2048xi32, #tpu.memory_space<hbm>>, %arg4: memref<2048xi32, #tpu.memory_space<hbm>>, %arg5: memref<2048x128xf32, #tpu.memory_space<hbm>>, %arg6: memref<4096x768xf32, #tpu.memory_space<hbm>>, %arg7: memref<4096x128xf32, #tpu.memory_space<hbm>>, %arg8: memref<64xi32, #tpu.memory_space<vmem>>, %arg9: memref<64xi32, #tpu.memory_space<vmem>>, %arg10: memref<64x768xf32, #tpu.memory_space<vmem>>, %arg11: memref<64x128xf32, #tpu.memory_space<vmem>>, %arg12: memref<!tpu.dma_semaphore, #tpu.memory_space<semaphore_mem>>) attributes {dimension_semantics = [#tpu.dimension_semantics<core_parallel>, #tpu.dimension_semantics<subcore_parallel>], iteration_bounds = array<i64: 2, 16>, scalar_prefetch = 0 : i64, scratch_operands = 5 : i64, tpu.core_type = #tpu.core_type<sc_vector_subcore>, window_params = [{transform_indices = #map}, {transform_indices = #map1}, {transform_indices = #map1}, {transform_indices = #map}, {transform_indices = #map}, {transform_indices = #map}]} {
    %mul3A = arith.constant 2 : i32
    %mul3A_0 = arith.muli %arg1, %mul3A : i32
    %add3A = arith.addi %mul3A_0, %arg0 : i32
    %mul3A_1 = arith.constant 64 : i32
    %mul3A_2 = arith.muli %add3A, %mul3A_1 : i32
    %dma_start3A = tpu.memref_slice %arg3[%mul3A_2] : memref<2048xi32, #tpu.memory_space<hbm>> -> memref<64xi32, #tpu.memory_space<hbm>>
    %dma_start3A_3 = tpu.memref_slice %arg3[%mul3A_2] : memref<2048xi32, #tpu.memory_space<hbm>> -> memref<64xi32, #tpu.memory_space<hbm>>
    tpu.enqueue_dma source(%dma_start3A_3 : memref<64xi32, #tpu.memory_space<hbm>>) target(%arg8 : memref<64xi32, #tpu.memory_space<vmem>>) target_semaphore(%arg12 : memref<!tpu.dma_semaphore, #tpu.memory_space<semaphore_mem>>)
    %dma_start3A_4 = tpu.memref_slice %arg4[%mul3A_2] : memref<2048xi32, #tpu.memory_space<hbm>> -> memref<64xi32, #tpu.memory_space<hbm>>
    %dma_start3A_5 = tpu.memref_slice %arg4[%mul3A_2] : memref<2048xi32, #tpu.memory_space<hbm>> -> memref<64xi32, #tpu.memory_space<hbm>>
    tpu.enqueue_dma source(%dma_start3A_5 : memref<64xi32, #tpu.memory_space<hbm>>) target(%arg9 : memref<64xi32, #tpu.memory_space<vmem>>) target_semaphore(%arg12 : memref<!tpu.dma_semaphore, #tpu.memory_space<semaphore_mem>>)
    %dma_start3A_6 = arith.constant 0 : i32
    %dma_start3A_7 = tpu.memref_slice %arg5[%mul3A_2, %dma_start3A_6] : memref<2048x128xf32, #tpu.memory_space<hbm>> -> memref<64x128xf32, #tpu.memory_space<hbm>>
    %dma_start3A_8 = arith.constant 0 : i32
    %dma_start3A_9 = tpu.memref_slice %arg5[%mul3A_2, %dma_start3A_8] : memref<2048x128xf32, #tpu.memory_space<hbm>> -> memref<64x128xf32, #tpu.memory_space<hbm>>
    tpu.enqueue_dma source(%dma_start3A_9 : memref<64x128xf32, #tpu.memory_space<hbm>>) target(%arg11 : memref<64x128xf32, #tpu.memory_space<vmem>>) target_semaphore(%arg12 : memref<!tpu.dma_semaphore, #tpu.memory_space<semaphore_mem>>)
    %dma_wait3A = tpu.memref_slice %arg3[%mul3A_2] : memref<2048xi32, #tpu.memory_space<hbm>> -> memref<64xi32, #tpu.memory_space<hbm>>
    %dma_wait3A_10 = tpu.memref_slice %arg3[%mul3A_2] : memref<2048xi32, #tpu.memory_space<hbm>> -> memref<64xi32, #tpu.memory_space<hbm>>
    tpu.wait_dma2 semaphore(%arg12 : memref<!tpu.dma_semaphore, #tpu.memory_space<semaphore_mem>>) src(%dma_wait3A_10 : memref<64xi32, #tpu.memory_space<hbm>>) dst(%arg8 : memref<64xi32, #tpu.memory_space<vmem>>)
    %dma_wait3A_11 = tpu.memref_slice %arg4[%mul3A_2] : memref<2048xi32, #tpu.memory_space<hbm>> -> memref<64xi32, #tpu.memory_space<hbm>>
    %dma_wait3A_12 = tpu.memref_slice %arg4[%mul3A_2] : memref<2048xi32, #tpu.memory_space<hbm>> -> memref<64xi32, #tpu.memory_space<hbm>>
    tpu.wait_dma2 semaphore(%arg12 : memref<!tpu.dma_semaphore, #tpu.memory_space<semaphore_mem>>) src(%dma_wait3A_12 : memref<64xi32, #tpu.memory_space<hbm>>) dst(%arg9 : memref<64xi32, #tpu.memory_space<vmem>>)
    %dma_wait3A_13 = arith.constant 0 : i32
    %dma_wait3A_14 = tpu.memref_slice %arg5[%mul3A_2, %dma_wait3A_13] : memref<2048x128xf32, #tpu.memory_space<hbm>> -> memref<64x128xf32, #tpu.memory_space<hbm>>
    %dma_wait3A_15 = arith.constant 0 : i32
    %dma_wait3A_16 = tpu.memref_slice %arg5[%mul3A_2, %dma_wait3A_15] : memref<2048x128xf32, #tpu.memory_space<hbm>> -> memref<64x128xf32, #tpu.memory_space<hbm>>
    tpu.wait_dma2 semaphore(%arg12 : memref<!tpu.dma_semaphore, #tpu.memory_space<semaphore_mem>>) src(%dma_wait3A_16 : memref<64x128xf32, #tpu.memory_space<hbm>>) dst(%arg11 : memref<64x128xf32, #tpu.memory_space<vmem>>)
    %dma_start3A_17 = arith.constant 0 : i32
    %dma_start3A_18 = arith.constant 0 : i32
    %dma_start3A_19 = tpu.memref_slice %arg2[%dma_start3A_17, %dma_start3A_18] : memref<4096x768xf32, #tpu.memory_space<hbm>> -> memref<4096x768xf32, #tpu.memory_space<hbm>>
    tpu.enqueue_indirect_dma source(%dma_start3A_19 : memref<4096x768xf32, #tpu.memory_space<hbm>>) target(%arg10 : memref<64x768xf32, #tpu.memory_space<vmem>>) offsets(%arg8 : memref<64xi32, #tpu.memory_space<vmem>>) semaphore(%arg12 : memref<!tpu.dma_semaphore, #tpu.memory_space<semaphore_mem>>)
    %dma_start3A_20 = arith.constant 0 : i32
    %dma_start3A_21 = arith.constant 0 : i32
    %dma_start3A_22 = tpu.memref_slice %arg7[%dma_start3A_20, %dma_start3A_21] : memref<4096x128xf32, #tpu.memory_space<hbm>> -> memref<4096x128xf32, #tpu.memory_space<hbm>>
    tpu.enqueue_indirect_dma source(%arg11 : memref<64x128xf32, #tpu.memory_space<vmem>>) target(%dma_start3A_22 : memref<4096x128xf32, #tpu.memory_space<hbm>>) offsets(%arg9 : memref<64xi32, #tpu.memory_space<vmem>>) semaphore(%arg12 : memref<!tpu.dma_semaphore, #tpu.memory_space<semaphore_mem>>)
    %dma_wait3A_23 = arith.constant 0 : i32
    %dma_wait3A_24 = arith.constant 0 : i32
    %dma_wait3A_25 = tpu.memref_slice %arg2[%dma_wait3A_23, %dma_wait3A_24] : memref<4096x768xf32, #tpu.memory_space<hbm>> -> memref<4096x768xf32, #tpu.memory_space<hbm>>
    tpu.wait_indirect_dma semaphore(%arg12 : memref<!tpu.dma_semaphore, #tpu.memory_space<semaphore_mem>>) src(%dma_wait3A_25 : memref<4096x768xf32, #tpu.memory_space<hbm>>) dst(%arg10 : memref<64x768xf32, #tpu.memory_space<vmem>>)
    %dma_start3A_26 = arith.constant 0 : i32
    %dma_start3A_27 = arith.constant 0 : i32
    %dma_start3A_28 = tpu.memref_slice %arg6[%dma_start3A_26, %dma_start3A_27] : memref<4096x768xf32, #tpu.memory_space<hbm>> -> memref<4096x768xf32, #tpu.memory_space<hbm>>
    tpu.enqueue_indirect_dma source(%arg10 : memref<64x768xf32, #tpu.memory_space<vmem>>) target(%dma_start3A_28 : memref<4096x768xf32, #tpu.memory_space<hbm>>) offsets(%arg9 : memref<64xi32, #tpu.memory_space<vmem>>) semaphore(%arg12 : memref<!tpu.dma_semaphore, #tpu.memory_space<semaphore_mem>>)
    %dma_wait3A_29 = arith.constant 0 : i32
    %dma_wait3A_30 = arith.constant 0 : i32
    %dma_wait3A_31 = tpu.memref_slice %arg7[%dma_wait3A_29, %dma_wait3A_30] : memref<4096x128xf32, #tpu.memory_space<hbm>> -> memref<4096x128xf32, #tpu.memory_space<hbm>>
    tpu.wait_indirect_dma semaphore(%arg12 : memref<!tpu.dma_semaphore, #tpu.memory_space<semaphore_mem>>) src(%arg11 : memref<64x128xf32, #tpu.memory_space<vmem>>) dst(%dma_wait3A_31 : memref<4096x128xf32, #tpu.memory_space<hbm>>)
    %dma_wait3A_32 = arith.constant 0 : i32
    %dma_wait3A_33 = arith.constant 0 : i32
    %dma_wait3A_34 = tpu.memref_slice %arg6[%dma_wait3A_32, %dma_wait3A_33] : memref<4096x768xf32, #tpu.memory_space<hbm>> -> memref<4096x768xf32, #tpu.memory_space<hbm>>
    tpu.wait_indirect_dma semaphore(%arg12 : memref<!tpu.dma_semaphore, #tpu.memory_space<semaphore_mem>>) src(%arg10 : memref<64x768xf32, #tpu.memory_space<vmem>>) dst(%dma_wait3A_34 : memref<4096x768xf32, #tpu.memory_space<hbm>>)
    return
  }
}

#map = affine_map<(d0, d1) -> (0, 0)>
#map1 = affine_map<(d0, d1) -> (0)>
module attributes {stable_mosaic.version = 14 : i64} {
  func.func @sc_gather3(%arg0: i32, %arg1: i32, %arg2: memref<4096x768xf32, #tpu.memory_space<hbm>>, %arg3: memref<4096x768xf32, #tpu.memory_space<hbm>>, %arg4: memref<4096x768xf32, #tpu.memory_space<hbm>>, %arg5: memref<2048xi32, #tpu.memory_space<hbm>>, %arg6: memref<2048x768xf32, #tpu.memory_space<hbm>>, %arg7: memref<2048x768xf32, #tpu.memory_space<hbm>>, %arg8: memref<2048x768xf32, #tpu.memory_space<hbm>>, %arg9: memref<64xi32, #tpu.memory_space<vmem>>, %arg10: memref<64x768xf32, #tpu.memory_space<vmem>>, %arg11: memref<64x768xf32, #tpu.memory_space<vmem>>, %arg12: memref<!tpu.dma_semaphore, #tpu.memory_space<semaphore_mem>>) attributes {dimension_semantics = [#tpu.dimension_semantics<core_parallel>, #tpu.dimension_semantics<subcore_parallel>], iteration_bounds = array<i64: 2, 16>, scalar_prefetch = 0 : i64, scratch_operands = 4 : i64, tpu.core_type = #tpu.core_type<sc_vector_subcore>, window_params = [{transform_indices = #map}, {transform_indices = #map}, {transform_indices = #map}, {transform_indices = #map1}, {transform_indices = #map}, {transform_indices = #map}, {transform_indices = #map}]} {
    %mul3A = arith.constant 2 : i32
    %mul3A_0 = arith.muli %arg1, %mul3A : i32
    %add3A = arith.addi %mul3A_0, %arg0 : i32
    %mul3A_1 = arith.constant 64 : i32
    %mul3A_2 = arith.muli %add3A, %mul3A_1 : i32
    "tpu.region"() ({
      %run_scoped3A = tpu.sem_alloc : memref<!tpu.dma_semaphore, #tpu.memory_space<semaphore_mem>>
      %dma_start3A_19 = tpu.memref_slice %arg5[%mul3A_2] : memref<2048xi32, #tpu.memory_space<hbm>> -> memref<64xi32, #tpu.memory_space<hbm>>
      %dma_start3A_20 = tpu.memref_slice %arg5[%mul3A_2] : memref<2048xi32, #tpu.memory_space<hbm>> -> memref<64xi32, #tpu.memory_space<hbm>>
      tpu.enqueue_dma source(%dma_start3A_20 : memref<64xi32, #tpu.memory_space<hbm>>) target(%arg9 : memref<64xi32, #tpu.memory_space<vmem>>) target_semaphore(%run_scoped3A : memref<!tpu.dma_semaphore, #tpu.memory_space<semaphore_mem>>)
      %dma_wait3A_21 = tpu.memref_slice %arg5[%mul3A_2] : memref<2048xi32, #tpu.memory_space<hbm>> -> memref<64xi32, #tpu.memory_space<hbm>>
      %dma_wait3A_22 = tpu.memref_slice %arg5[%mul3A_2] : memref<2048xi32, #tpu.memory_space<hbm>> -> memref<64xi32, #tpu.memory_space<hbm>>
      tpu.wait_dma2 semaphore(%run_scoped3A : memref<!tpu.dma_semaphore, #tpu.memory_space<semaphore_mem>>) src(%dma_wait3A_22 : memref<64xi32, #tpu.memory_space<hbm>>) dst(%arg9 : memref<64xi32, #tpu.memory_space<vmem>>)
      tpu.yield
    }) : () -> ()
    %dma_start3A = arith.constant 0 : i32
    %dma_start3A_3 = arith.constant 0 : i32
    %dma_start3A_4 = tpu.memref_slice %arg2[%dma_start3A, %dma_start3A_3] : memref<4096x768xf32, #tpu.memory_space<hbm>> -> memref<4096x768xf32, #tpu.memory_space<hbm>>
    tpu.enqueue_indirect_dma source(%dma_start3A_4 : memref<4096x768xf32, #tpu.memory_space<hbm>>) target(%arg10 : memref<64x768xf32, #tpu.memory_space<vmem>>) offsets(%arg9 : memref<64xi32, #tpu.memory_space<vmem>>) semaphore(%arg12 : memref<!tpu.dma_semaphore, #tpu.memory_space<semaphore_mem>>)
    %dma_wait3A = arith.constant 0 : i32
    %dma_wait3A_5 = arith.constant 0 : i32
    %dma_wait3A_6 = tpu.memref_slice %arg2[%dma_wait3A, %dma_wait3A_5] : memref<4096x768xf32, #tpu.memory_space<hbm>> -> memref<4096x768xf32, #tpu.memory_space<hbm>>
    tpu.wait_indirect_dma semaphore(%arg12 : memref<!tpu.dma_semaphore, #tpu.memory_space<semaphore_mem>>) src(%dma_wait3A_6 : memref<4096x768xf32, #tpu.memory_space<hbm>>) dst(%arg10 : memref<64x768xf32, #tpu.memory_space<vmem>>)
    %dma_start3A_7 = arith.constant 0 : i32
    %dma_start3A_8 = arith.constant 0 : i32
    %dma_start3A_9 = tpu.memref_slice %arg3[%dma_start3A_7, %dma_start3A_8] : memref<4096x768xf32, #tpu.memory_space<hbm>> -> memref<4096x768xf32, #tpu.memory_space<hbm>>
    tpu.enqueue_indirect_dma source(%dma_start3A_9 : memref<4096x768xf32, #tpu.memory_space<hbm>>) target(%arg11 : memref<64x768xf32, #tpu.memory_space<vmem>>) offsets(%arg9 : memref<64xi32, #tpu.memory_space<vmem>>) semaphore(%arg12 : memref<!tpu.dma_semaphore, #tpu.memory_space<semaphore_mem>>)
    "tpu.region"() ({
      %run_scoped3A = tpu.sem_alloc : memref<!tpu.dma_semaphore, #tpu.memory_space<semaphore_mem>>
      %dma_start3A_19 = arith.constant 0 : i32
      %dma_start3A_20 = tpu.memref_slice %arg6[%mul3A_2, %dma_start3A_19] : memref<2048x768xf32, #tpu.memory_space<hbm>> -> memref<64x768xf32, #tpu.memory_space<hbm>>
      %dma_start3A_21 = arith.constant 0 : i32
      %dma_start3A_22 = tpu.memref_slice %arg6[%mul3A_2, %dma_start3A_21] : memref<2048x768xf32, #tpu.memory_space<hbm>> -> memref<64x768xf32, #tpu.memory_space<hbm>>
      tpu.enqueue_dma source(%arg10 : memref<64x768xf32, #tpu.memory_space<vmem>>) target(%dma_start3A_22 : memref<64x768xf32, #tpu.memory_space<hbm>>) target_semaphore(%run_scoped3A : memref<!tpu.dma_semaphore, #tpu.memory_space<semaphore_mem>>)
      %dma_wait3A_23 = arith.constant 0 : i32
      %dma_wait3A_24 = tpu.memref_slice %arg6[%mul3A_2, %dma_wait3A_23] : memref<2048x768xf32, #tpu.memory_space<hbm>> -> memref<64x768xf32, #tpu.memory_space<hbm>>
      %dma_wait3A_25 = arith.constant 0 : i32
      %dma_wait3A_26 = tpu.memref_slice %arg6[%mul3A_2, %dma_wait3A_25] : memref<2048x768xf32, #tpu.memory_space<hbm>> -> memref<64x768xf32, #tpu.memory_space<hbm>>
      tpu.wait_dma2 semaphore(%run_scoped3A : memref<!tpu.dma_semaphore, #tpu.memory_space<semaphore_mem>>) src(%arg10 : memref<64x768xf32, #tpu.memory_space<vmem>>) dst(%dma_wait3A_26 : memref<64x768xf32, #tpu.memory_space<hbm>>)
      tpu.yield
    }) : () -> ()
    %dma_wait3A_10 = arith.constant 0 : i32
    %dma_wait3A_11 = arith.constant 0 : i32
    %dma_wait3A_12 = tpu.memref_slice %arg3[%dma_wait3A_10, %dma_wait3A_11] : memref<4096x768xf32, #tpu.memory_space<hbm>> -> memref<4096x768xf32, #tpu.memory_space<hbm>>
    tpu.wait_indirect_dma semaphore(%arg12 : memref<!tpu.dma_semaphore, #tpu.memory_space<semaphore_mem>>) src(%dma_wait3A_12 : memref<4096x768xf32, #tpu.memory_space<hbm>>) dst(%arg11 : memref<64x768xf32, #tpu.memory_space<vmem>>)
    %dma_start3A_13 = arith.constant 0 : i32
    %dma_start3A_14 = arith.constant 0 : i32
    %dma_start3A_15 = tpu.memref_slice %arg4[%dma_start3A_13, %dma_start3A_14] : memref<4096x768xf32, #tpu.memory_space<hbm>> -> memref<4096x768xf32, #tpu.memory_space<hbm>>
    tpu.enqueue_indirect_dma source(%dma_start3A_15 : memref<4096x768xf32, #tpu.memory_space<hbm>>) target(%arg10 : memref<64x768xf32, #tpu.memory_space<vmem>>) offsets(%arg9 : memref<64xi32, #tpu.memory_space<vmem>>) semaphore(%arg12 : memref<!tpu.dma_semaphore, #tpu.memory_space<semaphore_mem>>)
    "tpu.region"() ({
      %run_scoped3A = tpu.sem_alloc : memref<!tpu.dma_semaphore, #tpu.memory_space<semaphore_mem>>
      %dma_start3A_19 = arith.constant 0 : i32
      %dma_start3A_20 = tpu.memref_slice %arg7[%mul3A_2, %dma_start3A_19] : memref<2048x768xf32, #tpu.memory_space<hbm>> -> memref<64x768xf32, #tpu.memory_space<hbm>>
      %dma_start3A_21 = arith.constant 0 : i32
      %dma_start3A_22 = tpu.memref_slice %arg7[%mul3A_2, %dma_start3A_21] : memref<2048x768xf32, #tpu.memory_space<hbm>> -> memref<64x768xf32, #tpu.memory_space<hbm>>
      tpu.enqueue_dma source(%arg11 : memref<64x768xf32, #tpu.memory_space<vmem>>) target(%dma_start3A_22 : memref<64x768xf32, #tpu.memory_space<hbm>>) target_semaphore(%run_scoped3A : memref<!tpu.dma_semaphore, #tpu.memory_space<semaphore_mem>>)
      %dma_wait3A_23 = arith.constant 0 : i32
      %dma_wait3A_24 = tpu.memref_slice %arg7[%mul3A_2, %dma_wait3A_23] : memref<2048x768xf32, #tpu.memory_space<hbm>> -> memref<64x768xf32, #tpu.memory_space<hbm>>
      %dma_wait3A_25 = arith.constant 0 : i32
      %dma_wait3A_26 = tpu.memref_slice %arg7[%mul3A_2, %dma_wait3A_25] : memref<2048x768xf32, #tpu.memory_space<hbm>> -> memref<64x768xf32, #tpu.memory_space<hbm>>
      tpu.wait_dma2 semaphore(%run_scoped3A : memref<!tpu.dma_semaphore, #tpu.memory_space<semaphore_mem>>) src(%arg11 : memref<64x768xf32, #tpu.memory_space<vmem>>) dst(%dma_wait3A_26 : memref<64x768xf32, #tpu.memory_space<hbm>>)
      tpu.yield
    }) : () -> ()
    %dma_wait3A_16 = arith.constant 0 : i32
    %dma_wait3A_17 = arith.constant 0 : i32
    %dma_wait3A_18 = tpu.memref_slice %arg4[%dma_wait3A_16, %dma_wait3A_17] : memref<4096x768xf32, #tpu.memory_space<hbm>> -> memref<4096x768xf32, #tpu.memory_space<hbm>>
    tpu.wait_indirect_dma semaphore(%arg12 : memref<!tpu.dma_semaphore, #tpu.memory_space<semaphore_mem>>) src(%dma_wait3A_18 : memref<4096x768xf32, #tpu.memory_space<hbm>>) dst(%arg10 : memref<64x768xf32, #tpu.memory_space<vmem>>)
    "tpu.region"() ({
      %run_scoped3A = tpu.sem_alloc : memref<!tpu.dma_semaphore, #tpu.memory_space<semaphore_mem>>
      %dma_start3A_19 = arith.constant 0 : i32
      %dma_start3A_20 = tpu.memref_slice %arg8[%mul3A_2, %dma_start3A_19] : memref<2048x768xf32, #tpu.memory_space<hbm>> -> memref<64x768xf32, #tpu.memory_space<hbm>>
      %dma_start3A_21 = arith.constant 0 : i32
      %dma_start3A_22 = tpu.memref_slice %arg8[%mul3A_2, %dma_start3A_21] : memref<2048x768xf32, #tpu.memory_space<hbm>> -> memref<64x768xf32, #tpu.memory_space<hbm>>
      tpu.enqueue_dma source(%arg10 : memref<64x768xf32, #tpu.memory_space<vmem>>) target(%dma_start3A_22 : memref<64x768xf32, #tpu.memory_space<hbm>>) target_semaphore(%run_scoped3A : memref<!tpu.dma_semaphore, #tpu.memory_space<semaphore_mem>>)
      %dma_wait3A_23 = arith.constant 0 : i32
      %dma_wait3A_24 = tpu.memref_slice %arg8[%mul3A_2, %dma_wait3A_23] : memref<2048x768xf32, #tpu.memory_space<hbm>> -> memref<64x768xf32, #tpu.memory_space<hbm>>
      %dma_wait3A_25 = arith.constant 0 : i32
      %dma_wait3A_26 = tpu.memref_slice %arg8[%mul3A_2, %dma_wait3A_25] : memref<2048x768xf32, #tpu.memory_space<hbm>> -> memref<64x768xf32, #tpu.memory_space<hbm>>
      tpu.wait_dma2 semaphore(%run_scoped3A : memref<!tpu.dma_semaphore, #tpu.memory_space<semaphore_mem>>) src(%arg10 : memref<64x768xf32, #tpu.memory_space<vmem>>) dst(%dma_wait3A_26 : memref<64x768xf32, #tpu.memory_space<hbm>>)
      tpu.yield
    }) : () -> ()
    return
  }
}

module attributes {stable_mosaic.version = 14 : i64} {
  func.func @body(%arg0: i32, %arg1: memref<512xi32, #tpu.memory_space<smem>>, %arg2: memref<256x768xf32, #tpu.memory_space<vmem>>, %arg3: memref<256x128xf32, #tpu.memory_space<vmem>>, %arg4: memref<8x768x768xf32, #tpu.memory_space<any>>, %arg5: memref<8x768x768xf32, #tpu.memory_space<any>>, %arg6: memref<8x768x768xf32, #tpu.memory_space<any>>, %arg7: memref<8x768x768xf32, #tpu.memory_space<any>>, %arg8: memref<8x768x768xf32, #tpu.memory_space<any>>, %arg9: memref<256x768xf32, #tpu.memory_space<vmem>>, %arg10: memref<256x768xf32, #tpu.memory_space<vmem>>, %arg11: memref<256x768xf32, #tpu.memory_space<vmem>>, %arg12: memref<2x5x768x768xf32, #tpu.memory_space<vmem>>, %arg13: memref<!tpu.dma_semaphore, #tpu.memory_space<semaphore_mem>>, %arg14: memref<!tpu.dma_semaphore, #tpu.memory_space<semaphore_mem>>) attributes {dimension_semantics = [#tpu.dimension_semantics<arbitrary>], iteration_bounds = array<i64: 16>, scalar_prefetch = 1 : i64, scratch_operands = 3 : i64, tpu.core_type = #tpu.core_type<tc>, window_params = [{transform_indices = @transform_0, window_bounds = array<i64: 256, 768>}, {transform_indices = @transform_1, window_bounds = array<i64: 256, 128>}, {}, {}, {}, {}, {}, {transform_indices = @transform_7, window_bounds = array<i64: 256, 768>}, {transform_indices = @transform_8, window_bounds = array<i64: 256, 768>}, {transform_indices = @transform_9, window_bounds = array<i64: 256, 768>}]} {
    %get3A = arith.index_cast %arg0 : i32 to index
    %get3A_0 = memref.load %arg1[%get3A] : memref<512xi32, #tpu.memory_space<smem>>
    %add3A = arith.constant 128 : i32
    %add3A_1 = arith.addi %add3A, %arg0 : i32
    %get3A_2 = arith.index_cast %add3A_1 : i32 to index
    %get3A_3 = memref.load %arg1[%get3A_2] : memref<512xi32, #tpu.memory_space<smem>>
    %add3A_4 = arith.constant 256 : i32
    %add3A_5 = arith.addi %add3A_4, %arg0 : i32
    %get3A_6 = arith.index_cast %add3A_5 : i32 to index
    %get3A_7 = memref.load %arg1[%get3A_6] : memref<512xi32, #tpu.memory_space<smem>>
    %add3A_8 = arith.constant 384 : i32
    %add3A_9 = arith.addi %add3A_8, %arg0 : i32
    %get3A_10 = arith.index_cast %add3A_9 : i32 to index
    %get3A_11 = memref.load %arg1[%get3A_10] : memref<512xi32, #tpu.memory_space<smem>>
    %get3A_12 = arith.constant 16 : index
    %get3A_13 = memref.load %arg1[%get3A_12] : memref<512xi32, #tpu.memory_space<smem>>
    %eq3A = arith.constant 0 : i32
    %eq3A_14 = arith.cmpi eq, %arg0, %eq3A : i32
    %convert_element_type3A = arith.extui %eq3A_14 : i1 to i32
    %cond3A = arith.constant 0 : i32
    %cond3A_15 = arith.cmpi ne, %convert_element_type3A, %cond3A : i32
    scf.if %cond3A_15 {
      %dma_start3A = arith.constant 0 : i32
      %dma_start3A_19 = arith.constant 0 : i32
      %dma_start3A_20 = arith.constant 0 : i32
      %dma_start3A_21 = arith.constant 0 : i32
      %dma_start3A_22 = tpu.memref_slice %arg12[%dma_start3A, %dma_start3A_19, %dma_start3A_20, %dma_start3A_21] : memref<2x5x768x768xf32, #tpu.memory_space<vmem>> -> memref<1x1x768x768xf32, #tpu.memory_space<vmem>>
      %dma_start3A_23 = tpu.memref_squeeze %dma_start3A_22 : memref<1x1x768x768xf32, #tpu.memory_space<vmem>> -> memref<768x768xf32, #tpu.memory_space<vmem>>
      %dma_start3A_24 = arith.constant 0 : i32
      %dma_start3A_25 = arith.constant 0 : i32
      %dma_start3A_26 = tpu.memref_slice %arg4[%get3A_0, %dma_start3A_24, %dma_start3A_25] : memref<8x768x768xf32, #tpu.memory_space<any>> -> memref<1x768x768xf32, #tpu.memory_space<any>>
      %dma_start3A_27 = tpu.memref_squeeze %dma_start3A_26 : memref<1x768x768xf32, #tpu.memory_space<any>> -> memref<768x768xf32, #tpu.memory_space<any>>
      tpu.enqueue_dma source(%dma_start3A_27 : memref<768x768xf32, #tpu.memory_space<any>>) target(%dma_start3A_23 : memref<768x768xf32, #tpu.memory_space<vmem>>) target_semaphore(%arg13 : memref<!tpu.dma_semaphore, #tpu.memory_space<semaphore_mem>>)
      %dma_start3A_28 = arith.constant 0 : i32
      %dma_start3A_29 = arith.constant 1 : i32
      %dma_start3A_30 = arith.constant 0 : i32
      %dma_start3A_31 = arith.constant 0 : i32
      %dma_start3A_32 = tpu.memref_slice %arg12[%dma_start3A_28, %dma_start3A_29, %dma_start3A_30, %dma_start3A_31] : memref<2x5x768x768xf32, #tpu.memory_space<vmem>> -> memref<1x1x768x768xf32, #tpu.memory_space<vmem>>
      %dma_start3A_33 = tpu.memref_squeeze %dma_start3A_32 : memref<1x1x768x768xf32, #tpu.memory_space<vmem>> -> memref<768x768xf32, #tpu.memory_space<vmem>>
      %dma_start3A_34 = arith.constant 0 : i32
      %dma_start3A_35 = arith.constant 0 : i32
      %dma_start3A_36 = tpu.memref_slice %arg5[%get3A_0, %dma_start3A_34, %dma_start3A_35] : memref<8x768x768xf32, #tpu.memory_space<any>> -> memref<1x768x768xf32, #tpu.memory_space<any>>
      %dma_start3A_37 = tpu.memref_squeeze %dma_start3A_36 : memref<1x768x768xf32, #tpu.memory_space<any>> -> memref<768x768xf32, #tpu.memory_space<any>>
      tpu.enqueue_dma source(%dma_start3A_37 : memref<768x768xf32, #tpu.memory_space<any>>) target(%dma_start3A_33 : memref<768x768xf32, #tpu.memory_space<vmem>>) target_semaphore(%arg13 : memref<!tpu.dma_semaphore, #tpu.memory_space<semaphore_mem>>)
      %dma_start3A_38 = arith.constant 0 : i32
      %dma_start3A_39 = arith.constant 2 : i32
      %dma_start3A_40 = arith.constant 0 : i32
      %dma_start3A_41 = arith.constant 0 : i32
      %dma_start3A_42 = tpu.memref_slice %arg12[%dma_start3A_38, %dma_start3A_39, %dma_start3A_40, %dma_start3A_41] : memref<2x5x768x768xf32, #tpu.memory_space<vmem>> -> memref<1x1x768x768xf32, #tpu.memory_space<vmem>>
      %dma_start3A_43 = tpu.memref_squeeze %dma_start3A_42 : memref<1x1x768x768xf32, #tpu.memory_space<vmem>> -> memref<768x768xf32, #tpu.memory_space<vmem>>
      %dma_start3A_44 = arith.constant 0 : i32
      %dma_start3A_45 = arith.constant 0 : i32
      %dma_start3A_46 = tpu.memref_slice %arg6[%get3A_0, %dma_start3A_44, %dma_start3A_45] : memref<8x768x768xf32, #tpu.memory_space<any>> -> memref<1x768x768xf32, #tpu.memory_space<any>>
      %dma_start3A_47 = tpu.memref_squeeze %dma_start3A_46 : memref<1x768x768xf32, #tpu.memory_space<any>> -> memref<768x768xf32, #tpu.memory_space<any>>
      tpu.enqueue_dma source(%dma_start3A_47 : memref<768x768xf32, #tpu.memory_space<any>>) target(%dma_start3A_43 : memref<768x768xf32, #tpu.memory_space<vmem>>) target_semaphore(%arg13 : memref<!tpu.dma_semaphore, #tpu.memory_space<semaphore_mem>>)
      %dma_start3A_48 = arith.constant 0 : i32
      %dma_start3A_49 = arith.constant 3 : i32
      %dma_start3A_50 = arith.constant 0 : i32
      %dma_start3A_51 = arith.constant 0 : i32
      %dma_start3A_52 = tpu.memref_slice %arg12[%dma_start3A_48, %dma_start3A_49, %dma_start3A_50, %dma_start3A_51] : memref<2x5x768x768xf32, #tpu.memory_space<vmem>> -> memref<1x1x768x768xf32, #tpu.memory_space<vmem>>
      %dma_start3A_53 = tpu.memref_squeeze %dma_start3A_52 : memref<1x1x768x768xf32, #tpu.memory_space<vmem>> -> memref<768x768xf32, #tpu.memory_space<vmem>>
      %dma_start3A_54 = arith.constant 0 : i32
      %dma_start3A_55 = arith.constant 0 : i32
      %dma_start3A_56 = tpu.memref_slice %arg7[%get3A_0, %dma_start3A_54, %dma_start3A_55] : memref<8x768x768xf32, #tpu.memory_space<any>> -> memref<1x768x768xf32, #tpu.memory_space<any>>
      %dma_start3A_57 = tpu.memref_squeeze %dma_start3A_56 : memref<1x768x768xf32, #tpu.memory_space<any>> -> memref<768x768xf32, #tpu.memory_space<any>>
      tpu.enqueue_dma source(%dma_start3A_57 : memref<768x768xf32, #tpu.memory_space<any>>) target(%dma_start3A_53 : memref<768x768xf32, #tpu.memory_space<vmem>>) target_semaphore(%arg13 : memref<!tpu.dma_semaphore, #tpu.memory_space<semaphore_mem>>)
      %dma_start3A_58 = arith.constant 0 : i32
      %dma_start3A_59 = arith.constant 4 : i32
      %dma_start3A_60 = arith.constant 0 : i32
      %dma_start3A_61 = arith.constant 0 : i32
      %dma_start3A_62 = tpu.memref_slice %arg12[%dma_start3A_58, %dma_start3A_59, %dma_start3A_60, %dma_start3A_61] : memref<2x5x768x768xf32, #tpu.memory_space<vmem>> -> memref<1x1x768x768xf32, #tpu.memory_space<vmem>>
      %dma_start3A_63 = tpu.memref_squeeze %dma_start3A_62 : memref<1x1x768x768xf32, #tpu.memory_space<vmem>> -> memref<768x768xf32, #tpu.memory_space<vmem>>
      %dma_start3A_64 = arith.constant 0 : i32
      %dma_start3A_65 = arith.constant 0 : i32
      %dma_start3A_66 = tpu.memref_slice %arg8[%get3A_0, %dma_start3A_64, %dma_start3A_65] : memref<8x768x768xf32, #tpu.memory_space<any>> -> memref<1x768x768xf32, #tpu.memory_space<any>>
      %dma_start3A_67 = tpu.memref_squeeze %dma_start3A_66 : memref<1x768x768xf32, #tpu.memory_space<any>> -> memref<768x768xf32, #tpu.memory_space<any>>
      tpu.enqueue_dma source(%dma_start3A_67 : memref<768x768xf32, #tpu.memory_space<any>>) target(%dma_start3A_63 : memref<768x768xf32, #tpu.memory_space<vmem>>) target_semaphore(%arg13 : memref<!tpu.dma_semaphore, #tpu.memory_space<semaphore_mem>>)
    } else {
    }
    %lt3A = arith.cmpi slt, %arg0, %get3A_13 : i32
    %convert_element_type3A_16 = arith.extui %lt3A : i1 to i32
    %cond3A_17 = arith.constant 0 : i32
    %cond3A_18 = arith.cmpi ne, %convert_element_type3A_16, %cond3A_17 : i32
    scf.if %cond3A_18 {
      %eq3A_19 = arith.constant 1 : i32
      %eq3A_20 = arith.cmpi eq, %get3A_7, %eq3A_19 : i32
      %ge3A = arith.constant 0 : i32
      %ge3A_21 = arith.cmpi sge, %get3A_11, %ge3A : i32
      %and3A = arith.andi %eq3A_20, %ge3A_21 : i1
      %eq3A_22 = arith.constant 0 : i32
      %eq3A_23 = arith.cmpi eq, %get3A_3, %eq3A_22 : i32
      %and3A_24 = arith.andi %and3A, %eq3A_23 : i1
      %convert_element_type3A_25 = arith.extui %and3A_24 : i1 to i32
      %cond3A_26 = arith.constant 0 : i32
      %cond3A_27 = arith.cmpi ne, %convert_element_type3A_25, %cond3A_26 : i32
      scf.if %cond3A_27 {
        %dma_start3A = arith.constant 1 : i32
        %dma_start3A_179 = arith.constant 0 : i32
        %dma_start3A_180 = arith.constant 0 : i32
        %dma_start3A_181 = arith.constant 0 : i32
        %dma_start3A_182 = tpu.memref_slice %arg12[%dma_start3A, %dma_start3A_179, %dma_start3A_180, %dma_start3A_181] : memref<2x5x768x768xf32, #tpu.memory_space<vmem>> -> memref<1x1x768x768xf32, #tpu.memory_space<vmem>>
        %dma_start3A_183 = tpu.memref_squeeze %dma_start3A_182 : memref<1x1x768x768xf32, #tpu.memory_space<vmem>> -> memref<768x768xf32, #tpu.memory_space<vmem>>
        %dma_start3A_184 = arith.constant 0 : i32
        %dma_start3A_185 = arith.constant 0 : i32
        %dma_start3A_186 = tpu.memref_slice %arg4[%get3A_11, %dma_start3A_184, %dma_start3A_185] : memref<8x768x768xf32, #tpu.memory_space<any>> -> memref<1x768x768xf32, #tpu.memory_space<any>>
        %dma_start3A_187 = tpu.memref_squeeze %dma_start3A_186 : memref<1x768x768xf32, #tpu.memory_space<any>> -> memref<768x768xf32, #tpu.memory_space<any>>
        tpu.enqueue_dma source(%dma_start3A_187 : memref<768x768xf32, #tpu.memory_space<any>>) target(%dma_start3A_183 : memref<768x768xf32, #tpu.memory_space<vmem>>) target_semaphore(%arg14 : memref<!tpu.dma_semaphore, #tpu.memory_space<semaphore_mem>>)
        %dma_start3A_188 = arith.constant 1 : i32
        %dma_start3A_189 = arith.constant 1 : i32
        %dma_start3A_190 = arith.constant 0 : i32
        %dma_start3A_191 = arith.constant 0 : i32
        %dma_start3A_192 = tpu.memref_slice %arg12[%dma_start3A_188, %dma_start3A_189, %dma_start3A_190, %dma_start3A_191] : memref<2x5x768x768xf32, #tpu.memory_space<vmem>> -> memref<1x1x768x768xf32, #tpu.memory_space<vmem>>
        %dma_start3A_193 = tpu.memref_squeeze %dma_start3A_192 : memref<1x1x768x768xf32, #tpu.memory_space<vmem>> -> memref<768x768xf32, #tpu.memory_space<vmem>>
        %dma_start3A_194 = arith.constant 0 : i32
        %dma_start3A_195 = arith.constant 0 : i32
        %dma_start3A_196 = tpu.memref_slice %arg5[%get3A_11, %dma_start3A_194, %dma_start3A_195] : memref<8x768x768xf32, #tpu.memory_space<any>> -> memref<1x768x768xf32, #tpu.memory_space<any>>
        %dma_start3A_197 = tpu.memref_squeeze %dma_start3A_196 : memref<1x768x768xf32, #tpu.memory_space<any>> -> memref<768x768xf32, #tpu.memory_space<any>>
        tpu.enqueue_dma source(%dma_start3A_197 : memref<768x768xf32, #tpu.memory_space<any>>) target(%dma_start3A_193 : memref<768x768xf32, #tpu.memory_space<vmem>>) target_semaphore(%arg14 : memref<!tpu.dma_semaphore, #tpu.memory_space<semaphore_mem>>)
        %dma_start3A_198 = arith.constant 1 : i32
        %dma_start3A_199 = arith.constant 2 : i32
        %dma_start3A_200 = arith.constant 0 : i32
        %dma_start3A_201 = arith.constant 0 : i32
        %dma_start3A_202 = tpu.memref_slice %arg12[%dma_start3A_198, %dma_start3A_199, %dma_start3A_200, %dma_start3A_201] : memref<2x5x768x768xf32, #tpu.memory_space<vmem>> -> memref<1x1x768x768xf32, #tpu.memory_space<vmem>>
        %dma_start3A_203 = tpu.memref_squeeze %dma_start3A_202 : memref<1x1x768x768xf32, #tpu.memory_space<vmem>> -> memref<768x768xf32, #tpu.memory_space<vmem>>
        %dma_start3A_204 = arith.constant 0 : i32
        %dma_start3A_205 = arith.constant 0 : i32
        %dma_start3A_206 = tpu.memref_slice %arg6[%get3A_11, %dma_start3A_204, %dma_start3A_205] : memref<8x768x768xf32, #tpu.memory_space<any>> -> memref<1x768x768xf32, #tpu.memory_space<any>>
        %dma_start3A_207 = tpu.memref_squeeze %dma_start3A_206 : memref<1x768x768xf32, #tpu.memory_space<any>> -> memref<768x768xf32, #tpu.memory_space<any>>
        tpu.enqueue_dma source(%dma_start3A_207 : memref<768x768xf32, #tpu.memory_space<any>>) target(%dma_start3A_203 : memref<768x768xf32, #tpu.memory_space<vmem>>) target_semaphore(%arg14 : memref<!tpu.dma_semaphore, #tpu.memory_space<semaphore_mem>>)
        %dma_start3A_208 = arith.constant 1 : i32
        %dma_start3A_209 = arith.constant 3 : i32
        %dma_start3A_210 = arith.constant 0 : i32
        %dma_start3A_211 = arith.constant 0 : i32
        %dma_start3A_212 = tpu.memref_slice %arg12[%dma_start3A_208, %dma_start3A_209, %dma_start3A_210, %dma_start3A_211] : memref<2x5x768x768xf32, #tpu.memory_space<vmem>> -> memref<1x1x768x768xf32, #tpu.memory_space<vmem>>
        %dma_start3A_213 = tpu.memref_squeeze %dma_start3A_212 : memref<1x1x768x768xf32, #tpu.memory_space<vmem>> -> memref<768x768xf32, #tpu.memory_space<vmem>>
        %dma_start3A_214 = arith.constant 0 : i32
        %dma_start3A_215 = arith.constant 0 : i32
        %dma_start3A_216 = tpu.memref_slice %arg7[%get3A_11, %dma_start3A_214, %dma_start3A_215] : memref<8x768x768xf32, #tpu.memory_space<any>> -> memref<1x768x768xf32, #tpu.memory_space<any>>
        %dma_start3A_217 = tpu.memref_squeeze %dma_start3A_216 : memref<1x768x768xf32, #tpu.memory_space<any>> -> memref<768x768xf32, #tpu.memory_space<any>>
        tpu.enqueue_dma source(%dma_start3A_217 : memref<768x768xf32, #tpu.memory_space<any>>) target(%dma_start3A_213 : memref<768x768xf32, #tpu.memory_space<vmem>>) target_semaphore(%arg14 : memref<!tpu.dma_semaphore, #tpu.memory_space<semaphore_mem>>)
        %dma_start3A_218 = arith.constant 1 : i32
        %dma_start3A_219 = arith.constant 4 : i32
        %dma_start3A_220 = arith.constant 0 : i32
        %dma_start3A_221 = arith.constant 0 : i32
        %dma_start3A_222 = tpu.memref_slice %arg12[%dma_start3A_218, %dma_start3A_219, %dma_start3A_220, %dma_start3A_221] : memref<2x5x768x768xf32, #tpu.memory_space<vmem>> -> memref<1x1x768x768xf32, #tpu.memory_space<vmem>>
        %dma_start3A_223 = tpu.memref_squeeze %dma_start3A_222 : memref<1x1x768x768xf32, #tpu.memory_space<vmem>> -> memref<768x768xf32, #tpu.memory_space<vmem>>
        %dma_start3A_224 = arith.constant 0 : i32
        %dma_start3A_225 = arith.constant 0 : i32
        %dma_start3A_226 = tpu.memref_slice %arg8[%get3A_11, %dma_start3A_224, %dma_start3A_225] : memref<8x768x768xf32, #tpu.memory_space<any>> -> memref<1x768x768xf32, #tpu.memory_space<any>>
        %dma_start3A_227 = tpu.memref_squeeze %dma_start3A_226 : memref<1x768x768xf32, #tpu.memory_space<any>> -> memref<768x768xf32, #tpu.memory_space<any>>
        tpu.enqueue_dma source(%dma_start3A_227 : memref<768x768xf32, #tpu.memory_space<any>>) target(%dma_start3A_223 : memref<768x768xf32, #tpu.memory_space<vmem>>) target_semaphore(%arg14 : memref<!tpu.dma_semaphore, #tpu.memory_space<semaphore_mem>>)
      } else {
      }
      %eq3A_28 = arith.constant 1 : i32
      %eq3A_29 = arith.cmpi eq, %get3A_7, %eq3A_28 : i32
      %ge3A_30 = arith.constant 0 : i32
      %ge3A_31 = arith.cmpi sge, %get3A_11, %ge3A_30 : i32
      %and3A_32 = arith.andi %eq3A_29, %ge3A_31 : i1
      %eq3A_33 = arith.constant 1 : i32
      %eq3A_34 = arith.cmpi eq, %get3A_3, %eq3A_33 : i32
      %and3A_35 = arith.andi %and3A_32, %eq3A_34 : i1
      %convert_element_type3A_36 = arith.extui %and3A_35 : i1 to i32
      %cond3A_37 = arith.constant 0 : i32
      %cond3A_38 = arith.cmpi ne, %convert_element_type3A_36, %cond3A_37 : i32
      scf.if %cond3A_38 {
        %dma_start3A = arith.constant 0 : i32
        %dma_start3A_179 = arith.constant 0 : i32
        %dma_start3A_180 = arith.constant 0 : i32
        %dma_start3A_181 = arith.constant 0 : i32
        %dma_start3A_182 = tpu.memref_slice %arg12[%dma_start3A, %dma_start3A_179, %dma_start3A_180, %dma_start3A_181] : memref<2x5x768x768xf32, #tpu.memory_space<vmem>> -> memref<1x1x768x768xf32, #tpu.memory_space<vmem>>
        %dma_start3A_183 = tpu.memref_squeeze %dma_start3A_182 : memref<1x1x768x768xf32, #tpu.memory_space<vmem>> -> memref<768x768xf32, #tpu.memory_space<vmem>>
        %dma_start3A_184 = arith.constant 0 : i32
        %dma_start3A_185 = arith.constant 0 : i32
        %dma_start3A_186 = tpu.memref_slice %arg4[%get3A_11, %dma_start3A_184, %dma_start3A_185] : memref<8x768x768xf32, #tpu.memory_space<any>> -> memref<1x768x768xf32, #tpu.memory_space<any>>
        %dma_start3A_187 = tpu.memref_squeeze %dma_start3A_186 : memref<1x768x768xf32, #tpu.memory_space<any>> -> memref<768x768xf32, #tpu.memory_space<any>>
        tpu.enqueue_dma source(%dma_start3A_187 : memref<768x768xf32, #tpu.memory_space<any>>) target(%dma_start3A_183 : memref<768x768xf32, #tpu.memory_space<vmem>>) target_semaphore(%arg13 : memref<!tpu.dma_semaphore, #tpu.memory_space<semaphore_mem>>)
        %dma_start3A_188 = arith.constant 0 : i32
        %dma_start3A_189 = arith.constant 1 : i32
        %dma_start3A_190 = arith.constant 0 : i32
        %dma_start3A_191 = arith.constant 0 : i32
        %dma_start3A_192 = tpu.memref_slice %arg12[%dma_start3A_188, %dma_start3A_189, %dma_start3A_190, %dma_start3A_191] : memref<2x5x768x768xf32, #tpu.memory_space<vmem>> -> memref<1x1x768x768xf32, #tpu.memory_space<vmem>>
        %dma_start3A_193 = tpu.memref_squeeze %dma_start3A_192 : memref<1x1x768x768xf32, #tpu.memory_space<vmem>> -> memref<768x768xf32, #tpu.memory_space<vmem>>
        %dma_start3A_194 = arith.constant 0 : i32
        %dma_start3A_195 = arith.constant 0 : i32
        %dma_start3A_196 = tpu.memref_slice %arg5[%get3A_11, %dma_start3A_194, %dma_start3A_195] : memref<8x768x768xf32, #tpu.memory_space<any>> -> memref<1x768x768xf32, #tpu.memory_space<any>>
        %dma_start3A_197 = tpu.memref_squeeze %dma_start3A_196 : memref<1x768x768xf32, #tpu.memory_space<any>> -> memref<768x768xf32, #tpu.memory_space<any>>
        tpu.enqueue_dma source(%dma_start3A_197 : memref<768x768xf32, #tpu.memory_space<any>>) target(%dma_start3A_193 : memref<768x768xf32, #tpu.memory_space<vmem>>) target_semaphore(%arg13 : memref<!tpu.dma_semaphore, #tpu.memory_space<semaphore_mem>>)
        %dma_start3A_198 = arith.constant 0 : i32
        %dma_start3A_199 = arith.constant 2 : i32
        %dma_start3A_200 = arith.constant 0 : i32
        %dma_start3A_201 = arith.constant 0 : i32
        %dma_start3A_202 = tpu.memref_slice %arg12[%dma_start3A_198, %dma_start3A_199, %dma_start3A_200, %dma_start3A_201] : memref<2x5x768x768xf32, #tpu.memory_space<vmem>> -> memref<1x1x768x768xf32, #tpu.memory_space<vmem>>
        %dma_start3A_203 = tpu.memref_squeeze %dma_start3A_202 : memref<1x1x768x768xf32, #tpu.memory_space<vmem>> -> memref<768x768xf32, #tpu.memory_space<vmem>>
        %dma_start3A_204 = arith.constant 0 : i32
        %dma_start3A_205 = arith.constant 0 : i32
        %dma_start3A_206 = tpu.memref_slice %arg6[%get3A_11, %dma_start3A_204, %dma_start3A_205] : memref<8x768x768xf32, #tpu.memory_space<any>> -> memref<1x768x768xf32, #tpu.memory_space<any>>
        %dma_start3A_207 = tpu.memref_squeeze %dma_start3A_206 : memref<1x768x768xf32, #tpu.memory_space<any>> -> memref<768x768xf32, #tpu.memory_space<any>>
        tpu.enqueue_dma source(%dma_start3A_207 : memref<768x768xf32, #tpu.memory_space<any>>) target(%dma_start3A_203 : memref<768x768xf32, #tpu.memory_space<vmem>>) target_semaphore(%arg13 : memref<!tpu.dma_semaphore, #tpu.memory_space<semaphore_mem>>)
        %dma_start3A_208 = arith.constant 0 : i32
        %dma_start3A_209 = arith.constant 3 : i32
        %dma_start3A_210 = arith.constant 0 : i32
        %dma_start3A_211 = arith.constant 0 : i32
        %dma_start3A_212 = tpu.memref_slice %arg12[%dma_start3A_208, %dma_start3A_209, %dma_start3A_210, %dma_start3A_211] : memref<2x5x768x768xf32, #tpu.memory_space<vmem>> -> memref<1x1x768x768xf32, #tpu.memory_space<vmem>>
        %dma_start3A_213 = tpu.memref_squeeze %dma_start3A_212 : memref<1x1x768x768xf32, #tpu.memory_space<vmem>> -> memref<768x768xf32, #tpu.memory_space<vmem>>
        %dma_start3A_214 = arith.constant 0 : i32
        %dma_start3A_215 = arith.constant 0 : i32
        %dma_start3A_216 = tpu.memref_slice %arg7[%get3A_11, %dma_start3A_214, %dma_start3A_215] : memref<8x768x768xf32, #tpu.memory_space<any>> -> memref<1x768x768xf32, #tpu.memory_space<any>>
        %dma_start3A_217 = tpu.memref_squeeze %dma_start3A_216 : memref<1x768x768xf32, #tpu.memory_space<any>> -> memref<768x768xf32, #tpu.memory_space<any>>
        tpu.enqueue_dma source(%dma_start3A_217 : memref<768x768xf32, #tpu.memory_space<any>>) target(%dma_start3A_213 : memref<768x768xf32, #tpu.memory_space<vmem>>) target_semaphore(%arg13 : memref<!tpu.dma_semaphore, #tpu.memory_space<semaphore_mem>>)
        %dma_start3A_218 = arith.constant 0 : i32
        %dma_start3A_219 = arith.constant 4 : i32
        %dma_start3A_220 = arith.constant 0 : i32
        %dma_start3A_221 = arith.constant 0 : i32
        %dma_start3A_222 = tpu.memref_slice %arg12[%dma_start3A_218, %dma_start3A_219, %dma_start3A_220, %dma_start3A_221] : memref<2x5x768x768xf32, #tpu.memory_space<vmem>> -> memref<1x1x768x768xf32, #tpu.memory_space<vmem>>
        %dma_start3A_223 = tpu.memref_squeeze %dma_start3A_222 : memref<1x1x768x768xf32, #tpu.memory_space<vmem>> -> memref<768x768xf32, #tpu.memory_space<vmem>>
        %dma_start3A_224 = arith.constant 0 : i32
        %dma_start3A_225 = arith.constant 0 : i32
        %dma_start3A_226 = tpu.memref_slice %arg8[%get3A_11, %dma_start3A_224, %dma_start3A_225] : memref<8x768x768xf32, #tpu.memory_space<any>> -> memref<1x768x768xf32, #tpu.memory_space<any>>
        %dma_start3A_227 = tpu.memref_squeeze %dma_start3A_226 : memref<1x768x768xf32, #tpu.memory_space<any>> -> memref<768x768xf32, #tpu.memory_space<any>>
        tpu.enqueue_dma source(%dma_start3A_227 : memref<768x768xf32, #tpu.memory_space<any>>) target(%dma_start3A_223 : memref<768x768xf32, #tpu.memory_space<vmem>>) target_semaphore(%arg13 : memref<!tpu.dma_semaphore, #tpu.memory_space<semaphore_mem>>)
      } else {
      }
      %get3A_39 = arith.constant 0 : index
      %get3A_40 = arith.constant 0 : index
      %get3A_41 = vector.load %arg3[%get3A_39, %get3A_40] : memref<256x128xf32, #tpu.memory_space<vmem>>, vector<256x1xf32>
      %eq3A_42 = arith.constant 1 : i32
      %eq3A_43 = arith.cmpi eq, %get3A_7, %eq3A_42 : i32
      %eq3A_44 = arith.constant 0 : i32
      %eq3A_45 = arith.cmpi eq, %get3A_3, %eq3A_44 : i32
      %and3A_46 = arith.andi %eq3A_43, %eq3A_45 : i1
      %convert_element_type3A_47 = arith.extui %and3A_46 : i1 to i32
      %cond3A_48 = arith.constant 0 : i32
      %cond3A_49 = arith.cmpi ne, %convert_element_type3A_47, %cond3A_48 : i32
      scf.if %cond3A_49 {
        %dma_wait3A = arith.constant 0 : i32
        %dma_wait3A_179 = arith.constant 0 : i32
        %dma_wait3A_180 = arith.constant 0 : i32
        %dma_wait3A_181 = arith.constant 0 : i32
        %dma_wait3A_182 = arith.constant 0 : i32
        %dma_wait3A_183 = tpu.memref_slice %arg12[%dma_wait3A_179, %dma_wait3A_180, %dma_wait3A_181, %dma_wait3A_182] : memref<2x5x768x768xf32, #tpu.memory_space<vmem>> -> memref<1x1x768x768xf32, #tpu.memory_space<vmem>>
        %dma_wait3A_184 = tpu.memref_squeeze %dma_wait3A_183 : memref<1x1x768x768xf32, #tpu.memory_space<vmem>> -> memref<768x768xf32, #tpu.memory_space<vmem>>
        %dma_wait3A_185 = arith.constant 0 : i32
        %dma_wait3A_186 = arith.constant 0 : i32
        %dma_wait3A_187 = tpu.memref_slice %arg4[%dma_wait3A, %dma_wait3A_185, %dma_wait3A_186] : memref<8x768x768xf32, #tpu.memory_space<any>> -> memref<1x768x768xf32, #tpu.memory_space<any>>
        %dma_wait3A_188 = tpu.memref_squeeze %dma_wait3A_187 : memref<1x768x768xf32, #tpu.memory_space<any>> -> memref<768x768xf32, #tpu.memory_space<any>>
        tpu.wait_dma2 semaphore(%arg13 : memref<!tpu.dma_semaphore, #tpu.memory_space<semaphore_mem>>) src(%dma_wait3A_188 : memref<768x768xf32, #tpu.memory_space<any>>) dst(%dma_wait3A_184 : memref<768x768xf32, #tpu.memory_space<vmem>>)
      } else {
      }
      %eq3A_50 = arith.constant 1 : i32
      %eq3A_51 = arith.cmpi eq, %get3A_7, %eq3A_50 : i32
      %eq3A_52 = arith.constant 1 : i32
      %eq3A_53 = arith.cmpi eq, %get3A_3, %eq3A_52 : i32
      %and3A_54 = arith.andi %eq3A_51, %eq3A_53 : i1
      %convert_element_type3A_55 = arith.extui %and3A_54 : i1 to i32
      %cond3A_56 = arith.constant 0 : i32
      %cond3A_57 = arith.cmpi ne, %convert_element_type3A_55, %cond3A_56 : i32
      scf.if %cond3A_57 {
        %dma_wait3A = arith.constant 0 : i32
        %dma_wait3A_179 = arith.constant 1 : i32
        %dma_wait3A_180 = arith.constant 0 : i32
        %dma_wait3A_181 = arith.constant 0 : i32
        %dma_wait3A_182 = arith.constant 0 : i32
        %dma_wait3A_183 = tpu.memref_slice %arg12[%dma_wait3A_179, %dma_wait3A_180, %dma_wait3A_181, %dma_wait3A_182] : memref<2x5x768x768xf32, #tpu.memory_space<vmem>> -> memref<1x1x768x768xf32, #tpu.memory_space<vmem>>
        %dma_wait3A_184 = tpu.memref_squeeze %dma_wait3A_183 : memref<1x1x768x768xf32, #tpu.memory_space<vmem>> -> memref<768x768xf32, #tpu.memory_space<vmem>>
        %dma_wait3A_185 = arith.constant 0 : i32
        %dma_wait3A_186 = arith.constant 0 : i32
        %dma_wait3A_187 = tpu.memref_slice %arg4[%dma_wait3A, %dma_wait3A_185, %dma_wait3A_186] : memref<8x768x768xf32, #tpu.memory_space<any>> -> memref<1x768x768xf32, #tpu.memory_space<any>>
        %dma_wait3A_188 = tpu.memref_squeeze %dma_wait3A_187 : memref<1x768x768xf32, #tpu.memory_space<any>> -> memref<768x768xf32, #tpu.memory_space<any>>
        tpu.wait_dma2 semaphore(%arg14 : memref<!tpu.dma_semaphore, #tpu.memory_space<semaphore_mem>>) src(%dma_wait3A_188 : memref<768x768xf32, #tpu.memory_space<any>>) dst(%dma_wait3A_184 : memref<768x768xf32, #tpu.memory_space<vmem>>)
      } else {
      }
      %get3A_58 = arith.constant 0 : index
      %get3A_59 = arith.constant 0 : index
      %get3A_60 = vector.load %arg2[%get3A_58, %get3A_59] : memref<256x768xf32, #tpu.memory_space<vmem>>, vector<256x768xf32>
      %get3A_61 = arith.index_cast %get3A_3 : i32 to index
      %get3A_62 = arith.constant 0 : index
      %get3A_63 = arith.constant 0 : index
      %get3A_64 = arith.constant 0 : index
      %get3A_65 = vector.load %arg12[%get3A_61, %get3A_62, %get3A_63, %get3A_64] : memref<2x5x768x768xf32, #tpu.memory_space<vmem>>, vector<1x1x768x768xf32>
      %get3A_66 = vector.shape_cast %get3A_65 : vector<1x1x768x768xf32> to vector<768x768xf32>
      %dot_general3A = arith.constant dense<0.000000e+00> : vector<256x768xf32>
      %dot_general3A_67 = tpu.matmul %get3A_60, %get3A_66, %dot_general3A {dimension_numbers = #tpu.dot_dimension_numbers<[1], [0], [0], [1], [0, 0, 1, 1], [], []>, transpose_lhs_hint = false} : vector<256x768xf32>, vector<768x768xf32>, vector<256x768xf32> -> vector<256x768xf32>
      %max3A = arith.constant 0.000000e+00 : f32
      %max3A_68 = vector.broadcast %max3A : f32 to vector<256x768xf32>
      %max3A_69 = arith.maximumf %dot_general3A_67, %max3A_68 : vector<256x768xf32>
      %eq3A_70 = arith.constant 1 : i32
      %eq3A_71 = arith.cmpi eq, %get3A_7, %eq3A_70 : i32
      %eq3A_72 = arith.constant 0 : i32
      %eq3A_73 = arith.cmpi eq, %get3A_3, %eq3A_72 : i32
      %and3A_74 = arith.andi %eq3A_71, %eq3A_73 : i1
      %convert_element_type3A_75 = arith.extui %and3A_74 : i1 to i32
      %cond3A_76 = arith.constant 0 : i32
      %cond3A_77 = arith.cmpi ne, %convert_element_type3A_75, %cond3A_76 : i32
      scf.if %cond3A_77 {
        %dma_wait3A = arith.constant 0 : i32
        %dma_wait3A_179 = arith.constant 0 : i32
        %dma_wait3A_180 = arith.constant 1 : i32
        %dma_wait3A_181 = arith.constant 0 : i32
        %dma_wait3A_182 = arith.constant 0 : i32
        %dma_wait3A_183 = tpu.memref_slice %arg12[%dma_wait3A_179, %dma_wait3A_180, %dma_wait3A_181, %dma_wait3A_182] : memref<2x5x768x768xf32, #tpu.memory_space<vmem>> -> memref<1x1x768x768xf32, #tpu.memory_space<vmem>>
        %dma_wait3A_184 = tpu.memref_squeeze %dma_wait3A_183 : memref<1x1x768x768xf32, #tpu.memory_space<vmem>> -> memref<768x768xf32, #tpu.memory_space<vmem>>
        %dma_wait3A_185 = arith.constant 0 : i32
        %dma_wait3A_186 = arith.constant 0 : i32
        %dma_wait3A_187 = tpu.memref_slice %arg5[%dma_wait3A, %dma_wait3A_185, %dma_wait3A_186] : memref<8x768x768xf32, #tpu.memory_space<any>> -> memref<1x768x768xf32, #tpu.memory_space<any>>
        %dma_wait3A_188 = tpu.memref_squeeze %dma_wait3A_187 : memref<1x768x768xf32, #tpu.memory_space<any>> -> memref<768x768xf32, #tpu.memory_space<any>>
        tpu.wait_dma2 semaphore(%arg13 : memref<!tpu.dma_semaphore, #tpu.memory_space<semaphore_mem>>) src(%dma_wait3A_188 : memref<768x768xf32, #tpu.memory_space<any>>) dst(%dma_wait3A_184 : memref<768x768xf32, #tpu.memory_space<vmem>>)
      } else {
      }
      %eq3A_78 = arith.constant 1 : i32
      %eq3A_79 = arith.cmpi eq, %get3A_7, %eq3A_78 : i32
      %eq3A_80 = arith.constant 1 : i32
      %eq3A_81 = arith.cmpi eq, %get3A_3, %eq3A_80 : i32
      %and3A_82 = arith.andi %eq3A_79, %eq3A_81 : i1
      %convert_element_type3A_83 = arith.extui %and3A_82 : i1 to i32
      %cond3A_84 = arith.constant 0 : i32
      %cond3A_85 = arith.cmpi ne, %convert_element_type3A_83, %cond3A_84 : i32
      scf.if %cond3A_85 {
        %dma_wait3A = arith.constant 0 : i32
        %dma_wait3A_179 = arith.constant 1 : i32
        %dma_wait3A_180 = arith.constant 1 : i32
        %dma_wait3A_181 = arith.constant 0 : i32
        %dma_wait3A_182 = arith.constant 0 : i32
        %dma_wait3A_183 = tpu.memref_slice %arg12[%dma_wait3A_179, %dma_wait3A_180, %dma_wait3A_181, %dma_wait3A_182] : memref<2x5x768x768xf32, #tpu.memory_space<vmem>> -> memref<1x1x768x768xf32, #tpu.memory_space<vmem>>
        %dma_wait3A_184 = tpu.memref_squeeze %dma_wait3A_183 : memref<1x1x768x768xf32, #tpu.memory_space<vmem>> -> memref<768x768xf32, #tpu.memory_space<vmem>>
        %dma_wait3A_185 = arith.constant 0 : i32
        %dma_wait3A_186 = arith.constant 0 : i32
        %dma_wait3A_187 = tpu.memref_slice %arg5[%dma_wait3A, %dma_wait3A_185, %dma_wait3A_186] : memref<8x768x768xf32, #tpu.memory_space<any>> -> memref<1x768x768xf32, #tpu.memory_space<any>>
        %dma_wait3A_188 = tpu.memref_squeeze %dma_wait3A_187 : memref<1x768x768xf32, #tpu.memory_space<any>> -> memref<768x768xf32, #tpu.memory_space<any>>
        tpu.wait_dma2 semaphore(%arg14 : memref<!tpu.dma_semaphore, #tpu.memory_space<semaphore_mem>>) src(%dma_wait3A_188 : memref<768x768xf32, #tpu.memory_space<any>>) dst(%dma_wait3A_184 : memref<768x768xf32, #tpu.memory_space<vmem>>)
      } else {
      }
      %get3A_86 = arith.index_cast %get3A_3 : i32 to index
      %get3A_87 = arith.constant 1 : index
      %get3A_88 = arith.constant 0 : index
      %get3A_89 = arith.constant 0 : index
      %get3A_90 = vector.load %arg12[%get3A_86, %get3A_87, %get3A_88, %get3A_89] : memref<2x5x768x768xf32, #tpu.memory_space<vmem>>, vector<1x1x768x768xf32>
      %get3A_91 = vector.shape_cast %get3A_90 : vector<1x1x768x768xf32> to vector<768x768xf32>
      %dot_general3A_92 = arith.constant dense<0.000000e+00> : vector<256x768xf32>
      %dot_general3A_93 = tpu.matmul %max3A_69, %get3A_91, %dot_general3A_92 {dimension_numbers = #tpu.dot_dimension_numbers<[1], [0], [0], [1], [0, 0, 1, 1], [], []>, transpose_lhs_hint = false} : vector<256x768xf32>, vector<768x768xf32>, vector<256x768xf32> -> vector<256x768xf32>
      %eq3A_94 = arith.constant 1 : i32
      %eq3A_95 = arith.cmpi eq, %get3A_7, %eq3A_94 : i32
      %eq3A_96 = arith.constant 0 : i32
      %eq3A_97 = arith.cmpi eq, %get3A_3, %eq3A_96 : i32
      %and3A_98 = arith.andi %eq3A_95, %eq3A_97 : i1
      %convert_element_type3A_99 = arith.extui %and3A_98 : i1 to i32
      %cond3A_100 = arith.constant 0 : i32
      %cond3A_101 = arith.cmpi ne, %convert_element_type3A_99, %cond3A_100 : i32
      scf.if %cond3A_101 {
        %dma_wait3A = arith.constant 0 : i32
        %dma_wait3A_179 = arith.constant 0 : i32
        %dma_wait3A_180 = arith.constant 2 : i32
        %dma_wait3A_181 = arith.constant 0 : i32
        %dma_wait3A_182 = arith.constant 0 : i32
        %dma_wait3A_183 = tpu.memref_slice %arg12[%dma_wait3A_179, %dma_wait3A_180, %dma_wait3A_181, %dma_wait3A_182] : memref<2x5x768x768xf32, #tpu.memory_space<vmem>> -> memref<1x1x768x768xf32, #tpu.memory_space<vmem>>
        %dma_wait3A_184 = tpu.memref_squeeze %dma_wait3A_183 : memref<1x1x768x768xf32, #tpu.memory_space<vmem>> -> memref<768x768xf32, #tpu.memory_space<vmem>>
        %dma_wait3A_185 = arith.constant 0 : i32
        %dma_wait3A_186 = arith.constant 0 : i32
        %dma_wait3A_187 = tpu.memref_slice %arg6[%dma_wait3A, %dma_wait3A_185, %dma_wait3A_186] : memref<8x768x768xf32, #tpu.memory_space<any>> -> memref<1x768x768xf32, #tpu.memory_space<any>>
        %dma_wait3A_188 = tpu.memref_squeeze %dma_wait3A_187 : memref<1x768x768xf32, #tpu.memory_space<any>> -> memref<768x768xf32, #tpu.memory_space<any>>
        tpu.wait_dma2 semaphore(%arg13 : memref<!tpu.dma_semaphore, #tpu.memory_space<semaphore_mem>>) src(%dma_wait3A_188 : memref<768x768xf32, #tpu.memory_space<any>>) dst(%dma_wait3A_184 : memref<768x768xf32, #tpu.memory_space<vmem>>)
      } else {
      }
      %eq3A_102 = arith.constant 1 : i32
      %eq3A_103 = arith.cmpi eq, %get3A_7, %eq3A_102 : i32
      %eq3A_104 = arith.constant 1 : i32
      %eq3A_105 = arith.cmpi eq, %get3A_3, %eq3A_104 : i32
      %and3A_106 = arith.andi %eq3A_103, %eq3A_105 : i1
      %convert_element_type3A_107 = arith.extui %and3A_106 : i1 to i32
      %cond3A_108 = arith.constant 0 : i32
      %cond3A_109 = arith.cmpi ne, %convert_element_type3A_107, %cond3A_108 : i32
      scf.if %cond3A_109 {
        %dma_wait3A = arith.constant 0 : i32
        %dma_wait3A_179 = arith.constant 1 : i32
        %dma_wait3A_180 = arith.constant 2 : i32
        %dma_wait3A_181 = arith.constant 0 : i32
        %dma_wait3A_182 = arith.constant 0 : i32
        %dma_wait3A_183 = tpu.memref_slice %arg12[%dma_wait3A_179, %dma_wait3A_180, %dma_wait3A_181, %dma_wait3A_182] : memref<2x5x768x768xf32, #tpu.memory_space<vmem>> -> memref<1x1x768x768xf32, #tpu.memory_space<vmem>>
        %dma_wait3A_184 = tpu.memref_squeeze %dma_wait3A_183 : memref<1x1x768x768xf32, #tpu.memory_space<vmem>> -> memref<768x768xf32, #tpu.memory_space<vmem>>
        %dma_wait3A_185 = arith.constant 0 : i32
        %dma_wait3A_186 = arith.constant 0 : i32
        %dma_wait3A_187 = tpu.memref_slice %arg6[%dma_wait3A, %dma_wait3A_185, %dma_wait3A_186] : memref<8x768x768xf32, #tpu.memory_space<any>> -> memref<1x768x768xf32, #tpu.memory_space<any>>
        %dma_wait3A_188 = tpu.memref_squeeze %dma_wait3A_187 : memref<1x768x768xf32, #tpu.memory_space<any>> -> memref<768x768xf32, #tpu.memory_space<any>>
        tpu.wait_dma2 semaphore(%arg14 : memref<!tpu.dma_semaphore, #tpu.memory_space<semaphore_mem>>) src(%dma_wait3A_188 : memref<768x768xf32, #tpu.memory_space<any>>) dst(%dma_wait3A_184 : memref<768x768xf32, #tpu.memory_space<vmem>>)
      } else {
      }
      %get3A_110 = arith.index_cast %get3A_3 : i32 to index
      %get3A_111 = arith.constant 2 : index
      %get3A_112 = arith.constant 0 : index
      %get3A_113 = arith.constant 0 : index
      %get3A_114 = vector.load %arg12[%get3A_110, %get3A_111, %get3A_112, %get3A_113] : memref<2x5x768x768xf32, #tpu.memory_space<vmem>>, vector<1x1x768x768xf32>
      %get3A_115 = vector.shape_cast %get3A_114 : vector<1x1x768x768xf32> to vector<768x768xf32>
      %dot_general3A_116 = arith.constant dense<0.000000e+00> : vector<256x768xf32>
      %dot_general3A_117 = tpu.matmul %dot_general3A_93, %get3A_115, %dot_general3A_116 {dimension_numbers = #tpu.dot_dimension_numbers<[1], [0], [0], [1], [0, 0, 1, 1], [], []>, transpose_lhs_hint = false} : vector<256x768xf32>, vector<768x768xf32>, vector<256x768xf32> -> vector<256x768xf32>
      %mul3A = vector.broadcast %get3A_41 : vector<256x1xf32> to vector<256x768xf32>
      %mul3A_118 = arith.mulf %dot_general3A_117, %mul3A : vector<256x768xf32>
      %swap3A = arith.constant 0 : index
      %swap3A_119 = arith.constant 0 : index
      %swap3A_120 = vector.load %arg9[%swap3A, %swap3A_119] : memref<256x768xf32, #tpu.memory_space<vmem>>, vector<256x768xf32>
      tpu.vector_store %arg9[%swap3A, %swap3A_119], %mul3A_118 {strides = array<i32>} : memref<256x768xf32, #tpu.memory_space<vmem>>, vector<256x768xf32>,
      %eq3A_121 = arith.constant 1 : i32
      %eq3A_122 = arith.cmpi eq, %get3A_7, %eq3A_121 : i32
      %eq3A_123 = arith.constant 0 : i32
      %eq3A_124 = arith.cmpi eq, %get3A_3, %eq3A_123 : i32
      %and3A_125 = arith.andi %eq3A_122, %eq3A_124 : i1
      %convert_element_type3A_126 = arith.extui %and3A_125 : i1 to i32
      %cond3A_127 = arith.constant 0 : i32
      %cond3A_128 = arith.cmpi ne, %convert_element_type3A_126, %cond3A_127 : i32
      scf.if %cond3A_128 {
        %dma_wait3A = arith.constant 0 : i32
        %dma_wait3A_179 = arith.constant 0 : i32
        %dma_wait3A_180 = arith.constant 3 : i32
        %dma_wait3A_181 = arith.constant 0 : i32
        %dma_wait3A_182 = arith.constant 0 : i32
        %dma_wait3A_183 = tpu.memref_slice %arg12[%dma_wait3A_179, %dma_wait3A_180, %dma_wait3A_181, %dma_wait3A_182] : memref<2x5x768x768xf32, #tpu.memory_space<vmem>> -> memref<1x1x768x768xf32, #tpu.memory_space<vmem>>
        %dma_wait3A_184 = tpu.memref_squeeze %dma_wait3A_183 : memref<1x1x768x768xf32, #tpu.memory_space<vmem>> -> memref<768x768xf32, #tpu.memory_space<vmem>>
        %dma_wait3A_185 = arith.constant 0 : i32
        %dma_wait3A_186 = arith.constant 0 : i32
        %dma_wait3A_187 = tpu.memref_slice %arg7[%dma_wait3A, %dma_wait3A_185, %dma_wait3A_186] : memref<8x768x768xf32, #tpu.memory_space<any>> -> memref<1x768x768xf32, #tpu.memory_space<any>>
        %dma_wait3A_188 = tpu.memref_squeeze %dma_wait3A_187 : memref<1x768x768xf32, #tpu.memory_space<any>> -> memref<768x768xf32, #tpu.memory_space<any>>
        tpu.wait_dma2 semaphore(%arg13 : memref<!tpu.dma_semaphore, #tpu.memory_space<semaphore_mem>>) src(%dma_wait3A_188 : memref<768x768xf32, #tpu.memory_space<any>>) dst(%dma_wait3A_184 : memref<768x768xf32, #tpu.memory_space<vmem>>)
      } else {
      }
      %eq3A_129 = arith.constant 1 : i32
      %eq3A_130 = arith.cmpi eq, %get3A_7, %eq3A_129 : i32
      %eq3A_131 = arith.constant 1 : i32
      %eq3A_132 = arith.cmpi eq, %get3A_3, %eq3A_131 : i32
      %and3A_133 = arith.andi %eq3A_130, %eq3A_132 : i1
      %convert_element_type3A_134 = arith.extui %and3A_133 : i1 to i32
      %cond3A_135 = arith.constant 0 : i32
      %cond3A_136 = arith.cmpi ne, %convert_element_type3A_134, %cond3A_135 : i32
      scf.if %cond3A_136 {
        %dma_wait3A = arith.constant 0 : i32
        %dma_wait3A_179 = arith.constant 1 : i32
        %dma_wait3A_180 = arith.constant 3 : i32
        %dma_wait3A_181 = arith.constant 0 : i32
        %dma_wait3A_182 = arith.constant 0 : i32
        %dma_wait3A_183 = tpu.memref_slice %arg12[%dma_wait3A_179, %dma_wait3A_180, %dma_wait3A_181, %dma_wait3A_182] : memref<2x5x768x768xf32, #tpu.memory_space<vmem>> -> memref<1x1x768x768xf32, #tpu.memory_space<vmem>>
        %dma_wait3A_184 = tpu.memref_squeeze %dma_wait3A_183 : memref<1x1x768x768xf32, #tpu.memory_space<vmem>> -> memref<768x768xf32, #tpu.memory_space<vmem>>
        %dma_wait3A_185 = arith.constant 0 : i32
        %dma_wait3A_186 = arith.constant 0 : i32
        %dma_wait3A_187 = tpu.memref_slice %arg7[%dma_wait3A, %dma_wait3A_185, %dma_wait3A_186] : memref<8x768x768xf32, #tpu.memory_space<any>> -> memref<1x768x768xf32, #tpu.memory_space<any>>
        %dma_wait3A_188 = tpu.memref_squeeze %dma_wait3A_187 : memref<1x768x768xf32, #tpu.memory_space<any>> -> memref<768x768xf32, #tpu.memory_space<any>>
        tpu.wait_dma2 semaphore(%arg14 : memref<!tpu.dma_semaphore, #tpu.memory_space<semaphore_mem>>) src(%dma_wait3A_188 : memref<768x768xf32, #tpu.memory_space<any>>) dst(%dma_wait3A_184 : memref<768x768xf32, #tpu.memory_space<vmem>>)
      } else {
      }
      %get3A_137 = arith.index_cast %get3A_3 : i32 to index
      %get3A_138 = arith.constant 3 : index
      %get3A_139 = arith.constant 0 : index
      %get3A_140 = arith.constant 0 : index
      %get3A_141 = vector.load %arg12[%get3A_137, %get3A_138, %get3A_139, %get3A_140] : memref<2x5x768x768xf32, #tpu.memory_space<vmem>>, vector<1x1x768x768xf32>
      %get3A_142 = vector.shape_cast %get3A_141 : vector<1x1x768x768xf32> to vector<768x768xf32>
      %dot_general3A_143 = arith.constant dense<0.000000e+00> : vector<256x768xf32>
      %dot_general3A_144 = tpu.matmul %dot_general3A_93, %get3A_142, %dot_general3A_143 {dimension_numbers = #tpu.dot_dimension_numbers<[1], [0], [0], [1], [0, 0, 1, 1], [], []>, transpose_lhs_hint = false} : vector<256x768xf32>, vector<768x768xf32>, vector<256x768xf32> -> vector<256x768xf32>
      %mul3A_145 = vector.broadcast %get3A_41 : vector<256x1xf32> to vector<256x768xf32>
      %mul3A_146 = arith.mulf %dot_general3A_144, %mul3A_145 : vector<256x768xf32>
      %swap3A_147 = arith.constant 0 : index
      %swap3A_148 = arith.constant 0 : index
      %swap3A_149 = vector.load %arg10[%swap3A_147, %swap3A_148] : memref<256x768xf32, #tpu.memory_space<vmem>>, vector<256x768xf32>
      tpu.vector_store %arg10[%swap3A_147, %swap3A_148], %mul3A_146 {strides = array<i32>} : memref<256x768xf32, #tpu.memory_space<vmem>>, vector<256x768xf32>,
      %eq3A_150 = arith.constant 1 : i32
      %eq3A_151 = arith.cmpi eq, %get3A_7, %eq3A_150 : i32
      %eq3A_152 = arith.constant 0 : i32
      %eq3A_153 = arith.cmpi eq, %get3A_3, %eq3A_152 : i32
      %and3A_154 = arith.andi %eq3A_151, %eq3A_153 : i1
      %convert_element_type3A_155 = arith.extui %and3A_154 : i1 to i32
      %cond3A_156 = arith.constant 0 : i32
      %cond3A_157 = arith.cmpi ne, %convert_element_type3A_155, %cond3A_156 : i32
      scf.if %cond3A_157 {
        %dma_wait3A = arith.constant 0 : i32
        %dma_wait3A_179 = arith.constant 0 : i32
        %dma_wait3A_180 = arith.constant 4 : i32
        %dma_wait3A_181 = arith.constant 0 : i32
        %dma_wait3A_182 = arith.constant 0 : i32
        %dma_wait3A_183 = tpu.memref_slice %arg12[%dma_wait3A_179, %dma_wait3A_180, %dma_wait3A_181, %dma_wait3A_182] : memref<2x5x768x768xf32, #tpu.memory_space<vmem>> -> memref<1x1x768x768xf32, #tpu.memory_space<vmem>>
        %dma_wait3A_184 = tpu.memref_squeeze %dma_wait3A_183 : memref<1x1x768x768xf32, #tpu.memory_space<vmem>> -> memref<768x768xf32, #tpu.memory_space<vmem>>
        %dma_wait3A_185 = arith.constant 0 : i32
        %dma_wait3A_186 = arith.constant 0 : i32
        %dma_wait3A_187 = tpu.memref_slice %arg8[%dma_wait3A, %dma_wait3A_185, %dma_wait3A_186] : memref<8x768x768xf32, #tpu.memory_space<any>> -> memref<1x768x768xf32, #tpu.memory_space<any>>
        %dma_wait3A_188 = tpu.memref_squeeze %dma_wait3A_187 : memref<1x768x768xf32, #tpu.memory_space<any>> -> memref<768x768xf32, #tpu.memory_space<any>>
        tpu.wait_dma2 semaphore(%arg13 : memref<!tpu.dma_semaphore, #tpu.memory_space<semaphore_mem>>) src(%dma_wait3A_188 : memref<768x768xf32, #tpu.memory_space<any>>) dst(%dma_wait3A_184 : memref<768x768xf32, #tpu.memory_space<vmem>>)
      } else {
      }
      %eq3A_158 = arith.constant 1 : i32
      %eq3A_159 = arith.cmpi eq, %get3A_7, %eq3A_158 : i32
      %eq3A_160 = arith.constant 1 : i32
      %eq3A_161 = arith.cmpi eq, %get3A_3, %eq3A_160 : i32
      %and3A_162 = arith.andi %eq3A_159, %eq3A_161 : i1
      %convert_element_type3A_163 = arith.extui %and3A_162 : i1 to i32
      %cond3A_164 = arith.constant 0 : i32
      %cond3A_165 = arith.cmpi ne, %convert_element_type3A_163, %cond3A_164 : i32
      scf.if %cond3A_165 {
        %dma_wait3A = arith.constant 0 : i32
        %dma_wait3A_179 = arith.constant 1 : i32
        %dma_wait3A_180 = arith.constant 4 : i32
        %dma_wait3A_181 = arith.constant 0 : i32
        %dma_wait3A_182 = arith.constant 0 : i32
        %dma_wait3A_183 = tpu.memref_slice %arg12[%dma_wait3A_179, %dma_wait3A_180, %dma_wait3A_181, %dma_wait3A_182] : memref<2x5x768x768xf32, #tpu.memory_space<vmem>> -> memref<1x1x768x768xf32, #tpu.memory_space<vmem>>
        %dma_wait3A_184 = tpu.memref_squeeze %dma_wait3A_183 : memref<1x1x768x768xf32, #tpu.memory_space<vmem>> -> memref<768x768xf32, #tpu.memory_space<vmem>>
        %dma_wait3A_185 = arith.constant 0 : i32
        %dma_wait3A_186 = arith.constant 0 : i32
        %dma_wait3A_187 = tpu.memref_slice %arg8[%dma_wait3A, %dma_wait3A_185, %dma_wait3A_186] : memref<8x768x768xf32, #tpu.memory_space<any>> -> memref<1x768x768xf32, #tpu.memory_space<any>>
        %dma_wait3A_188 = tpu.memref_squeeze %dma_wait3A_187 : memref<1x768x768xf32, #tpu.memory_space<any>> -> memref<768x768xf32, #tpu.memory_space<any>>
        tpu.wait_dma2 semaphore(%arg14 : memref<!tpu.dma_semaphore, #tpu.memory_space<semaphore_mem>>) src(%dma_wait3A_188 : memref<768x768xf32, #tpu.memory_space<any>>) dst(%dma_wait3A_184 : memref<768x768xf32, #tpu.memory_space<vmem>>)
      } else {
      }
      %get3A_166 = arith.index_cast %get3A_3 : i32 to index
      %get3A_167 = arith.constant 4 : index
      %get3A_168 = arith.constant 0 : index
      %get3A_169 = arith.constant 0 : index
      %get3A_170 = vector.load %arg12[%get3A_166, %get3A_167, %get3A_168, %get3A_169] : memref<2x5x768x768xf32, #tpu.memory_space<vmem>>, vector<1x1x768x768xf32>
      %get3A_171 = vector.shape_cast %get3A_170 : vector<1x1x768x768xf32> to vector<768x768xf32>
      %dot_general3A_172 = arith.constant dense<0.000000e+00> : vector<256x768xf32>
      %dot_general3A_173 = tpu.matmul %dot_general3A_117, %get3A_171, %dot_general3A_172 {dimension_numbers = #tpu.dot_dimension_numbers<[1], [0], [0], [1], [0, 0, 1, 1], [], []>, transpose_lhs_hint = false} : vector<256x768xf32>, vector<768x768xf32>, vector<256x768xf32> -> vector<256x768xf32>
      %mul3A_174 = vector.broadcast %get3A_41 : vector<256x1xf32> to vector<256x768xf32>
      %mul3A_175 = arith.mulf %dot_general3A_173, %mul3A_174 : vector<256x768xf32>
      %swap3A_176 = arith.constant 0 : index
      %swap3A_177 = arith.constant 0 : index
      %swap3A_178 = vector.load %arg11[%swap3A_176, %swap3A_177] : memref<256x768xf32, #tpu.memory_space<vmem>>, vector<256x768xf32>
      tpu.vector_store %arg11[%swap3A_176, %swap3A_177], %mul3A_175 {strides = array<i32>} : memref<256x768xf32, #tpu.memory_space<vmem>>, vector<256x768xf32>,
    } else {
    }
    return
  }
  func.func @transform_0(%arg0: i32, %arg1: memref<512xi32, #tpu.memory_space<smem>>) -> (i32, i32) {
    %get3A = arith.constant 16 : index
    %get3A_0 = memref.load %arg1[%get3A] : memref<512xi32, #tpu.memory_space<smem>>
    %sub3A = arith.constant 1 : i32
    %sub3A_1 = arith.subi %get3A_0, %sub3A : i32
    %min3A = arith.minsi %arg0, %sub3A_1 : i32
    %c0_i32 = arith.constant 0 : i32
    %c0_i32_2 = arith.constant 0 : i32
    return %min3A, %c0_i32 : i32, i32
  }
  func.func @transform_1(%arg0: i32, %arg1: memref<512xi32, #tpu.memory_space<smem>>) -> (i32, i32) {
    %get3A = arith.constant 16 : index
    %get3A_0 = memref.load %arg1[%get3A] : memref<512xi32, #tpu.memory_space<smem>>
    %sub3A = arith.constant 1 : i32
    %sub3A_1 = arith.subi %get3A_0, %sub3A : i32
    %min3A = arith.minsi %arg0, %sub3A_1 : i32
    %c0_i32 = arith.constant 0 : i32
    %c0_i32_2 = arith.constant 0 : i32
    return %min3A, %c0_i32 : i32, i32
  }
  func.func @transform_7(%arg0: i32, %arg1: memref<512xi32, #tpu.memory_space<smem>>) -> (i32, i32) {
    %get3A = arith.constant 16 : index
    %get3A_0 = memref.load %arg1[%get3A] : memref<512xi32, #tpu.memory_space<smem>>
    %sub3A = arith.constant 1 : i32
    %sub3A_1 = arith.subi %get3A_0, %sub3A : i32
    %min3A = arith.minsi %arg0, %sub3A_1 : i32
    %c0_i32 = arith.constant 0 : i32
    %c0_i32_2 = arith.constant 0 : i32
    return %min3A, %c0_i32 : i32, i32
  }
  func.func @transform_8(%arg0: i32, %arg1: memref<512xi32, #tpu.memory_space<smem>>) -> (i32, i32) {
    %get3A = arith.constant 16 : index
    %get3A_0 = memref.load %arg1[%get3A] : memref<512xi32, #tpu.memory_space<smem>>
    %sub3A = arith.constant 1 : i32
    %sub3A_1 = arith.subi %get3A_0, %sub3A : i32
    %min3A = arith.minsi %arg0, %sub3A_1 : i32
    %c0_i32 = arith.constant 0 : i32
    %c0_i32_2 = arith.constant 0 : i32
    return %min3A, %c0_i32 : i32, i32
  }
  func.func @transform_9(%arg0: i32, %arg1: memref<512xi32, #tpu.memory_space<smem>>) -> (i32, i32) {
    %get3A = arith.constant 16 : index
    %get3A_0 = memref.load %arg1[%get3A] : memref<512xi32, #tpu.memory_space<smem>>
    %sub3A = arith.constant 1 : i32
    %sub3A_1 = arith.subi %get3A_0, %sub3A : i32
    %min3A = arith.minsi %arg0, %sub3A_1 : i32
    %c0_i32 = arith.constant 0 : i32
    %c0_i32_2 = arith.constant 0 : i32
    return %min3A, %c0_i32 : i32, i32
  }
}

module attributes {stable_mosaic.version = 14 : i64} {
  func.func @_router_z_body(%arg0: memref<2048x768xf32, #tpu.memory_space<vmem>>, %arg1: memref<768x8xf32, #tpu.memory_space<vmem>>, %arg2: memref<1x1xf32, #tpu.memory_space<vmem>>, %arg3: memref<2048x128xf32, #tpu.memory_space<vmem>>, %arg4: memref<16x128xi32, #tpu.memory_space<vmem>>, %arg5: memref<4x128xi32, #tpu.memory_space<vmem>>, %arg6: memref<2048x768xf32, #tpu.memory_space<vmem>>) attributes {dimension_semantics = [], scalar_prefetch = 0 : i64, scratch_operands = 0 : i64, tpu.core_type = #tpu.core_type<tc>} {
    %get3A = arith.constant 0 : index
    %get3A_0 = arith.constant 0 : index
    %get3A_1 = vector.load %arg0[%get3A, %get3A_0] : memref<2048x768xf32, #tpu.memory_space<vmem>>, vector<2048x768xf32>
    %get3A_2 = arith.constant 0 : index
    %get3A_3 = arith.constant 0 : index
    %get3A_4 = vector.load %arg2[%get3A_2, %get3A_3] : memref<1x1xf32, #tpu.memory_space<vmem>>, vector<1x1xf32>
    %get3A_5 = vector.extract %get3A_4[0, 0] : f32 from vector<1x1xf32>
    %add3A = vector.broadcast %get3A_5 : f32 to vector<2048x768xf32>
    %add3A_6 = arith.addf %get3A_1, %add3A : vector<2048x768xf32>
    %swap3A = arith.constant 0 : index
    %swap3A_7 = arith.constant 0 : index
    %swap3A_8 = vector.load %arg6[%swap3A, %swap3A_7] : memref<2048x768xf32, #tpu.memory_space<vmem>>, vector<2048x768xf32>
    tpu.vector_store %arg6[%swap3A, %swap3A_7], %add3A_6 {strides = array<i32>} : memref<2048x768xf32, #tpu.memory_space<vmem>>, vector<2048x768xf32>,
    %get3A_9 = arith.constant 0 : index
    %get3A_10 = arith.constant 0 : index
    %get3A_11 = vector.load %arg1[%get3A_9, %get3A_10] : memref<768x8xf32, #tpu.memory_space<vmem>>, vector<768x8xf32>
    %dot_general3A = arith.constant dense<0.000000e+00> : vector<2048x8xf32>
    %dot_general3A_12 = tpu.matmul %add3A_6, %get3A_11, %dot_general3A {dimension_numbers = #tpu.dot_dimension_numbers<[1], [0], [0], [1], [0, 0, 1, 1], [], []>, transpose_lhs_hint = false} : vector<2048x768xf32>, vector<768x8xf32>, vector<2048x8xf32> -> vector<2048x8xf32>
    %reduce_max3A = arith.constant dense<0xFF800000> : vector<2048xf32>
    %reduce_max3A_13 = vector.multi_reduction <maximumf>, %dot_general3A_12, %reduce_max3A [1] : vector<2048x8xf32> to vector<2048xf32>
    %broadcast_in_dim3A = vector.shape_cast %reduce_max3A_13 : vector<2048xf32> to vector<2048x1xf32>
    %sub3A = vector.broadcast %broadcast_in_dim3A : vector<2048x1xf32> to vector<2048x8xf32>
    %sub3A_14 = arith.subf %dot_general3A_12, %sub3A : vector<2048x8xf32>
    %exp3A = math.exp %sub3A_14 : vector<2048x8xf32>
    %reduce_sum3A = arith.constant dense<0.000000e+00> : vector<2048xf32>
    %reduce_sum3A_15 = vector.multi_reduction <add>, %exp3A, %reduce_sum3A [1] : vector<2048x8xf32> to vector<2048xf32>
    %broadcast_in_dim3A_16 = vector.shape_cast %reduce_sum3A_15 : vector<2048xf32> to vector<2048x1xf32>
    %div3A = arith.constant 1.000000e+00 : f32
    %div3A_17 = vector.broadcast %div3A : f32 to vector<2048x1xf32>
    %div3A_18 = arith.divf %div3A_17, %broadcast_in_dim3A_16 : vector<2048x1xf32>
    %iota3A = tpu.iota {dimensions = array<i32: 1>} : vector<2048x8xi32>
    %ge3A = vector.broadcast %broadcast_in_dim3A : vector<2048x1xf32> to vector<2048x8xf32>
    %ge3A_19 = arith.cmpf oge, %dot_general3A_12, %ge3A : vector<2048x8xf32>
    %jit3A = arith.constant 8 : i32
    %broadcast_in_dim3A_20 = vector.broadcast %jit3A : i32 to vector<2048x8xi32>
    %select_n3A = arith.select %ge3A_19, %iota3A, %broadcast_in_dim3A_20 : vector<2048x8xi1>, vector<2048x8xi32>
    %reduce_min3A = arith.constant dense<2147483647> : vector<2048xi32>
    %reduce_min3A_21 = vector.multi_reduction <minsi>, %select_n3A, %reduce_min3A [1] : vector<2048x8xi32> to vector<2048xi32>
    %broadcast_in_dim3A_22 = vector.shape_cast %reduce_min3A_21 : vector<2048xi32> to vector<2048x1xi32>
    %eq3A = vector.broadcast %broadcast_in_dim3A_22 : vector<2048x1xi32> to vector<2048x8xi32>
    %eq3A_23 = arith.cmpi eq, %iota3A, %eq3A : vector<2048x8xi32>
    %convert_element_type3A = arith.extui %eq3A_23 : vector<2048x8xi1> to vector<2048x8xi32>
    %broadcast_in_dim3A_24 = arith.constant 0 : i32
    %broadcast_in_dim3A_25 = vector.broadcast %broadcast_in_dim3A_24 : i32 to vector<1x8xi32>
    %slice3A = vector.extract_strided_slice %convert_element_type3A {offsets = [0, 0], sizes = [2047, 8], strides = [1, 1]} : vector<2048x8xi32> to vector<2047x8xi32>
    %concatenate3A = tpu.concatenate %broadcast_in_dim3A_25, %slice3A in 0 : vector<1x8xi32>, vector<2047x8xi32> -> vector<2048x8xi32>
    %add3A_26 = arith.addi %convert_element_type3A, %concatenate3A : vector<2048x8xi32>
    %broadcast_in_dim3A_27 = arith.constant 0 : i32
    %broadcast_in_dim3A_28 = vector.broadcast %broadcast_in_dim3A_27 : i32 to vector<2x8xi32>
    %slice3A_29 = vector.extract_strided_slice %add3A_26 {offsets = [0, 0], sizes = [2046, 8], strides = [1, 1]} : vector<2048x8xi32> to vector<2046x8xi32>
    %concatenate3A_30 = tpu.concatenate %broadcast_in_dim3A_28, %slice3A_29 in 0 : vector<2x8xi32>, vector<2046x8xi32> -> vector<2048x8xi32>
    %add3A_31 = arith.addi %add3A_26, %concatenate3A_30 : vector<2048x8xi32>
    %broadcast_in_dim3A_32 = arith.constant 0 : i32
    %broadcast_in_dim3A_33 = vector.broadcast %broadcast_in_dim3A_32 : i32 to vector<4x8xi32>
    %slice3A_34 = vector.extract_strided_slice %add3A_31 {offsets = [0, 0], sizes = [2044, 8], strides = [1, 1]} : vector<2048x8xi32> to vector<2044x8xi32>
    %concatenate3A_35 = tpu.concatenate %broadcast_in_dim3A_33, %slice3A_34 in 0 : vector<4x8xi32>, vector<2044x8xi32> -> vector<2048x8xi32>
    %add3A_36 = arith.addi %add3A_31, %concatenate3A_35 : vector<2048x8xi32>
    %broadcast_in_dim3A_37 = arith.constant 0 : i32
    %broadcast_in_dim3A_38 = vector.broadcast %broadcast_in_dim3A_37 : i32 to vector<8x8xi32>
    %slice3A_39 = vector.extract_strided_slice %add3A_36 {offsets = [0, 0], sizes = [2040, 8], strides = [1, 1]} : vector<2048x8xi32> to vector<2040x8xi32>
    %concatenate3A_40 = tpu.concatenate %broadcast_in_dim3A_38, %slice3A_39 in 0 : vector<8x8xi32>, vector<2040x8xi32> -> vector<2048x8xi32>
    %add3A_41 = arith.addi %add3A_36, %concatenate3A_40 : vector<2048x8xi32>
    %broadcast_in_dim3A_42 = arith.constant 0 : i32
    %broadcast_in_dim3A_43 = vector.broadcast %broadcast_in_dim3A_42 : i32 to vector<16x8xi32>
    %slice3A_44 = vector.extract_strided_slice %add3A_41 {offsets = [0, 0], sizes = [2032, 8], strides = [1, 1]} : vector<2048x8xi32> to vector<2032x8xi32>
    %concatenate3A_45 = tpu.concatenate %broadcast_in_dim3A_43, %slice3A_44 in 0 : vector<16x8xi32>, vector<2032x8xi32> -> vector<2048x8xi32>
    %add3A_46 = arith.addi %add3A_41, %concatenate3A_45 : vector<2048x8xi32>
    %broadcast_in_dim3A_47 = arith.constant 0 : i32
    %broadcast_in_dim3A_48 = vector.broadcast %broadcast_in_dim3A_47 : i32 to vector<32x8xi32>
    %slice3A_49 = vector.extract_strided_slice %add3A_46 {offsets = [0, 0], sizes = [2016, 8], strides = [1, 1]} : vector<2048x8xi32> to vector<2016x8xi32>
    %concatenate3A_50 = tpu.concatenate %broadcast_in_dim3A_48, %slice3A_49 in 0 : vector<32x8xi32>, vector<2016x8xi32> -> vector<2048x8xi32>
    %add3A_51 = arith.addi %add3A_46, %concatenate3A_50 : vector<2048x8xi32>
    %broadcast_in_dim3A_52 = arith.constant 0 : i32
    %broadcast_in_dim3A_53 = vector.broadcast %broadcast_in_dim3A_52 : i32 to vector<64x8xi32>
    %slice3A_54 = vector.extract_strided_slice %add3A_51 {offsets = [0, 0], sizes = [1984, 8], strides = [1, 1]} : vector<2048x8xi32> to vector<1984x8xi32>
    %concatenate3A_55 = tpu.concatenate %broadcast_in_dim3A_53, %slice3A_54 in 0 : vector<64x8xi32>, vector<1984x8xi32> -> vector<2048x8xi32>
    %add3A_56 = arith.addi %add3A_51, %concatenate3A_55 : vector<2048x8xi32>
    %broadcast_in_dim3A_57 = arith.constant 0 : i32
    %broadcast_in_dim3A_58 = vector.broadcast %broadcast_in_dim3A_57 : i32 to vector<128x8xi32>
    %slice3A_59 = vector.extract_strided_slice %add3A_56 {offsets = [0, 0], sizes = [1920, 8], strides = [1, 1]} : vector<2048x8xi32> to vector<1920x8xi32>
    %concatenate3A_60 = tpu.concatenate %broadcast_in_dim3A_58, %slice3A_59 in 0 : vector<128x8xi32>, vector<1920x8xi32> -> vector<2048x8xi32>
    %add3A_61 = arith.addi %add3A_56, %concatenate3A_60 : vector<2048x8xi32>
    %broadcast_in_dim3A_62 = arith.constant 0 : i32
    %broadcast_in_dim3A_63 = vector.broadcast %broadcast_in_dim3A_62 : i32 to vector<256x8xi32>
    %slice3A_64 = vector.extract_strided_slice %add3A_61 {offsets = [0, 0], sizes = [1792, 8], strides = [1, 1]} : vector<2048x8xi32> to vector<1792x8xi32>
    %concatenate3A_65 = tpu.concatenate %broadcast_in_dim3A_63, %slice3A_64 in 0 : vector<256x8xi32>, vector<1792x8xi32> -> vector<2048x8xi32>
    %add3A_66 = arith.addi %add3A_61, %concatenate3A_65 : vector<2048x8xi32>
    %broadcast_in_dim3A_67 = arith.constant 0 : i32
    %broadcast_in_dim3A_68 = vector.broadcast %broadcast_in_dim3A_67 : i32 to vector<512x8xi32>
    %slice3A_69 = vector.extract_strided_slice %add3A_66 {offsets = [0, 0], sizes = [1536, 8], strides = [1, 1]} : vector<2048x8xi32> to vector<1536x8xi32>
    %concatenate3A_70 = tpu.concatenate %broadcast_in_dim3A_68, %slice3A_69 in 0 : vector<512x8xi32>, vector<1536x8xi32> -> vector<2048x8xi32>
    %add3A_71 = arith.addi %add3A_66, %concatenate3A_70 : vector<2048x8xi32>
    %broadcast_in_dim3A_72 = arith.constant 0 : i32
    %broadcast_in_dim3A_73 = vector.broadcast %broadcast_in_dim3A_72 : i32 to vector<1024x8xi32>
    %slice3A_74 = vector.extract_strided_slice %add3A_71 {offsets = [0, 0], sizes = [1024, 8], strides = [1, 1]} : vector<2048x8xi32> to vector<1024x8xi32>
    %concatenate3A_75 = tpu.concatenate %broadcast_in_dim3A_73, %slice3A_74 in 0 : vector<1024x8xi32>, vector<1024x8xi32> -> vector<2048x8xi32>
    %add3A_76 = arith.addi %add3A_71, %concatenate3A_75 : vector<2048x8xi32>
    %slice3A_77 = vector.extract_strided_slice %add3A_76 {offsets = [2047, 0], sizes = [1, 8], strides = [1, 1]} : vector<2048x8xi32> to vector<1x8xi32>
    %add3A_78 = arith.constant 255 : i32
    %add3A_79 = vector.broadcast %add3A_78 : i32 to vector<1x8xi32>
    %add3A_80 = arith.addi %slice3A_77, %add3A_79 : vector<1x8xi32>
    %jit3A_81 = arith.constant 256 : i32
    %div3A_82 = vector.broadcast %jit3A_81 : i32 to vector<1x8xi32>
    %div3A_83 = arith.divsi %add3A_80, %div3A_82 : vector<1x8xi32>
    %sign3A = arith.constant 0 : i32
    %sign3A_84 = vector.broadcast %sign3A : i32 to vector<1x8xi32>
    %sign3A_85 = arith.cmpi sgt, %add3A_80, %sign3A_84 : vector<1x8xi32>
    %sign3A_86 = arith.extui %sign3A_85 : vector<1x8xi1> to vector<1x8xi32>
    %sign3A_87 = arith.constant 0 : i32
    %sign3A_88 = vector.broadcast %sign3A_87 : i32 to vector<1x8xi32>
    %sign3A_89 = arith.cmpi slt, %add3A_80, %sign3A_88 : vector<1x8xi32>
    %sign3A_90 = arith.extui %sign3A_89 : vector<1x8xi1> to vector<1x8xi32>
    %sign3A_91 = arith.subi %sign3A_86, %sign3A_90 : vector<1x8xi32>
    %sign3A_92 = arith.constant 0 : i32
    %sign3A_93 = arith.cmpi sgt, %jit3A_81, %sign3A_92 : i32
    %sign3A_94 = arith.extui %sign3A_93 : i1 to i32
    %sign3A_95 = arith.constant 0 : i32
    %sign3A_96 = arith.cmpi slt, %jit3A_81, %sign3A_95 : i32
    %sign3A_97 = arith.extui %sign3A_96 : i1 to i32
    %sign3A_98 = arith.subi %sign3A_94, %sign3A_97 : i32
    %ne3A = vector.broadcast %sign3A_98 : i32 to vector<1x8xi32>
    %ne3A_99 = arith.cmpi ne, %sign3A_91, %ne3A : vector<1x8xi32>
    %rem3A = vector.broadcast %jit3A_81 : i32 to vector<1x8xi32>
    %rem3A_100 = arith.remsi %add3A_80, %rem3A : vector<1x8xi32>
    %ne3A_101 = arith.constant 0 : i32
    %ne3A_102 = vector.broadcast %ne3A_101 : i32 to vector<1x8xi32>
    %ne3A_103 = arith.cmpi ne, %rem3A_100, %ne3A_102 : vector<1x8xi32>
    %and3A = arith.andi %ne3A_99, %ne3A_103 : vector<1x8xi1>
    %sub3A_104 = arith.constant 1 : i32
    %sub3A_105 = vector.broadcast %sub3A_104 : i32 to vector<1x8xi32>
    %sub3A_106 = arith.subi %div3A_83, %sub3A_105 : vector<1x8xi32>
    %select_n3A_107 = arith.select %and3A, %sub3A_106, %div3A_83 : vector<1x8xi1>, vector<1x8xi32>
    %mul3A = arith.constant 256 : i32
    %mul3A_108 = vector.broadcast %mul3A : i32 to vector<1x8xi32>
    %mul3A_109 = arith.muli %select_n3A_107, %mul3A_108 : vector<1x8xi32>
    %broadcast_in_dim3A_110 = arith.constant 0 : i32
    %broadcast_in_dim3A_111 = vector.broadcast %broadcast_in_dim3A_110 : i32 to vector<1x1xi32>
    %slice3A_112 = vector.extract_strided_slice %mul3A_109 {offsets = [0, 0], sizes = [1, 7], strides = [1, 1]} : vector<1x8xi32> to vector<1x7xi32>
    %concatenate3A_113 = tpu.concatenate %broadcast_in_dim3A_111, %slice3A_112 in 1 : vector<1x1xi32>, vector<1x7xi32> -> vector<1x8xi32>
    %broadcast_in_dim3A_114 = arith.constant 0 : i32
    %broadcast_in_dim3A_115 = vector.broadcast %broadcast_in_dim3A_114 : i32 to vector<1x1xi32>
    %slice3A_116 = vector.extract_strided_slice %concatenate3A_113 {offsets = [0, 0], sizes = [1, 7], strides = [1, 1]} : vector<1x8xi32> to vector<1x7xi32>
    %concatenate3A_117 = tpu.concatenate %broadcast_in_dim3A_115, %slice3A_116 in 1 : vector<1x1xi32>, vector<1x7xi32> -> vector<1x8xi32>
    %add3A_118 = arith.addi %concatenate3A_113, %concatenate3A_117 : vector<1x8xi32>
    %broadcast_in_dim3A_119 = arith.constant 0 : i32
    %broadcast_in_dim3A_120 = vector.broadcast %broadcast_in_dim3A_119 : i32 to vector<1x2xi32>
    %slice3A_121 = vector.extract_strided_slice %add3A_118 {offsets = [0, 0], sizes = [1, 6], strides = [1, 1]} : vector<1x8xi32> to vector<1x6xi32>
    %concatenate3A_122 = tpu.concatenate %broadcast_in_dim3A_120, %slice3A_121 in 1 : vector<1x2xi32>, vector<1x6xi32> -> vector<1x8xi32>
    %add3A_123 = arith.addi %add3A_118, %concatenate3A_122 : vector<1x8xi32>
    %broadcast_in_dim3A_124 = arith.constant 0 : i32
    %broadcast_in_dim3A_125 = vector.broadcast %broadcast_in_dim3A_124 : i32 to vector<1x4xi32>
    %slice3A_126 = vector.extract_strided_slice %add3A_123 {offsets = [0, 0], sizes = [1, 4], strides = [1, 1]} : vector<1x8xi32> to vector<1x4xi32>
    %concatenate3A_127 = tpu.concatenate %broadcast_in_dim3A_125, %slice3A_126 in 1 : vector<1x4xi32>, vector<1x4xi32> -> vector<1x8xi32>
    %add3A_128 = arith.addi %add3A_123, %concatenate3A_127 : vector<1x8xi32>
    %add3A_129 = arith.addi %add3A_128, %mul3A_109 : vector<1x8xi32>
    %mul3A_130 = vector.broadcast %add3A_128 : vector<1x8xi32> to vector<2048x8xi32>
    %mul3A_131 = arith.muli %convert_element_type3A, %mul3A_130 : vector<2048x8xi32>
    %reduce_sum3A_132 = arith.constant dense<0> : vector<2048xi32>
    %reduce_sum3A_133 = vector.multi_reduction <add>, %mul3A_131, %reduce_sum3A_132 [1] : vector<2048x8xi32> to vector<2048xi32>
    %broadcast_in_dim3A_134 = vector.shape_cast %reduce_sum3A_133 : vector<2048xi32> to vector<2048x1xi32>
    %mul3A_135 = arith.muli %convert_element_type3A, %add3A_76 : vector<2048x8xi32>
    %reduce_sum3A_136 = arith.constant dense<0> : vector<2048xi32>
    %reduce_sum3A_137 = vector.multi_reduction <add>, %mul3A_135, %reduce_sum3A_136 [1] : vector<2048x8xi32> to vector<2048xi32>
    %broadcast_in_dim3A_138 = vector.shape_cast %reduce_sum3A_137 : vector<2048xi32> to vector<2048x1xi32>
    %add3A_139 = arith.addi %broadcast_in_dim3A_134, %broadcast_in_dim3A_138 : vector<2048x1xi32>
    %sub3A_140 = arith.constant 1 : i32
    %sub3A_141 = vector.broadcast %sub3A_140 : i32 to vector<2048x1xi32>
    %sub3A_142 = arith.subi %add3A_139, %sub3A_141 : vector<2048x1xi32>
    %reshape3A = vector.shape_cast %sub3A_142 : vector<2048x1xi32> to vector<16x128xi32>
    %swap3A_143 = arith.constant 0 : index
    %swap3A_144 = arith.constant 0 : index
    %swap3A_145 = vector.load %arg4[%swap3A_143, %swap3A_144] : memref<16x128xi32, #tpu.memory_space<vmem>>, vector<16x128xi32>
    tpu.vector_store %arg4[%swap3A_143, %swap3A_144], %reshape3A {strides = array<i32>} : memref<16x128xi32, #tpu.memory_space<vmem>>, vector<16x128xi32>,
    %broadcast_in_dim3A_146 = vector.shape_cast %div3A_18 : vector<2048x1xf32> to vector<2048x1xf32>
    %broadcast_in_dim3A_147 = vector.broadcast %broadcast_in_dim3A_146 : vector<2048x1xf32> to vector<2048x128xf32>
    %swap3A_148 = arith.constant 0 : index
    %swap3A_149 = arith.constant 0 : index
    %swap3A_150 = vector.load %arg3[%swap3A_148, %swap3A_149] : memref<2048x128xf32, #tpu.memory_space<vmem>>, vector<2048x128xf32>
    tpu.vector_store %arg3[%swap3A_148, %swap3A_149], %broadcast_in_dim3A_147 {strides = array<i32>} : memref<2048x128xf32, #tpu.memory_space<vmem>>, vector<2048x128xf32>,
    %iota3A_151 = tpu.iota {dimensions = array<i32: 0>} : vector<128x8xi32>
    %mul3A_152 = arith.constant 256 : i32
    %mul3A_153 = vector.broadcast %mul3A_152 : i32 to vector<128x8xi32>
    %mul3A_154 = arith.muli %iota3A_151, %mul3A_153 : vector<128x8xi32>
    %ge3A_155 = vector.broadcast %add3A_129 : vector<1x8xi32> to vector<128x8xi32>
    %ge3A_156 = arith.cmpi sge, %mul3A_154, %ge3A_155 : vector<128x8xi32>
    %convert_element_type3A_157 = arith.extui %ge3A_156 : vector<128x8xi1> to vector<128x8xi32>
    %reduce_sum3A_158 = arith.constant dense<0> : vector<128xi32>
    %reduce_sum3A_159 = vector.multi_reduction <add>, %convert_element_type3A_157, %reduce_sum3A_158 [1] : vector<128x8xi32> to vector<128xi32>
    %broadcast_in_dim3A_160 = vector.shape_cast %reduce_sum3A_159 : vector<128xi32> to vector<128x1xi32>
    %min3A = arith.constant 7 : i32
    %min3A_161 = vector.broadcast %min3A : i32 to vector<128x1xi32>
    %min3A_162 = arith.minsi %broadcast_in_dim3A_160, %min3A_161 : vector<128x1xi32>
    %iota3A_163 = tpu.iota {dimensions = array<i32: 0>} : vector<128x1xi32>
    %slice3A_164 = vector.extract_strided_slice %add3A_129 {offsets = [0, 7], sizes = [1, 1], strides = [1, 1]} : vector<1x8xi32> to vector<1x1xi32>
    %jit3A_165 = arith.constant 256 : i32
    %div3A_166 = vector.broadcast %jit3A_165 : i32 to vector<1x1xi32>
    %div3A_167 = arith.divsi %slice3A_164, %div3A_166 : vector<1x1xi32>
    %sign3A_168 = arith.constant 0 : i32
    %sign3A_169 = vector.broadcast %sign3A_168 : i32 to vector<1x1xi32>
    %sign3A_170 = arith.cmpi sgt, %slice3A_164, %sign3A_169 : vector<1x1xi32>
    %sign3A_171 = arith.extui %sign3A_170 : vector<1x1xi1> to vector<1x1xi32>
    %sign3A_172 = arith.constant 0 : i32
    %sign3A_173 = vector.broadcast %sign3A_172 : i32 to vector<1x1xi32>
    %sign3A_174 = arith.cmpi slt, %slice3A_164, %sign3A_173 : vector<1x1xi32>
    %sign3A_175 = arith.extui %sign3A_174 : vector<1x1xi1> to vector<1x1xi32>
    %sign3A_176 = arith.subi %sign3A_171, %sign3A_175 : vector<1x1xi32>
    %sign3A_177 = arith.constant 0 : i32
    %sign3A_178 = arith.cmpi sgt, %jit3A_165, %sign3A_177 : i32
    %sign3A_179 = arith.extui %sign3A_178 : i1 to i32
    %sign3A_180 = arith.constant 0 : i32
    %sign3A_181 = arith.cmpi slt, %jit3A_165, %sign3A_180 : i32
    %sign3A_182 = arith.extui %sign3A_181 : i1 to i32
    %sign3A_183 = arith.subi %sign3A_179, %sign3A_182 : i32
    %ne3A_184 = vector.broadcast %sign3A_183 : i32 to vector<1x1xi32>
    %ne3A_185 = arith.cmpi ne, %sign3A_176, %ne3A_184 : vector<1x1xi32>
    %rem3A_186 = vector.broadcast %jit3A_165 : i32 to vector<1x1xi32>
    %rem3A_187 = arith.remsi %slice3A_164, %rem3A_186 : vector<1x1xi32>
    %ne3A_188 = arith.constant 0 : i32
    %ne3A_189 = vector.broadcast %ne3A_188 : i32 to vector<1x1xi32>
    %ne3A_190 = arith.cmpi ne, %rem3A_187, %ne3A_189 : vector<1x1xi32>
    %and3A_191 = arith.andi %ne3A_185, %ne3A_190 : vector<1x1xi1>
    %sub3A_192 = arith.constant 1 : i32
    %sub3A_193 = vector.broadcast %sub3A_192 : i32 to vector<1x1xi32>
    %sub3A_194 = arith.subi %div3A_167, %sub3A_193 : vector<1x1xi32>
    %select_n3A_195 = arith.select %and3A_191, %sub3A_194, %div3A_167 : vector<1x1xi1>, vector<1x1xi32>
    %lt3A = vector.broadcast %select_n3A_195 : vector<1x1xi32> to vector<128x1xi32>
    %lt3A_196 = arith.cmpi slt, %iota3A_163, %lt3A : vector<128x1xi32>
    %slice3A_197 = vector.extract_strided_slice %min3A_162 {offsets = [0, 0], sizes = [1, 1], strides = [1, 1]} : vector<128x1xi32> to vector<1x1xi32>
    %slice3A_198 = vector.extract_strided_slice %min3A_162 {offsets = [0, 0], sizes = [127, 1], strides = [1, 1]} : vector<128x1xi32> to vector<127x1xi32>
    %concatenate3A_199 = tpu.concatenate %slice3A_197, %slice3A_198 in 0 : vector<1x1xi32>, vector<127x1xi32> -> vector<128x1xi32>
    %gt3A = arith.constant 0 : i32
    %gt3A_200 = vector.broadcast %gt3A : i32 to vector<128x1xi32>
    %gt3A_201 = arith.cmpi sgt, %iota3A_163, %gt3A_200 : vector<128x1xi32>
    %and3A_202 = arith.andi %lt3A_196, %gt3A_201 : vector<128x1xi1>
    %ne3A_203 = arith.cmpi ne, %min3A_162, %concatenate3A_199 : vector<128x1xi32>
    %and3A_204 = arith.andi %and3A_202, %ne3A_203 : vector<128x1xi1>
    %convert_element_type3A_205 = arith.extui %and3A_204 : vector<128x1xi1> to vector<128x1xi32>
    %eq3A_206 = arith.constant 0 : i32
    %eq3A_207 = vector.broadcast %eq3A_206 : i32 to vector<128x1xi32>
    %eq3A_208 = arith.cmpi eq, %iota3A_163, %eq3A_207 : vector<128x1xi32>
    %eq3A_209 = arith.constant 1 : i32
    %eq3A_210 = vector.broadcast %eq3A_209 : i32 to vector<128x1xi32>
    %eq3A_211 = arith.cmpi eq, %convert_element_type3A_205, %eq3A_210 : vector<128x1xi32>
    %or3A = arith.ori %eq3A_208, %eq3A_211 : vector<128x1xi1>
    %convert_element_type3A_212 = arith.extui %or3A : vector<128x1xi1> to vector<128x1xi32>
    %broadcast_in_dim3A_213 = arith.constant 0 : i32
    %broadcast_in_dim3A_214 = vector.broadcast %broadcast_in_dim3A_213 : i32 to vector<1x1xi32>
    %slice3A_215 = vector.extract_strided_slice %convert_element_type3A_205 {offsets = [0, 0], sizes = [127, 1], strides = [1, 1]} : vector<128x1xi32> to vector<127x1xi32>
    %concatenate3A_216 = tpu.concatenate %broadcast_in_dim3A_214, %slice3A_215 in 0 : vector<1x1xi32>, vector<127x1xi32> -> vector<128x1xi32>
    %add3A_217 = arith.addi %convert_element_type3A_205, %concatenate3A_216 : vector<128x1xi32>
    %broadcast_in_dim3A_218 = arith.constant 0 : i32
    %broadcast_in_dim3A_219 = vector.broadcast %broadcast_in_dim3A_218 : i32 to vector<2x1xi32>
    %slice3A_220 = vector.extract_strided_slice %add3A_217 {offsets = [0, 0], sizes = [126, 1], strides = [1, 1]} : vector<128x1xi32> to vector<126x1xi32>
    %concatenate3A_221 = tpu.concatenate %broadcast_in_dim3A_219, %slice3A_220 in 0 : vector<2x1xi32>, vector<126x1xi32> -> vector<128x1xi32>
    %add3A_222 = arith.addi %add3A_217, %concatenate3A_221 : vector<128x1xi32>
    %broadcast_in_dim3A_223 = arith.constant 0 : i32
    %broadcast_in_dim3A_224 = vector.broadcast %broadcast_in_dim3A_223 : i32 to vector<4x1xi32>
    %slice3A_225 = vector.extract_strided_slice %add3A_222 {offsets = [0, 0], sizes = [124, 1], strides = [1, 1]} : vector<128x1xi32> to vector<124x1xi32>
    %concatenate3A_226 = tpu.concatenate %broadcast_in_dim3A_224, %slice3A_225 in 0 : vector<4x1xi32>, vector<124x1xi32> -> vector<128x1xi32>
    %add3A_227 = arith.addi %add3A_222, %concatenate3A_226 : vector<128x1xi32>
    %broadcast_in_dim3A_228 = arith.constant 0 : i32
    %broadcast_in_dim3A_229 = vector.broadcast %broadcast_in_dim3A_228 : i32 to vector<8x1xi32>
    %slice3A_230 = vector.extract_strided_slice %add3A_227 {offsets = [0, 0], sizes = [120, 1], strides = [1, 1]} : vector<128x1xi32> to vector<120x1xi32>
    %concatenate3A_231 = tpu.concatenate %broadcast_in_dim3A_229, %slice3A_230 in 0 : vector<8x1xi32>, vector<120x1xi32> -> vector<128x1xi32>
    %add3A_232 = arith.addi %add3A_227, %concatenate3A_231 : vector<128x1xi32>
    %broadcast_in_dim3A_233 = arith.constant 0 : i32
    %broadcast_in_dim3A_234 = vector.broadcast %broadcast_in_dim3A_233 : i32 to vector<16x1xi32>
    %slice3A_235 = vector.extract_strided_slice %add3A_232 {offsets = [0, 0], sizes = [112, 1], strides = [1, 1]} : vector<128x1xi32> to vector<112x1xi32>
    %concatenate3A_236 = tpu.concatenate %broadcast_in_dim3A_234, %slice3A_235 in 0 : vector<16x1xi32>, vector<112x1xi32> -> vector<128x1xi32>
    %add3A_237 = arith.addi %add3A_232, %concatenate3A_236 : vector<128x1xi32>
    %broadcast_in_dim3A_238 = arith.constant 0 : i32
    %broadcast_in_dim3A_239 = vector.broadcast %broadcast_in_dim3A_238 : i32 to vector<32x1xi32>
    %slice3A_240 = vector.extract_strided_slice %add3A_237 {offsets = [0, 0], sizes = [96, 1], strides = [1, 1]} : vector<128x1xi32> to vector<96x1xi32>
    %concatenate3A_241 = tpu.concatenate %broadcast_in_dim3A_239, %slice3A_240 in 0 : vector<32x1xi32>, vector<96x1xi32> -> vector<128x1xi32>
    %add3A_242 = arith.addi %add3A_237, %concatenate3A_241 : vector<128x1xi32>
    %broadcast_in_dim3A_243 = arith.constant 0 : i32
    %broadcast_in_dim3A_244 = vector.broadcast %broadcast_in_dim3A_243 : i32 to vector<64x1xi32>
    %slice3A_245 = vector.extract_strided_slice %add3A_242 {offsets = [0, 0], sizes = [64, 1], strides = [1, 1]} : vector<128x1xi32> to vector<64x1xi32>
    %concatenate3A_246 = tpu.concatenate %broadcast_in_dim3A_244, %slice3A_245 in 0 : vector<64x1xi32>, vector<64x1xi32> -> vector<128x1xi32>
    %add3A_247 = arith.addi %add3A_242, %concatenate3A_246 : vector<128x1xi32>
    %jit3A_248 = arith.constant 2 : i32
    %eq3A_249 = arith.constant 0 : i32
    %eq3A_250 = arith.cmpi eq, %jit3A_248, %eq3A_249 : i32
    %jit3A_251 = arith.constant 1 : i32
    %select_n3A_252 = arith.select %eq3A_250, %jit3A_251, %jit3A_248 : i32
    %rem3A_253 = vector.broadcast %select_n3A_252 : i32 to vector<128x1xi32>
    %rem3A_254 = arith.remsi %add3A_247, %rem3A_253 : vector<128x1xi32>
    %ne3A_255 = arith.constant 0 : i32
    %ne3A_256 = vector.broadcast %ne3A_255 : i32 to vector<128x1xi32>
    %ne3A_257 = arith.cmpi ne, %rem3A_254, %ne3A_256 : vector<128x1xi32>
    %lt3A_258 = arith.constant 0 : i32
    %lt3A_259 = vector.broadcast %lt3A_258 : i32 to vector<128x1xi32>
    %lt3A_260 = arith.cmpi slt, %rem3A_254, %lt3A_259 : vector<128x1xi32>
    %lt3A_261 = arith.constant 0 : i32
    %lt3A_262 = arith.cmpi slt, %select_n3A_252, %lt3A_261 : i32
    %ne3A_263 = vector.broadcast %lt3A_262 : i1 to vector<128x1xi1>
    %ne3A_264 = vector.broadcast %ne3A_263 : vector<128x1xi1> to vector<128x1xi1>
    %ne3A_265 = arith.xori %lt3A_260, %ne3A_264 : vector<128x1xi1>
    %and3A_266 = arith.andi %ne3A_265, %ne3A_257 : vector<128x1xi1>
    %add3A_267 = vector.broadcast %select_n3A_252 : i32 to vector<128x1xi32>
    %add3A_268 = arith.addi %rem3A_254, %add3A_267 : vector<128x1xi32>
    %select_n3A_269 = arith.select %and3A_266, %add3A_268, %rem3A_254 : vector<128x1xi1>, vector<128x1xi32>
    %gt3A_270 = arith.constant 0 : i32
    %gt3A_271 = vector.broadcast %gt3A_270 : i32 to vector<1x8xi32>
    %gt3A_272 = arith.cmpi sgt, %slice3A_77, %gt3A_271 : vector<1x8xi32>
    %iota3A_273 = tpu.iota {dimensions = array<i32: 1>} : vector<1x8xi32>
    %jit3A_274 = arith.constant 8 : i32
    %broadcast_in_dim3A_275 = vector.broadcast %jit3A_274 : i32 to vector<1x8xi32>
    %select_n3A_276 = arith.select %gt3A_272, %iota3A_273, %broadcast_in_dim3A_275 : vector<1x8xi1>, vector<1x8xi32>
    %slice3A_277 = vector.extract_strided_slice %select_n3A_276 {offsets = [0, 1], sizes = [1, 7], strides = [1, 1]} : vector<1x8xi32> to vector<1x7xi32>
    %broadcast_in_dim3A_278 = arith.constant 8 : i32
    %broadcast_in_dim3A_279 = vector.broadcast %broadcast_in_dim3A_278 : i32 to vector<1x1xi32>
    %concatenate3A_280 = tpu.concatenate %slice3A_277, %broadcast_in_dim3A_279 in 1 : vector<1x7xi32>, vector<1x1xi32> -> vector<1x8xi32>
    %slice3A_281 = vector.extract_strided_slice %concatenate3A_280 {offsets = [0, 1], sizes = [1, 7], strides = [1, 1]} : vector<1x8xi32> to vector<1x7xi32>
    %broadcast_in_dim3A_282 = arith.constant 8 : i32
    %broadcast_in_dim3A_283 = vector.broadcast %broadcast_in_dim3A_282 : i32 to vector<1x1xi32>
    %concatenate3A_284 = tpu.concatenate %slice3A_281, %broadcast_in_dim3A_283 in 1 : vector<1x7xi32>, vector<1x1xi32> -> vector<1x8xi32>
    %min3A_285 = arith.minsi %concatenate3A_280, %concatenate3A_284 : vector<1x8xi32>
    %slice3A_286 = vector.extract_strided_slice %min3A_285 {offsets = [0, 2], sizes = [1, 6], strides = [1, 1]} : vector<1x8xi32> to vector<1x6xi32>
    %broadcast_in_dim3A_287 = arith.constant 8 : i32
    %broadcast_in_dim3A_288 = vector.broadcast %broadcast_in_dim3A_287 : i32 to vector<1x2xi32>
    %concatenate3A_289 = tpu.concatenate %slice3A_286, %broadcast_in_dim3A_288 in 1 : vector<1x6xi32>, vector<1x2xi32> -> vector<1x8xi32>
    %min3A_290 = arith.minsi %min3A_285, %concatenate3A_289 : vector<1x8xi32>
    %slice3A_291 = vector.extract_strided_slice %min3A_290 {offsets = [0, 4], sizes = [1, 4], strides = [1, 1]} : vector<1x8xi32> to vector<1x4xi32>
    %broadcast_in_dim3A_292 = arith.constant 8 : i32
    %broadcast_in_dim3A_293 = vector.broadcast %broadcast_in_dim3A_292 : i32 to vector<1x4xi32>
    %concatenate3A_294 = tpu.concatenate %slice3A_291, %broadcast_in_dim3A_293 in 1 : vector<1x4xi32>, vector<1x4xi32> -> vector<1x8xi32>
    %min3A_295 = arith.minsi %min3A_290, %concatenate3A_294 : vector<1x8xi32>
    %gt3A_296 = arith.constant 7 : i32
    %gt3A_297 = vector.broadcast %gt3A_296 : i32 to vector<1x8xi32>
    %gt3A_298 = arith.cmpi sgt, %min3A_295, %gt3A_297 : vector<1x8xi32>
    %jit3A_299 = arith.constant -1 : i32
    %broadcast_in_dim3A_300 = vector.broadcast %jit3A_299 : i32 to vector<1x8xi32>
    %select_n3A_301 = arith.select %gt3A_298, %broadcast_in_dim3A_300, %min3A_295 : vector<1x8xi1>, vector<1x8xi32>
    %iota3A_302 = tpu.iota {dimensions = array<i32: 1>} : vector<128x8xi32>
    %eq3A_303 = vector.broadcast %min3A_162 : vector<128x1xi32> to vector<128x8xi32>
    %eq3A_304 = arith.cmpi eq, %iota3A_302, %eq3A_303 : vector<128x8xi32>
    %convert_element_type3A_305 = arith.extui %eq3A_304 : vector<128x8xi1> to vector<128x8xi32>
    %mul3A_306 = vector.broadcast %select_n3A_301 : vector<1x8xi32> to vector<128x8xi32>
    %mul3A_307 = arith.muli %convert_element_type3A_305, %mul3A_306 : vector<128x8xi32>
    %reduce_sum3A_308 = arith.constant dense<0> : vector<128xi32>
    %reduce_sum3A_309 = vector.multi_reduction <add>, %mul3A_307, %reduce_sum3A_308 [1] : vector<128x8xi32> to vector<128xi32>
    %broadcast_in_dim3A_310 = vector.shape_cast %reduce_sum3A_309 : vector<128xi32> to vector<128x1xi32>
    %eq3A_311 = arith.constant 16 : i32
    %eq3A_312 = vector.broadcast %eq3A_311 : i32 to vector<128x1xi32>
    %eq3A_313 = arith.cmpi eq, %iota3A_163, %eq3A_312 : vector<128x1xi32>
    %broadcast_in_dim3A_314 = vector.shape_cast %select_n3A_195 : vector<1x1xi32> to vector<1x1xi32>
    %broadcast_in_dim3A_315 = vector.broadcast %broadcast_in_dim3A_314 : vector<1x1xi32> to vector<128x1xi32>
    %select_n3A_316 = arith.select %eq3A_313, %broadcast_in_dim3A_315, %min3A_162 : vector<128x1xi1>, vector<128x1xi32>
    %concatenate3A_317 = tpu.concatenate %select_n3A_316, %select_n3A_269, %convert_element_type3A_212, %broadcast_in_dim3A_310 in 1 : vector<128x1xi32>, vector<128x1xi32>, vector<128x1xi32>, vector<128x1xi32> -> vector<128x4xi32>
    %transpose3A = tpu.transpose %concatenate3A_317, [1, 0] : vector<128x4xi32> -> vector<4x128xi32>
    %swap3A_318 = arith.constant 0 : index
    %swap3A_319 = arith.constant 0 : index
    %swap3A_320 = vector.load %arg5[%swap3A_318, %swap3A_319] : memref<4x128xi32, #tpu.memory_space<vmem>>, vector<4x128xi32>
    tpu.vector_store %arg5[%swap3A_318, %swap3A_319], %transpose3A {strides = array<i32>} : memref<4x128xi32, #tpu.memory_space<vmem>>, vector<4x128xi32>,
    return
  }
}

module attributes {stable_mosaic.version = 14 : i64} {
  func.func @body(%arg0: i32, %arg1: memref<512xi32, #tpu.memory_space<smem>>, %arg2: memref<256x768xf32, #tpu.memory_space<vmem>>, %arg3: memref<256x128xf32, #tpu.memory_space<vmem>>, %arg4: memref<8x768x768xf32, #tpu.memory_space<any>>, %arg5: memref<8x768x768xf32, #tpu.memory_space<any>>, %arg6: memref<8x768x768xf32, #tpu.memory_space<any>>, %arg7: memref<768x8xf32, #tpu.memory_space<vmem>>, %arg8: memref<256x768xf32, #tpu.memory_space<vmem>>, %arg9: memref<256x128xf32, #tpu.memory_space<vmem>>, %arg10: memref<2x3x768x768xf32, #tpu.memory_space<vmem>>, %arg11: memref<!tpu.dma_semaphore, #tpu.memory_space<semaphore_mem>>, %arg12: memref<!tpu.dma_semaphore, #tpu.memory_space<semaphore_mem>>) attributes {dimension_semantics = [#tpu.dimension_semantics<arbitrary>], iteration_bounds = array<i64: 16>, scalar_prefetch = 1 : i64, scratch_operands = 3 : i64, tpu.core_type = #tpu.core_type<tc>, window_params = [{transform_indices = @transform_0, window_bounds = array<i64: 256, 768>}, {transform_indices = @transform_1, window_bounds = array<i64: 256, 128>}, {}, {}, {}, {pipeline_mode = #tpu.pipeline_mode<synchronous>, transform_indices = @transform_5, window_bounds = array<i64: 768, 8>}, {transform_indices = @transform_6, window_bounds = array<i64: 256, 768>}, {transform_indices = @transform_7, window_bounds = array<i64: 256, 128>}]} {
    %get3A = arith.index_cast %arg0 : i32 to index
    %get3A_0 = memref.load %arg1[%get3A] : memref<512xi32, #tpu.memory_space<smem>>
    %add3A = arith.constant 128 : i32
    %add3A_1 = arith.addi %add3A, %arg0 : i32
    %get3A_2 = arith.index_cast %add3A_1 : i32 to index
    %get3A_3 = memref.load %arg1[%get3A_2] : memref<512xi32, #tpu.memory_space<smem>>
    %add3A_4 = arith.constant 256 : i32
    %add3A_5 = arith.addi %add3A_4, %arg0 : i32
    %get3A_6 = arith.index_cast %add3A_5 : i32 to index
    %get3A_7 = memref.load %arg1[%get3A_6] : memref<512xi32, #tpu.memory_space<smem>>
    %add3A_8 = arith.constant 384 : i32
    %add3A_9 = arith.addi %add3A_8, %arg0 : i32
    %get3A_10 = arith.index_cast %add3A_9 : i32 to index
    %get3A_11 = memref.load %arg1[%get3A_10] : memref<512xi32, #tpu.memory_space<smem>>
    %get3A_12 = arith.constant 16 : index
    %get3A_13 = memref.load %arg1[%get3A_12] : memref<512xi32, #tpu.memory_space<smem>>
    %eq3A = arith.constant 0 : i32
    %eq3A_14 = arith.cmpi eq, %arg0, %eq3A : i32
    %convert_element_type3A = arith.extui %eq3A_14 : i1 to i32
    %cond3A = arith.constant 0 : i32
    %cond3A_15 = arith.cmpi ne, %convert_element_type3A, %cond3A : i32
    scf.if %cond3A_15 {
      %dma_start3A = arith.constant 0 : i32
      %dma_start3A_19 = arith.constant 0 : i32
      %dma_start3A_20 = arith.constant 0 : i32
      %dma_start3A_21 = arith.constant 0 : i32
      %dma_start3A_22 = tpu.memref_slice %arg10[%dma_start3A, %dma_start3A_19, %dma_start3A_20, %dma_start3A_21] : memref<2x3x768x768xf32, #tpu.memory_space<vmem>> -> memref<1x1x768x768xf32, #tpu.memory_space<vmem>>
      %dma_start3A_23 = tpu.memref_squeeze %dma_start3A_22 : memref<1x1x768x768xf32, #tpu.memory_space<vmem>> -> memref<768x768xf32, #tpu.memory_space<vmem>>
      %dma_start3A_24 = arith.constant 0 : i32
      %dma_start3A_25 = arith.constant 0 : i32
      %dma_start3A_26 = tpu.memref_slice %arg4[%get3A_0, %dma_start3A_24, %dma_start3A_25] : memref<8x768x768xf32, #tpu.memory_space<any>> -> memref<1x768x768xf32, #tpu.memory_space<any>>
      %dma_start3A_27 = tpu.memref_squeeze %dma_start3A_26 : memref<1x768x768xf32, #tpu.memory_space<any>> -> memref<768x768xf32, #tpu.memory_space<any>>
      tpu.enqueue_dma source(%dma_start3A_27 : memref<768x768xf32, #tpu.memory_space<any>>) target(%dma_start3A_23 : memref<768x768xf32, #tpu.memory_space<vmem>>) target_semaphore(%arg11 : memref<!tpu.dma_semaphore, #tpu.memory_space<semaphore_mem>>)
      %dma_start3A_28 = arith.constant 0 : i32
      %dma_start3A_29 = arith.constant 1 : i32
      %dma_start3A_30 = arith.constant 0 : i32
      %dma_start3A_31 = arith.constant 0 : i32
      %dma_start3A_32 = tpu.memref_slice %arg10[%dma_start3A_28, %dma_start3A_29, %dma_start3A_30, %dma_start3A_31] : memref<2x3x768x768xf32, #tpu.memory_space<vmem>> -> memref<1x1x768x768xf32, #tpu.memory_space<vmem>>
      %dma_start3A_33 = tpu.memref_squeeze %dma_start3A_32 : memref<1x1x768x768xf32, #tpu.memory_space<vmem>> -> memref<768x768xf32, #tpu.memory_space<vmem>>
      %dma_start3A_34 = arith.constant 0 : i32
      %dma_start3A_35 = arith.constant 0 : i32
      %dma_start3A_36 = tpu.memref_slice %arg5[%get3A_0, %dma_start3A_34, %dma_start3A_35] : memref<8x768x768xf32, #tpu.memory_space<any>> -> memref<1x768x768xf32, #tpu.memory_space<any>>
      %dma_start3A_37 = tpu.memref_squeeze %dma_start3A_36 : memref<1x768x768xf32, #tpu.memory_space<any>> -> memref<768x768xf32, #tpu.memory_space<any>>
      tpu.enqueue_dma source(%dma_start3A_37 : memref<768x768xf32, #tpu.memory_space<any>>) target(%dma_start3A_33 : memref<768x768xf32, #tpu.memory_space<vmem>>) target_semaphore(%arg11 : memref<!tpu.dma_semaphore, #tpu.memory_space<semaphore_mem>>)
      %dma_start3A_38 = arith.constant 0 : i32
      %dma_start3A_39 = arith.constant 2 : i32
      %dma_start3A_40 = arith.constant 0 : i32
      %dma_start3A_41 = arith.constant 0 : i32
      %dma_start3A_42 = tpu.memref_slice %arg10[%dma_start3A_38, %dma_start3A_39, %dma_start3A_40, %dma_start3A_41] : memref<2x3x768x768xf32, #tpu.memory_space<vmem>> -> memref<1x1x768x768xf32, #tpu.memory_space<vmem>>
      %dma_start3A_43 = tpu.memref_squeeze %dma_start3A_42 : memref<1x1x768x768xf32, #tpu.memory_space<vmem>> -> memref<768x768xf32, #tpu.memory_space<vmem>>
      %dma_start3A_44 = arith.constant 0 : i32
      %dma_start3A_45 = arith.constant 0 : i32
      %dma_start3A_46 = tpu.memref_slice %arg6[%get3A_0, %dma_start3A_44, %dma_start3A_45] : memref<8x768x768xf32, #tpu.memory_space<any>> -> memref<1x768x768xf32, #tpu.memory_space<any>>
      %dma_start3A_47 = tpu.memref_squeeze %dma_start3A_46 : memref<1x768x768xf32, #tpu.memory_space<any>> -> memref<768x768xf32, #tpu.memory_space<any>>
      tpu.enqueue_dma source(%dma_start3A_47 : memref<768x768xf32, #tpu.memory_space<any>>) target(%dma_start3A_43 : memref<768x768xf32, #tpu.memory_space<vmem>>) target_semaphore(%arg11 : memref<!tpu.dma_semaphore, #tpu.memory_space<semaphore_mem>>)
    } else {
    }
    %lt3A = arith.cmpi slt, %arg0, %get3A_13 : i32
    %convert_element_type3A_16 = arith.extui %lt3A : i1 to i32
    %cond3A_17 = arith.constant 0 : i32
    %cond3A_18 = arith.cmpi ne, %convert_element_type3A_16, %cond3A_17 : i32
    scf.if %cond3A_18 {
      %eq3A_19 = arith.constant 1 : i32
      %eq3A_20 = arith.cmpi eq, %get3A_7, %eq3A_19 : i32
      %ge3A = arith.constant 0 : i32
      %ge3A_21 = arith.cmpi sge, %get3A_11, %ge3A : i32
      %and3A = arith.andi %eq3A_20, %ge3A_21 : i1
      %eq3A_22 = arith.constant 0 : i32
      %eq3A_23 = arith.cmpi eq, %get3A_3, %eq3A_22 : i32
      %and3A_24 = arith.andi %and3A, %eq3A_23 : i1
      %convert_element_type3A_25 = arith.extui %and3A_24 : i1 to i32
      %cond3A_26 = arith.constant 0 : i32
      %cond3A_27 = arith.cmpi ne, %convert_element_type3A_25, %cond3A_26 : i32
      scf.if %cond3A_27 {
        %dma_start3A = arith.constant 1 : i32
        %dma_start3A_130 = arith.constant 0 : i32
        %dma_start3A_131 = arith.constant 0 : i32
        %dma_start3A_132 = arith.constant 0 : i32
        %dma_start3A_133 = tpu.memref_slice %arg10[%dma_start3A, %dma_start3A_130, %dma_start3A_131, %dma_start3A_132] : memref<2x3x768x768xf32, #tpu.memory_space<vmem>> -> memref<1x1x768x768xf32, #tpu.memory_space<vmem>>
        %dma_start3A_134 = tpu.memref_squeeze %dma_start3A_133 : memref<1x1x768x768xf32, #tpu.memory_space<vmem>> -> memref<768x768xf32, #tpu.memory_space<vmem>>
        %dma_start3A_135 = arith.constant 0 : i32
        %dma_start3A_136 = arith.constant 0 : i32
        %dma_start3A_137 = tpu.memref_slice %arg4[%get3A_11, %dma_start3A_135, %dma_start3A_136] : memref<8x768x768xf32, #tpu.memory_space<any>> -> memref<1x768x768xf32, #tpu.memory_space<any>>
        %dma_start3A_138 = tpu.memref_squeeze %dma_start3A_137 : memref<1x768x768xf32, #tpu.memory_space<any>> -> memref<768x768xf32, #tpu.memory_space<any>>
        tpu.enqueue_dma source(%dma_start3A_138 : memref<768x768xf32, #tpu.memory_space<any>>) target(%dma_start3A_134 : memref<768x768xf32, #tpu.memory_space<vmem>>) target_semaphore(%arg12 : memref<!tpu.dma_semaphore, #tpu.memory_space<semaphore_mem>>)
        %dma_start3A_139 = arith.constant 1 : i32
        %dma_start3A_140 = arith.constant 1 : i32
        %dma_start3A_141 = arith.constant 0 : i32
        %dma_start3A_142 = arith.constant 0 : i32
        %dma_start3A_143 = tpu.memref_slice %arg10[%dma_start3A_139, %dma_start3A_140, %dma_start3A_141, %dma_start3A_142] : memref<2x3x768x768xf32, #tpu.memory_space<vmem>> -> memref<1x1x768x768xf32, #tpu.memory_space<vmem>>
        %dma_start3A_144 = tpu.memref_squeeze %dma_start3A_143 : memref<1x1x768x768xf32, #tpu.memory_space<vmem>> -> memref<768x768xf32, #tpu.memory_space<vmem>>
        %dma_start3A_145 = arith.constant 0 : i32
        %dma_start3A_146 = arith.constant 0 : i32
        %dma_start3A_147 = tpu.memref_slice %arg5[%get3A_11, %dma_start3A_145, %dma_start3A_146] : memref<8x768x768xf32, #tpu.memory_space<any>> -> memref<1x768x768xf32, #tpu.memory_space<any>>
        %dma_start3A_148 = tpu.memref_squeeze %dma_start3A_147 : memref<1x768x768xf32, #tpu.memory_space<any>> -> memref<768x768xf32, #tpu.memory_space<any>>
        tpu.enqueue_dma source(%dma_start3A_148 : memref<768x768xf32, #tpu.memory_space<any>>) target(%dma_start3A_144 : memref<768x768xf32, #tpu.memory_space<vmem>>) target_semaphore(%arg12 : memref<!tpu.dma_semaphore, #tpu.memory_space<semaphore_mem>>)
        %dma_start3A_149 = arith.constant 1 : i32
        %dma_start3A_150 = arith.constant 2 : i32
        %dma_start3A_151 = arith.constant 0 : i32
        %dma_start3A_152 = arith.constant 0 : i32
        %dma_start3A_153 = tpu.memref_slice %arg10[%dma_start3A_149, %dma_start3A_150, %dma_start3A_151, %dma_start3A_152] : memref<2x3x768x768xf32, #tpu.memory_space<vmem>> -> memref<1x1x768x768xf32, #tpu.memory_space<vmem>>
        %dma_start3A_154 = tpu.memref_squeeze %dma_start3A_153 : memref<1x1x768x768xf32, #tpu.memory_space<vmem>> -> memref<768x768xf32, #tpu.memory_space<vmem>>
        %dma_start3A_155 = arith.constant 0 : i32
        %dma_start3A_156 = arith.constant 0 : i32
        %dma_start3A_157 = tpu.memref_slice %arg6[%get3A_11, %dma_start3A_155, %dma_start3A_156] : memref<8x768x768xf32, #tpu.memory_space<any>> -> memref<1x768x768xf32, #tpu.memory_space<any>>
        %dma_start3A_158 = tpu.memref_squeeze %dma_start3A_157 : memref<1x768x768xf32, #tpu.memory_space<any>> -> memref<768x768xf32, #tpu.memory_space<any>>
        tpu.enqueue_dma source(%dma_start3A_158 : memref<768x768xf32, #tpu.memory_space<any>>) target(%dma_start3A_154 : memref<768x768xf32, #tpu.memory_space<vmem>>) target_semaphore(%arg12 : memref<!tpu.dma_semaphore, #tpu.memory_space<semaphore_mem>>)
      } else {
      }
      %eq3A_28 = arith.constant 1 : i32
      %eq3A_29 = arith.cmpi eq, %get3A_7, %eq3A_28 : i32
      %ge3A_30 = arith.constant 0 : i32
      %ge3A_31 = arith.cmpi sge, %get3A_11, %ge3A_30 : i32
      %and3A_32 = arith.andi %eq3A_29, %ge3A_31 : i1
      %eq3A_33 = arith.constant 1 : i32
      %eq3A_34 = arith.cmpi eq, %get3A_3, %eq3A_33 : i32
      %and3A_35 = arith.andi %and3A_32, %eq3A_34 : i1
      %convert_element_type3A_36 = arith.extui %and3A_35 : i1 to i32
      %cond3A_37 = arith.constant 0 : i32
      %cond3A_38 = arith.cmpi ne, %convert_element_type3A_36, %cond3A_37 : i32
      scf.if %cond3A_38 {
        %dma_start3A = arith.constant 0 : i32
        %dma_start3A_130 = arith.constant 0 : i32
        %dma_start3A_131 = arith.constant 0 : i32
        %dma_start3A_132 = arith.constant 0 : i32
        %dma_start3A_133 = tpu.memref_slice %arg10[%dma_start3A, %dma_start3A_130, %dma_start3A_131, %dma_start3A_132] : memref<2x3x768x768xf32, #tpu.memory_space<vmem>> -> memref<1x1x768x768xf32, #tpu.memory_space<vmem>>
        %dma_start3A_134 = tpu.memref_squeeze %dma_start3A_133 : memref<1x1x768x768xf32, #tpu.memory_space<vmem>> -> memref<768x768xf32, #tpu.memory_space<vmem>>
        %dma_start3A_135 = arith.constant 0 : i32
        %dma_start3A_136 = arith.constant 0 : i32
        %dma_start3A_137 = tpu.memref_slice %arg4[%get3A_11, %dma_start3A_135, %dma_start3A_136] : memref<8x768x768xf32, #tpu.memory_space<any>> -> memref<1x768x768xf32, #tpu.memory_space<any>>
        %dma_start3A_138 = tpu.memref_squeeze %dma_start3A_137 : memref<1x768x768xf32, #tpu.memory_space<any>> -> memref<768x768xf32, #tpu.memory_space<any>>
        tpu.enqueue_dma source(%dma_start3A_138 : memref<768x768xf32, #tpu.memory_space<any>>) target(%dma_start3A_134 : memref<768x768xf32, #tpu.memory_space<vmem>>) target_semaphore(%arg11 : memref<!tpu.dma_semaphore, #tpu.memory_space<semaphore_mem>>)
        %dma_start3A_139 = arith.constant 0 : i32
        %dma_start3A_140 = arith.constant 1 : i32
        %dma_start3A_141 = arith.constant 0 : i32
        %dma_start3A_142 = arith.constant 0 : i32
        %dma_start3A_143 = tpu.memref_slice %arg10[%dma_start3A_139, %dma_start3A_140, %dma_start3A_141, %dma_start3A_142] : memref<2x3x768x768xf32, #tpu.memory_space<vmem>> -> memref<1x1x768x768xf32, #tpu.memory_space<vmem>>
        %dma_start3A_144 = tpu.memref_squeeze %dma_start3A_143 : memref<1x1x768x768xf32, #tpu.memory_space<vmem>> -> memref<768x768xf32, #tpu.memory_space<vmem>>
        %dma_start3A_145 = arith.constant 0 : i32
        %dma_start3A_146 = arith.constant 0 : i32
        %dma_start3A_147 = tpu.memref_slice %arg5[%get3A_11, %dma_start3A_145, %dma_start3A_146] : memref<8x768x768xf32, #tpu.memory_space<any>> -> memref<1x768x768xf32, #tpu.memory_space<any>>
        %dma_start3A_148 = tpu.memref_squeeze %dma_start3A_147 : memref<1x768x768xf32, #tpu.memory_space<any>> -> memref<768x768xf32, #tpu.memory_space<any>>
        tpu.enqueue_dma source(%dma_start3A_148 : memref<768x768xf32, #tpu.memory_space<any>>) target(%dma_start3A_144 : memref<768x768xf32, #tpu.memory_space<vmem>>) target_semaphore(%arg11 : memref<!tpu.dma_semaphore, #tpu.memory_space<semaphore_mem>>)
        %dma_start3A_149 = arith.constant 0 : i32
        %dma_start3A_150 = arith.constant 2 : i32
        %dma_start3A_151 = arith.constant 0 : i32
        %dma_start3A_152 = arith.constant 0 : i32
        %dma_start3A_153 = tpu.memref_slice %arg10[%dma_start3A_149, %dma_start3A_150, %dma_start3A_151, %dma_start3A_152] : memref<2x3x768x768xf32, #tpu.memory_space<vmem>> -> memref<1x1x768x768xf32, #tpu.memory_space<vmem>>
        %dma_start3A_154 = tpu.memref_squeeze %dma_start3A_153 : memref<1x1x768x768xf32, #tpu.memory_space<vmem>> -> memref<768x768xf32, #tpu.memory_space<vmem>>
        %dma_start3A_155 = arith.constant 0 : i32
        %dma_start3A_156 = arith.constant 0 : i32
        %dma_start3A_157 = tpu.memref_slice %arg6[%get3A_11, %dma_start3A_155, %dma_start3A_156] : memref<8x768x768xf32, #tpu.memory_space<any>> -> memref<1x768x768xf32, #tpu.memory_space<any>>
        %dma_start3A_158 = tpu.memref_squeeze %dma_start3A_157 : memref<1x768x768xf32, #tpu.memory_space<any>> -> memref<768x768xf32, #tpu.memory_space<any>>
        tpu.enqueue_dma source(%dma_start3A_158 : memref<768x768xf32, #tpu.memory_space<any>>) target(%dma_start3A_154 : memref<768x768xf32, #tpu.memory_space<vmem>>) target_semaphore(%arg11 : memref<!tpu.dma_semaphore, #tpu.memory_space<semaphore_mem>>)
      } else {
      }
      %get3A_39 = arith.constant 0 : index
      %get3A_40 = arith.constant 0 : index
      %get3A_41 = vector.load %arg3[%get3A_39, %get3A_40] : memref<256x128xf32, #tpu.memory_space<vmem>>, vector<256x1xf32>
      %eq3A_42 = arith.constant 1 : i32
      %eq3A_43 = arith.cmpi eq, %get3A_7, %eq3A_42 : i32
      %eq3A_44 = arith.constant 0 : i32
      %eq3A_45 = arith.cmpi eq, %get3A_3, %eq3A_44 : i32
      %and3A_46 = arith.andi %eq3A_43, %eq3A_45 : i1
      %convert_element_type3A_47 = arith.extui %and3A_46 : i1 to i32
      %cond3A_48 = arith.constant 0 : i32
      %cond3A_49 = arith.cmpi ne, %convert_element_type3A_47, %cond3A_48 : i32
      scf.if %cond3A_49 {
        %dma_wait3A = arith.constant 0 : i32
        %dma_wait3A_130 = arith.constant 0 : i32
        %dma_wait3A_131 = arith.constant 0 : i32
        %dma_wait3A_132 = arith.constant 0 : i32
        %dma_wait3A_133 = arith.constant 0 : i32
        %dma_wait3A_134 = tpu.memref_slice %arg10[%dma_wait3A_130, %dma_wait3A_131, %dma_wait3A_132, %dma_wait3A_133] : memref<2x3x768x768xf32, #tpu.memory_space<vmem>> -> memref<1x1x768x768xf32, #tpu.memory_space<vmem>>
        %dma_wait3A_135 = tpu.memref_squeeze %dma_wait3A_134 : memref<1x1x768x768xf32, #tpu.memory_space<vmem>> -> memref<768x768xf32, #tpu.memory_space<vmem>>
        %dma_wait3A_136 = arith.constant 0 : i32
        %dma_wait3A_137 = arith.constant 0 : i32
        %dma_wait3A_138 = tpu.memref_slice %arg4[%dma_wait3A, %dma_wait3A_136, %dma_wait3A_137] : memref<8x768x768xf32, #tpu.memory_space<any>> -> memref<1x768x768xf32, #tpu.memory_space<any>>
        %dma_wait3A_139 = tpu.memref_squeeze %dma_wait3A_138 : memref<1x768x768xf32, #tpu.memory_space<any>> -> memref<768x768xf32, #tpu.memory_space<any>>
        tpu.wait_dma2 semaphore(%arg11 : memref<!tpu.dma_semaphore, #tpu.memory_space<semaphore_mem>>) src(%dma_wait3A_139 : memref<768x768xf32, #tpu.memory_space<any>>) dst(%dma_wait3A_135 : memref<768x768xf32, #tpu.memory_space<vmem>>)
      } else {
      }
      %eq3A_50 = arith.constant 1 : i32
      %eq3A_51 = arith.cmpi eq, %get3A_7, %eq3A_50 : i32
      %eq3A_52 = arith.constant 1 : i32
      %eq3A_53 = arith.cmpi eq, %get3A_3, %eq3A_52 : i32
      %and3A_54 = arith.andi %eq3A_51, %eq3A_53 : i1
      %convert_element_type3A_55 = arith.extui %and3A_54 : i1 to i32
      %cond3A_56 = arith.constant 0 : i32
      %cond3A_57 = arith.cmpi ne, %convert_element_type3A_55, %cond3A_56 : i32
      scf.if %cond3A_57 {
        %dma_wait3A = arith.constant 0 : i32
        %dma_wait3A_130 = arith.constant 1 : i32
        %dma_wait3A_131 = arith.constant 0 : i32
        %dma_wait3A_132 = arith.constant 0 : i32
        %dma_wait3A_133 = arith.constant 0 : i32
        %dma_wait3A_134 = tpu.memref_slice %arg10[%dma_wait3A_130, %dma_wait3A_131, %dma_wait3A_132, %dma_wait3A_133] : memref<2x3x768x768xf32, #tpu.memory_space<vmem>> -> memref<1x1x768x768xf32, #tpu.memory_space<vmem>>
        %dma_wait3A_135 = tpu.memref_squeeze %dma_wait3A_134 : memref<1x1x768x768xf32, #tpu.memory_space<vmem>> -> memref<768x768xf32, #tpu.memory_space<vmem>>
        %dma_wait3A_136 = arith.constant 0 : i32
        %dma_wait3A_137 = arith.constant 0 : i32
        %dma_wait3A_138 = tpu.memref_slice %arg4[%dma_wait3A, %dma_wait3A_136, %dma_wait3A_137] : memref<8x768x768xf32, #tpu.memory_space<any>> -> memref<1x768x768xf32, #tpu.memory_space<any>>
        %dma_wait3A_139 = tpu.memref_squeeze %dma_wait3A_138 : memref<1x768x768xf32, #tpu.memory_space<any>> -> memref<768x768xf32, #tpu.memory_space<any>>
        tpu.wait_dma2 semaphore(%arg12 : memref<!tpu.dma_semaphore, #tpu.memory_space<semaphore_mem>>) src(%dma_wait3A_139 : memref<768x768xf32, #tpu.memory_space<any>>) dst(%dma_wait3A_135 : memref<768x768xf32, #tpu.memory_space<vmem>>)
      } else {
      }
      %get3A_58 = arith.constant 0 : index
      %get3A_59 = arith.constant 0 : index
      %get3A_60 = vector.load %arg2[%get3A_58, %get3A_59] : memref<256x768xf32, #tpu.memory_space<vmem>>, vector<256x768xf32>
      %get3A_61 = arith.index_cast %get3A_3 : i32 to index
      %get3A_62 = arith.constant 0 : index
      %get3A_63 = arith.constant 0 : index
      %get3A_64 = arith.constant 0 : index
      %get3A_65 = vector.load %arg10[%get3A_61, %get3A_62, %get3A_63, %get3A_64] : memref<2x3x768x768xf32, #tpu.memory_space<vmem>>, vector<1x1x768x768xf32>
      %get3A_66 = vector.shape_cast %get3A_65 : vector<1x1x768x768xf32> to vector<768x768xf32>
      %dot_general3A = arith.constant dense<0.000000e+00> : vector<256x768xf32>
      %dot_general3A_67 = tpu.matmul %get3A_60, %get3A_66, %dot_general3A {dimension_numbers = #tpu.dot_dimension_numbers<[1], [0], [0], [1], [0, 0, 1, 1], [], []>, transpose_lhs_hint = false} : vector<256x768xf32>, vector<768x768xf32>, vector<256x768xf32> -> vector<256x768xf32>
      %max3A = arith.constant 0.000000e+00 : f32
      %max3A_68 = vector.broadcast %max3A : f32 to vector<256x768xf32>
      %max3A_69 = arith.maximumf %dot_general3A_67, %max3A_68 : vector<256x768xf32>
      %eq3A_70 = arith.constant 1 : i32
      %eq3A_71 = arith.cmpi eq, %get3A_7, %eq3A_70 : i32
      %eq3A_72 = arith.constant 0 : i32
      %eq3A_73 = arith.cmpi eq, %get3A_3, %eq3A_72 : i32
      %and3A_74 = arith.andi %eq3A_71, %eq3A_73 : i1
      %convert_element_type3A_75 = arith.extui %and3A_74 : i1 to i32
      %cond3A_76 = arith.constant 0 : i32
      %cond3A_77 = arith.cmpi ne, %convert_element_type3A_75, %cond3A_76 : i32
      scf.if %cond3A_77 {
        %dma_wait3A = arith.constant 0 : i32
        %dma_wait3A_130 = arith.constant 0 : i32
        %dma_wait3A_131 = arith.constant 1 : i32
        %dma_wait3A_132 = arith.constant 0 : i32
        %dma_wait3A_133 = arith.constant 0 : i32
        %dma_wait3A_134 = tpu.memref_slice %arg10[%dma_wait3A_130, %dma_wait3A_131, %dma_wait3A_132, %dma_wait3A_133] : memref<2x3x768x768xf32, #tpu.memory_space<vmem>> -> memref<1x1x768x768xf32, #tpu.memory_space<vmem>>
        %dma_wait3A_135 = tpu.memref_squeeze %dma_wait3A_134 : memref<1x1x768x768xf32, #tpu.memory_space<vmem>> -> memref<768x768xf32, #tpu.memory_space<vmem>>
        %dma_wait3A_136 = arith.constant 0 : i32
        %dma_wait3A_137 = arith.constant 0 : i32
        %dma_wait3A_138 = tpu.memref_slice %arg5[%dma_wait3A, %dma_wait3A_136, %dma_wait3A_137] : memref<8x768x768xf32, #tpu.memory_space<any>> -> memref<1x768x768xf32, #tpu.memory_space<any>>
        %dma_wait3A_139 = tpu.memref_squeeze %dma_wait3A_138 : memref<1x768x768xf32, #tpu.memory_space<any>> -> memref<768x768xf32, #tpu.memory_space<any>>
        tpu.wait_dma2 semaphore(%arg11 : memref<!tpu.dma_semaphore, #tpu.memory_space<semaphore_mem>>) src(%dma_wait3A_139 : memref<768x768xf32, #tpu.memory_space<any>>) dst(%dma_wait3A_135 : memref<768x768xf32, #tpu.memory_space<vmem>>)
      } else {
      }
      %eq3A_78 = arith.constant 1 : i32
      %eq3A_79 = arith.cmpi eq, %get3A_7, %eq3A_78 : i32
      %eq3A_80 = arith.constant 1 : i32
      %eq3A_81 = arith.cmpi eq, %get3A_3, %eq3A_80 : i32
      %and3A_82 = arith.andi %eq3A_79, %eq3A_81 : i1
      %convert_element_type3A_83 = arith.extui %and3A_82 : i1 to i32
      %cond3A_84 = arith.constant 0 : i32
      %cond3A_85 = arith.cmpi ne, %convert_element_type3A_83, %cond3A_84 : i32
      scf.if %cond3A_85 {
        %dma_wait3A = arith.constant 0 : i32
        %dma_wait3A_130 = arith.constant 1 : i32
        %dma_wait3A_131 = arith.constant 1 : i32
        %dma_wait3A_132 = arith.constant 0 : i32
        %dma_wait3A_133 = arith.constant 0 : i32
        %dma_wait3A_134 = tpu.memref_slice %arg10[%dma_wait3A_130, %dma_wait3A_131, %dma_wait3A_132, %dma_wait3A_133] : memref<2x3x768x768xf32, #tpu.memory_space<vmem>> -> memref<1x1x768x768xf32, #tpu.memory_space<vmem>>
        %dma_wait3A_135 = tpu.memref_squeeze %dma_wait3A_134 : memref<1x1x768x768xf32, #tpu.memory_space<vmem>> -> memref<768x768xf32, #tpu.memory_space<vmem>>
        %dma_wait3A_136 = arith.constant 0 : i32
        %dma_wait3A_137 = arith.constant 0 : i32
        %dma_wait3A_138 = tpu.memref_slice %arg5[%dma_wait3A, %dma_wait3A_136, %dma_wait3A_137] : memref<8x768x768xf32, #tpu.memory_space<any>> -> memref<1x768x768xf32, #tpu.memory_space<any>>
        %dma_wait3A_139 = tpu.memref_squeeze %dma_wait3A_138 : memref<1x768x768xf32, #tpu.memory_space<any>> -> memref<768x768xf32, #tpu.memory_space<any>>
        tpu.wait_dma2 semaphore(%arg12 : memref<!tpu.dma_semaphore, #tpu.memory_space<semaphore_mem>>) src(%dma_wait3A_139 : memref<768x768xf32, #tpu.memory_space<any>>) dst(%dma_wait3A_135 : memref<768x768xf32, #tpu.memory_space<vmem>>)
      } else {
      }
      %get3A_86 = arith.index_cast %get3A_3 : i32 to index
      %get3A_87 = arith.constant 1 : index
      %get3A_88 = arith.constant 0 : index
      %get3A_89 = arith.constant 0 : index
      %get3A_90 = vector.load %arg10[%get3A_86, %get3A_87, %get3A_88, %get3A_89] : memref<2x3x768x768xf32, #tpu.memory_space<vmem>>, vector<1x1x768x768xf32>
      %get3A_91 = vector.shape_cast %get3A_90 : vector<1x1x768x768xf32> to vector<768x768xf32>
      %dot_general3A_92 = arith.constant dense<0.000000e+00> : vector<256x768xf32>
      %dot_general3A_93 = tpu.matmul %max3A_69, %get3A_91, %dot_general3A_92 {dimension_numbers = #tpu.dot_dimension_numbers<[1], [0], [0], [1], [0, 0, 1, 1], [], []>, transpose_lhs_hint = false} : vector<256x768xf32>, vector<768x768xf32>, vector<256x768xf32> -> vector<256x768xf32>
      %eq3A_94 = arith.constant 1 : i32
      %eq3A_95 = arith.cmpi eq, %get3A_7, %eq3A_94 : i32
      %eq3A_96 = arith.constant 0 : i32
      %eq3A_97 = arith.cmpi eq, %get3A_3, %eq3A_96 : i32
      %and3A_98 = arith.andi %eq3A_95, %eq3A_97 : i1
      %convert_element_type3A_99 = arith.extui %and3A_98 : i1 to i32
      %cond3A_100 = arith.constant 0 : i32
      %cond3A_101 = arith.cmpi ne, %convert_element_type3A_99, %cond3A_100 : i32
      scf.if %cond3A_101 {
        %dma_wait3A = arith.constant 0 : i32
        %dma_wait3A_130 = arith.constant 0 : i32
        %dma_wait3A_131 = arith.constant 2 : i32
        %dma_wait3A_132 = arith.constant 0 : i32
        %dma_wait3A_133 = arith.constant 0 : i32
        %dma_wait3A_134 = tpu.memref_slice %arg10[%dma_wait3A_130, %dma_wait3A_131, %dma_wait3A_132, %dma_wait3A_133] : memref<2x3x768x768xf32, #tpu.memory_space<vmem>> -> memref<1x1x768x768xf32, #tpu.memory_space<vmem>>
        %dma_wait3A_135 = tpu.memref_squeeze %dma_wait3A_134 : memref<1x1x768x768xf32, #tpu.memory_space<vmem>> -> memref<768x768xf32, #tpu.memory_space<vmem>>
        %dma_wait3A_136 = arith.constant 0 : i32
        %dma_wait3A_137 = arith.constant 0 : i32
        %dma_wait3A_138 = tpu.memref_slice %arg6[%dma_wait3A, %dma_wait3A_136, %dma_wait3A_137] : memref<8x768x768xf32, #tpu.memory_space<any>> -> memref<1x768x768xf32, #tpu.memory_space<any>>
        %dma_wait3A_139 = tpu.memref_squeeze %dma_wait3A_138 : memref<1x768x768xf32, #tpu.memory_space<any>> -> memref<768x768xf32, #tpu.memory_space<any>>
        tpu.wait_dma2 semaphore(%arg11 : memref<!tpu.dma_semaphore, #tpu.memory_space<semaphore_mem>>) src(%dma_wait3A_139 : memref<768x768xf32, #tpu.memory_space<any>>) dst(%dma_wait3A_135 : memref<768x768xf32, #tpu.memory_space<vmem>>)
      } else {
      }
      %eq3A_102 = arith.constant 1 : i32
      %eq3A_103 = arith.cmpi eq, %get3A_7, %eq3A_102 : i32
      %eq3A_104 = arith.constant 1 : i32
      %eq3A_105 = arith.cmpi eq, %get3A_3, %eq3A_104 : i32
      %and3A_106 = arith.andi %eq3A_103, %eq3A_105 : i1
      %convert_element_type3A_107 = arith.extui %and3A_106 : i1 to i32
      %cond3A_108 = arith.constant 0 : i32
      %cond3A_109 = arith.cmpi ne, %convert_element_type3A_107, %cond3A_108 : i32
      scf.if %cond3A_109 {
        %dma_wait3A = arith.constant 0 : i32
        %dma_wait3A_130 = arith.constant 1 : i32
        %dma_wait3A_131 = arith.constant 2 : i32
        %dma_wait3A_132 = arith.constant 0 : i32
        %dma_wait3A_133 = arith.constant 0 : i32
        %dma_wait3A_134 = tpu.memref_slice %arg10[%dma_wait3A_130, %dma_wait3A_131, %dma_wait3A_132, %dma_wait3A_133] : memref<2x3x768x768xf32, #tpu.memory_space<vmem>> -> memref<1x1x768x768xf32, #tpu.memory_space<vmem>>
        %dma_wait3A_135 = tpu.memref_squeeze %dma_wait3A_134 : memref<1x1x768x768xf32, #tpu.memory_space<vmem>> -> memref<768x768xf32, #tpu.memory_space<vmem>>
        %dma_wait3A_136 = arith.constant 0 : i32
        %dma_wait3A_137 = arith.constant 0 : i32
        %dma_wait3A_138 = tpu.memref_slice %arg6[%dma_wait3A, %dma_wait3A_136, %dma_wait3A_137] : memref<8x768x768xf32, #tpu.memory_space<any>> -> memref<1x768x768xf32, #tpu.memory_space<any>>
        %dma_wait3A_139 = tpu.memref_squeeze %dma_wait3A_138 : memref<1x768x768xf32, #tpu.memory_space<any>> -> memref<768x768xf32, #tpu.memory_space<any>>
        tpu.wait_dma2 semaphore(%arg12 : memref<!tpu.dma_semaphore, #tpu.memory_space<semaphore_mem>>) src(%dma_wait3A_139 : memref<768x768xf32, #tpu.memory_space<any>>) dst(%dma_wait3A_135 : memref<768x768xf32, #tpu.memory_space<vmem>>)
      } else {
      }
      %get3A_110 = arith.index_cast %get3A_3 : i32 to index
      %get3A_111 = arith.constant 2 : index
      %get3A_112 = arith.constant 0 : index
      %get3A_113 = arith.constant 0 : index
      %get3A_114 = vector.load %arg10[%get3A_110, %get3A_111, %get3A_112, %get3A_113] : memref<2x3x768x768xf32, #tpu.memory_space<vmem>>, vector<1x1x768x768xf32>
      %get3A_115 = vector.shape_cast %get3A_114 : vector<1x1x768x768xf32> to vector<768x768xf32>
      %dot_general3A_116 = arith.constant dense<0.000000e+00> : vector<256x768xf32>
      %dot_general3A_117 = tpu.matmul %dot_general3A_93, %get3A_115, %dot_general3A_116 {dimension_numbers = #tpu.dot_dimension_numbers<[1], [0], [0], [1], [0, 0, 1, 1], [], []>, transpose_lhs_hint = false} : vector<256x768xf32>, vector<768x768xf32>, vector<256x768xf32> -> vector<256x768xf32>
      %mul3A = vector.broadcast %get3A_41 : vector<256x1xf32> to vector<256x768xf32>
      %mul3A_118 = arith.mulf %dot_general3A_117, %mul3A : vector<256x768xf32>
      %swap3A = arith.constant 0 : index
      %swap3A_119 = arith.constant 0 : index
      %swap3A_120 = vector.load %arg8[%swap3A, %swap3A_119] : memref<256x768xf32, #tpu.memory_space<vmem>>, vector<256x768xf32>
      tpu.vector_store %arg8[%swap3A, %swap3A_119], %mul3A_118 {strides = array<i32>} : memref<256x768xf32, #tpu.memory_space<vmem>>, vector<256x768xf32>,
      %get3A_121 = arith.constant 0 : index
      %get3A_122 = arith.constant 0 : index
      %get3A_123 = vector.load %arg7[%get3A_121, %get3A_122] : memref<768x8xf32, #tpu.memory_space<vmem>>, vector<768x8xf32>
      %dot_general3A_124 = arith.constant dense<0.000000e+00> : vector<256x8xf32>
      %dot_general3A_125 = tpu.matmul %mul3A_118, %get3A_123, %dot_general3A_124 {dimension_numbers = #tpu.dot_dimension_numbers<[1], [0], [0], [1], [0, 0, 1, 1], [], []>, transpose_lhs_hint = false} : vector<256x768xf32>, vector<768x8xf32>, vector<256x8xf32> -> vector<256x8xf32>
      %broadcast_in_dim3A = arith.constant 0.000000e+00 : f32
      %broadcast_in_dim3A_126 = vector.broadcast %broadcast_in_dim3A : f32 to vector<256x120xf32>
      %concatenate3A = tpu.concatenate %dot_general3A_125, %broadcast_in_dim3A_126 in 1 : vector<256x8xf32>, vector<256x120xf32> -> vector<256x128xf32>
      %swap3A_127 = arith.constant 0 : index
      %swap3A_128 = arith.constant 0 : index
      %swap3A_129 = vector.load %arg9[%swap3A_127, %swap3A_128] : memref<256x128xf32, #tpu.memory_space<vmem>>, vector<256x128xf32>
      tpu.vector_store %arg9[%swap3A_127, %swap3A_128], %concatenate3A {strides = array<i32>} : memref<256x128xf32, #tpu.memory_space<vmem>>, vector<256x128xf32>,
    } else {
    }
    return
  }
  func.func @transform_0(%arg0: i32, %arg1: memref<512xi32, #tpu.memory_space<smem>>) -> (i32, i32) {
    %get3A = arith.constant 16 : index
    %get3A_0 = memref.load %arg1[%get3A] : memref<512xi32, #tpu.memory_space<smem>>
    %sub3A = arith.constant 1 : i32
    %sub3A_1 = arith.subi %get3A_0, %sub3A : i32
    %min3A = arith.minsi %arg0, %sub3A_1 : i32
    %c0_i32 = arith.constant 0 : i32
    %c0_i32_2 = arith.constant 0 : i32
    return %min3A, %c0_i32 : i32, i32
  }
  func.func @transform_1(%arg0: i32, %arg1: memref<512xi32, #tpu.memory_space<smem>>) -> (i32, i32) {
    %get3A = arith.constant 16 : index
    %get3A_0 = memref.load %arg1[%get3A] : memref<512xi32, #tpu.memory_space<smem>>
    %sub3A = arith.constant 1 : i32
    %sub3A_1 = arith.subi %get3A_0, %sub3A : i32
    %min3A = arith.minsi %arg0, %sub3A_1 : i32
    %c0_i32 = arith.constant 0 : i32
    %c0_i32_2 = arith.constant 0 : i32
    return %min3A, %c0_i32 : i32, i32
  }
  func.func @transform_5(%arg0: i32, %arg1: memref<512xi32, #tpu.memory_space<smem>>) -> (i32, i32) {
    %c0_i32 = arith.constant 0 : i32
    %c0_i32_0 = arith.constant 0 : i32
    %c0_i32_1 = arith.constant 0 : i32
    return %c0_i32, %c0_i32_0 : i32, i32
  }
  func.func @transform_6(%arg0: i32, %arg1: memref<512xi32, #tpu.memory_space<smem>>) -> (i32, i32) {
    %get3A = arith.constant 16 : index
    %get3A_0 = memref.load %arg1[%get3A] : memref<512xi32, #tpu.memory_space<smem>>
    %sub3A = arith.constant 1 : i32
    %sub3A_1 = arith.subi %get3A_0, %sub3A : i32
    %min3A = arith.minsi %arg0, %sub3A_1 : i32
    %c0_i32 = arith.constant 0 : i32
    %c0_i32_2 = arith.constant 0 : i32
    return %min3A, %c0_i32 : i32, i32
  }
  func.func @transform_7(%arg0: i32, %arg1: memref<512xi32, #tpu.memory_space<smem>>) -> (i32, i32) {
    %get3A = arith.constant 16 : index
    %get3A_0 = memref.load %arg1[%get3A] : memref<512xi32, #tpu.memory_space<smem>>
    %sub3A = arith.constant 1 : i32
    %sub3A_1 = arith.subi %get3A_0, %sub3A : i32
    %min3A = arith.minsi %arg0, %sub3A_1 : i32
    %c0_i32 = arith.constant 0 : i32
    %c0_i32_2 = arith.constant 0 : i32
    return %min3A, %c0_i32 : i32, i32
  }
}

module attributes {stable_mosaic.version = 14 : i64} {
  func.func @_router_l_body(%arg0: memref<2048x128xf32, #tpu.memory_space<vmem>>, %arg1: memref<2048x128xf32, #tpu.memory_space<vmem>>, %arg2: memref<16x128xi32, #tpu.memory_space<vmem>>, %arg3: memref<4x128xi32, #tpu.memory_space<vmem>>) attributes {dimension_semantics = [], scalar_prefetch = 0 : i64, scratch_operands = 0 : i64, tpu.core_type = #tpu.core_type<tc>} {
    %get3A = arith.constant 0 : index
    %get3A_0 = arith.constant 0 : index
    %get3A_1 = vector.load %arg0[%get3A, %get3A_0] : memref<2048x128xf32, #tpu.memory_space<vmem>>, vector<2048x8xf32>
    %reduce_max3A = arith.constant dense<0xFF800000> : vector<2048xf32>
    %reduce_max3A_2 = vector.multi_reduction <maximumf>, %get3A_1, %reduce_max3A [1] : vector<2048x8xf32> to vector<2048xf32>
    %broadcast_in_dim3A = vector.shape_cast %reduce_max3A_2 : vector<2048xf32> to vector<2048x1xf32>
    %sub3A = vector.broadcast %broadcast_in_dim3A : vector<2048x1xf32> to vector<2048x8xf32>
    %sub3A_3 = arith.subf %get3A_1, %sub3A : vector<2048x8xf32>
    %exp3A = math.exp %sub3A_3 : vector<2048x8xf32>
    %reduce_sum3A = arith.constant dense<0.000000e+00> : vector<2048xf32>
    %reduce_sum3A_4 = vector.multi_reduction <add>, %exp3A, %reduce_sum3A [1] : vector<2048x8xf32> to vector<2048xf32>
    %broadcast_in_dim3A_5 = vector.shape_cast %reduce_sum3A_4 : vector<2048xf32> to vector<2048x1xf32>
    %div3A = arith.constant 1.000000e+00 : f32
    %div3A_6 = vector.broadcast %div3A : f32 to vector<2048x1xf32>
    %div3A_7 = arith.divf %div3A_6, %broadcast_in_dim3A_5 : vector<2048x1xf32>
    %iota3A = tpu.iota {dimensions = array<i32: 1>} : vector<2048x8xi32>
    %ge3A = vector.broadcast %broadcast_in_dim3A : vector<2048x1xf32> to vector<2048x8xf32>
    %ge3A_8 = arith.cmpf oge, %get3A_1, %ge3A : vector<2048x8xf32>
    %jit3A = arith.constant 8 : i32
    %broadcast_in_dim3A_9 = vector.broadcast %jit3A : i32 to vector<2048x8xi32>
    %select_n3A = arith.select %ge3A_8, %iota3A, %broadcast_in_dim3A_9 : vector<2048x8xi1>, vector<2048x8xi32>
    %reduce_min3A = arith.constant dense<2147483647> : vector<2048xi32>
    %reduce_min3A_10 = vector.multi_reduction <minsi>, %select_n3A, %reduce_min3A [1] : vector<2048x8xi32> to vector<2048xi32>
    %broadcast_in_dim3A_11 = vector.shape_cast %reduce_min3A_10 : vector<2048xi32> to vector<2048x1xi32>
    %eq3A = vector.broadcast %broadcast_in_dim3A_11 : vector<2048x1xi32> to vector<2048x8xi32>
    %eq3A_12 = arith.cmpi eq, %iota3A, %eq3A : vector<2048x8xi32>
    %convert_element_type3A = arith.extui %eq3A_12 : vector<2048x8xi1> to vector<2048x8xi32>
    %broadcast_in_dim3A_13 = arith.constant 0 : i32
    %broadcast_in_dim3A_14 = vector.broadcast %broadcast_in_dim3A_13 : i32 to vector<1x8xi32>
    %slice3A = vector.extract_strided_slice %convert_element_type3A {offsets = [0, 0], sizes = [2047, 8], strides = [1, 1]} : vector<2048x8xi32> to vector<2047x8xi32>
    %concatenate3A = tpu.concatenate %broadcast_in_dim3A_14, %slice3A in 0 : vector<1x8xi32>, vector<2047x8xi32> -> vector<2048x8xi32>
    %add3A = arith.addi %convert_element_type3A, %concatenate3A : vector<2048x8xi32>
    %broadcast_in_dim3A_15 = arith.constant 0 : i32
    %broadcast_in_dim3A_16 = vector.broadcast %broadcast_in_dim3A_15 : i32 to vector<2x8xi32>
    %slice3A_17 = vector.extract_strided_slice %add3A {offsets = [0, 0], sizes = [2046, 8], strides = [1, 1]} : vector<2048x8xi32> to vector<2046x8xi32>
    %concatenate3A_18 = tpu.concatenate %broadcast_in_dim3A_16, %slice3A_17 in 0 : vector<2x8xi32>, vector<2046x8xi32> -> vector<2048x8xi32>
    %add3A_19 = arith.addi %add3A, %concatenate3A_18 : vector<2048x8xi32>
    %broadcast_in_dim3A_20 = arith.constant 0 : i32
    %broadcast_in_dim3A_21 = vector.broadcast %broadcast_in_dim3A_20 : i32 to vector<4x8xi32>
    %slice3A_22 = vector.extract_strided_slice %add3A_19 {offsets = [0, 0], sizes = [2044, 8], strides = [1, 1]} : vector<2048x8xi32> to vector<2044x8xi32>
    %concatenate3A_23 = tpu.concatenate %broadcast_in_dim3A_21, %slice3A_22 in 0 : vector<4x8xi32>, vector<2044x8xi32> -> vector<2048x8xi32>
    %add3A_24 = arith.addi %add3A_19, %concatenate3A_23 : vector<2048x8xi32>
    %broadcast_in_dim3A_25 = arith.constant 0 : i32
    %broadcast_in_dim3A_26 = vector.broadcast %broadcast_in_dim3A_25 : i32 to vector<8x8xi32>
    %slice3A_27 = vector.extract_strided_slice %add3A_24 {offsets = [0, 0], sizes = [2040, 8], strides = [1, 1]} : vector<2048x8xi32> to vector<2040x8xi32>
    %concatenate3A_28 = tpu.concatenate %broadcast_in_dim3A_26, %slice3A_27 in 0 : vector<8x8xi32>, vector<2040x8xi32> -> vector<2048x8xi32>
    %add3A_29 = arith.addi %add3A_24, %concatenate3A_28 : vector<2048x8xi32>
    %broadcast_in_dim3A_30 = arith.constant 0 : i32
    %broadcast_in_dim3A_31 = vector.broadcast %broadcast_in_dim3A_30 : i32 to vector<16x8xi32>
    %slice3A_32 = vector.extract_strided_slice %add3A_29 {offsets = [0, 0], sizes = [2032, 8], strides = [1, 1]} : vector<2048x8xi32> to vector<2032x8xi32>
    %concatenate3A_33 = tpu.concatenate %broadcast_in_dim3A_31, %slice3A_32 in 0 : vector<16x8xi32>, vector<2032x8xi32> -> vector<2048x8xi32>
    %add3A_34 = arith.addi %add3A_29, %concatenate3A_33 : vector<2048x8xi32>
    %broadcast_in_dim3A_35 = arith.constant 0 : i32
    %broadcast_in_dim3A_36 = vector.broadcast %broadcast_in_dim3A_35 : i32 to vector<32x8xi32>
    %slice3A_37 = vector.extract_strided_slice %add3A_34 {offsets = [0, 0], sizes = [2016, 8], strides = [1, 1]} : vector<2048x8xi32> to vector<2016x8xi32>
    %concatenate3A_38 = tpu.concatenate %broadcast_in_dim3A_36, %slice3A_37 in 0 : vector<32x8xi32>, vector<2016x8xi32> -> vector<2048x8xi32>
    %add3A_39 = arith.addi %add3A_34, %concatenate3A_38 : vector<2048x8xi32>
    %broadcast_in_dim3A_40 = arith.constant 0 : i32
    %broadcast_in_dim3A_41 = vector.broadcast %broadcast_in_dim3A_40 : i32 to vector<64x8xi32>
    %slice3A_42 = vector.extract_strided_slice %add3A_39 {offsets = [0, 0], sizes = [1984, 8], strides = [1, 1]} : vector<2048x8xi32> to vector<1984x8xi32>
    %concatenate3A_43 = tpu.concatenate %broadcast_in_dim3A_41, %slice3A_42 in 0 : vector<64x8xi32>, vector<1984x8xi32> -> vector<2048x8xi32>
    %add3A_44 = arith.addi %add3A_39, %concatenate3A_43 : vector<2048x8xi32>
    %broadcast_in_dim3A_45 = arith.constant 0 : i32
    %broadcast_in_dim3A_46 = vector.broadcast %broadcast_in_dim3A_45 : i32 to vector<128x8xi32>
    %slice3A_47 = vector.extract_strided_slice %add3A_44 {offsets = [0, 0], sizes = [1920, 8], strides = [1, 1]} : vector<2048x8xi32> to vector<1920x8xi32>
    %concatenate3A_48 = tpu.concatenate %broadcast_in_dim3A_46, %slice3A_47 in 0 : vector<128x8xi32>, vector<1920x8xi32> -> vector<2048x8xi32>
    %add3A_49 = arith.addi %add3A_44, %concatenate3A_48 : vector<2048x8xi32>
    %broadcast_in_dim3A_50 = arith.constant 0 : i32
    %broadcast_in_dim3A_51 = vector.broadcast %broadcast_in_dim3A_50 : i32 to vector<256x8xi32>
    %slice3A_52 = vector.extract_strided_slice %add3A_49 {offsets = [0, 0], sizes = [1792, 8], strides = [1, 1]} : vector<2048x8xi32> to vector<1792x8xi32>
    %concatenate3A_53 = tpu.concatenate %broadcast_in_dim3A_51, %slice3A_52 in 0 : vector<256x8xi32>, vector<1792x8xi32> -> vector<2048x8xi32>
    %add3A_54 = arith.addi %add3A_49, %concatenate3A_53 : vector<2048x8xi32>
    %broadcast_in_dim3A_55 = arith.constant 0 : i32
    %broadcast_in_dim3A_56 = vector.broadcast %broadcast_in_dim3A_55 : i32 to vector<512x8xi32>
    %slice3A_57 = vector.extract_strided_slice %add3A_54 {offsets = [0, 0], sizes = [1536, 8], strides = [1, 1]} : vector<2048x8xi32> to vector<1536x8xi32>
    %concatenate3A_58 = tpu.concatenate %broadcast_in_dim3A_56, %slice3A_57 in 0 : vector<512x8xi32>, vector<1536x8xi32> -> vector<2048x8xi32>
    %add3A_59 = arith.addi %add3A_54, %concatenate3A_58 : vector<2048x8xi32>
    %broadcast_in_dim3A_60 = arith.constant 0 : i32
    %broadcast_in_dim3A_61 = vector.broadcast %broadcast_in_dim3A_60 : i32 to vector<1024x8xi32>
    %slice3A_62 = vector.extract_strided_slice %add3A_59 {offsets = [0, 0], sizes = [1024, 8], strides = [1, 1]} : vector<2048x8xi32> to vector<1024x8xi32>
    %concatenate3A_63 = tpu.concatenate %broadcast_in_dim3A_61, %slice3A_62 in 0 : vector<1024x8xi32>, vector<1024x8xi32> -> vector<2048x8xi32>
    %add3A_64 = arith.addi %add3A_59, %concatenate3A_63 : vector<2048x8xi32>
    %slice3A_65 = vector.extract_strided_slice %add3A_64 {offsets = [2047, 0], sizes = [1, 8], strides = [1, 1]} : vector<2048x8xi32> to vector<1x8xi32>
    %add3A_66 = arith.constant 255 : i32
    %add3A_67 = vector.broadcast %add3A_66 : i32 to vector<1x8xi32>
    %add3A_68 = arith.addi %slice3A_65, %add3A_67 : vector<1x8xi32>
    %jit3A_69 = arith.constant 256 : i32
    %div3A_70 = vector.broadcast %jit3A_69 : i32 to vector<1x8xi32>
    %div3A_71 = arith.divsi %add3A_68, %div3A_70 : vector<1x8xi32>
    %sign3A = arith.constant 0 : i32
    %sign3A_72 = vector.broadcast %sign3A : i32 to vector<1x8xi32>
    %sign3A_73 = arith.cmpi sgt, %add3A_68, %sign3A_72 : vector<1x8xi32>
    %sign3A_74 = arith.extui %sign3A_73 : vector<1x8xi1> to vector<1x8xi32>
    %sign3A_75 = arith.constant 0 : i32
    %sign3A_76 = vector.broadcast %sign3A_75 : i32 to vector<1x8xi32>
    %sign3A_77 = arith.cmpi slt, %add3A_68, %sign3A_76 : vector<1x8xi32>
    %sign3A_78 = arith.extui %sign3A_77 : vector<1x8xi1> to vector<1x8xi32>
    %sign3A_79 = arith.subi %sign3A_74, %sign3A_78 : vector<1x8xi32>
    %sign3A_80 = arith.constant 0 : i32
    %sign3A_81 = arith.cmpi sgt, %jit3A_69, %sign3A_80 : i32
    %sign3A_82 = arith.extui %sign3A_81 : i1 to i32
    %sign3A_83 = arith.constant 0 : i32
    %sign3A_84 = arith.cmpi slt, %jit3A_69, %sign3A_83 : i32
    %sign3A_85 = arith.extui %sign3A_84 : i1 to i32
    %sign3A_86 = arith.subi %sign3A_82, %sign3A_85 : i32
    %ne3A = vector.broadcast %sign3A_86 : i32 to vector<1x8xi32>
    %ne3A_87 = arith.cmpi ne, %sign3A_79, %ne3A : vector<1x8xi32>
    %rem3A = vector.broadcast %jit3A_69 : i32 to vector<1x8xi32>
    %rem3A_88 = arith.remsi %add3A_68, %rem3A : vector<1x8xi32>
    %ne3A_89 = arith.constant 0 : i32
    %ne3A_90 = vector.broadcast %ne3A_89 : i32 to vector<1x8xi32>
    %ne3A_91 = arith.cmpi ne, %rem3A_88, %ne3A_90 : vector<1x8xi32>
    %and3A = arith.andi %ne3A_87, %ne3A_91 : vector<1x8xi1>
    %sub3A_92 = arith.constant 1 : i32
    %sub3A_93 = vector.broadcast %sub3A_92 : i32 to vector<1x8xi32>
    %sub3A_94 = arith.subi %div3A_71, %sub3A_93 : vector<1x8xi32>
    %select_n3A_95 = arith.select %and3A, %sub3A_94, %div3A_71 : vector<1x8xi1>, vector<1x8xi32>
    %mul3A = arith.constant 256 : i32
    %mul3A_96 = vector.broadcast %mul3A : i32 to vector<1x8xi32>
    %mul3A_97 = arith.muli %select_n3A_95, %mul3A_96 : vector<1x8xi32>
    %broadcast_in_dim3A_98 = arith.constant 0 : i32
    %broadcast_in_dim3A_99 = vector.broadcast %broadcast_in_dim3A_98 : i32 to vector<1x1xi32>
    %slice3A_100 = vector.extract_strided_slice %mul3A_97 {offsets = [0, 0], sizes = [1, 7], strides = [1, 1]} : vector<1x8xi32> to vector<1x7xi32>
    %concatenate3A_101 = tpu.concatenate %broadcast_in_dim3A_99, %slice3A_100 in 1 : vector<1x1xi32>, vector<1x7xi32> -> vector<1x8xi32>
    %broadcast_in_dim3A_102 = arith.constant 0 : i32
    %broadcast_in_dim3A_103 = vector.broadcast %broadcast_in_dim3A_102 : i32 to vector<1x1xi32>
    %slice3A_104 = vector.extract_strided_slice %concatenate3A_101 {offsets = [0, 0], sizes = [1, 7], strides = [1, 1]} : vector<1x8xi32> to vector<1x7xi32>
    %concatenate3A_105 = tpu.concatenate %broadcast_in_dim3A_103, %slice3A_104 in 1 : vector<1x1xi32>, vector<1x7xi32> -> vector<1x8xi32>
    %add3A_106 = arith.addi %concatenate3A_101, %concatenate3A_105 : vector<1x8xi32>
    %broadcast_in_dim3A_107 = arith.constant 0 : i32
    %broadcast_in_dim3A_108 = vector.broadcast %broadcast_in_dim3A_107 : i32 to vector<1x2xi32>
    %slice3A_109 = vector.extract_strided_slice %add3A_106 {offsets = [0, 0], sizes = [1, 6], strides = [1, 1]} : vector<1x8xi32> to vector<1x6xi32>
    %concatenate3A_110 = tpu.concatenate %broadcast_in_dim3A_108, %slice3A_109 in 1 : vector<1x2xi32>, vector<1x6xi32> -> vector<1x8xi32>
    %add3A_111 = arith.addi %add3A_106, %concatenate3A_110 : vector<1x8xi32>
    %broadcast_in_dim3A_112 = arith.constant 0 : i32
    %broadcast_in_dim3A_113 = vector.broadcast %broadcast_in_dim3A_112 : i32 to vector<1x4xi32>
    %slice3A_114 = vector.extract_strided_slice %add3A_111 {offsets = [0, 0], sizes = [1, 4], strides = [1, 1]} : vector<1x8xi32> to vector<1x4xi32>
    %concatenate3A_115 = tpu.concatenate %broadcast_in_dim3A_113, %slice3A_114 in 1 : vector<1x4xi32>, vector<1x4xi32> -> vector<1x8xi32>
    %add3A_116 = arith.addi %add3A_111, %concatenate3A_115 : vector<1x8xi32>
    %add3A_117 = arith.addi %add3A_116, %mul3A_97 : vector<1x8xi32>
    %mul3A_118 = vector.broadcast %add3A_116 : vector<1x8xi32> to vector<2048x8xi32>
    %mul3A_119 = arith.muli %convert_element_type3A, %mul3A_118 : vector<2048x8xi32>
    %reduce_sum3A_120 = arith.constant dense<0> : vector<2048xi32>
    %reduce_sum3A_121 = vector.multi_reduction <add>, %mul3A_119, %reduce_sum3A_120 [1] : vector<2048x8xi32> to vector<2048xi32>
    %broadcast_in_dim3A_122 = vector.shape_cast %reduce_sum3A_121 : vector<2048xi32> to vector<2048x1xi32>
    %mul3A_123 = arith.muli %convert_element_type3A, %add3A_64 : vector<2048x8xi32>
    %reduce_sum3A_124 = arith.constant dense<0> : vector<2048xi32>
    %reduce_sum3A_125 = vector.multi_reduction <add>, %mul3A_123, %reduce_sum3A_124 [1] : vector<2048x8xi32> to vector<2048xi32>
    %broadcast_in_dim3A_126 = vector.shape_cast %reduce_sum3A_125 : vector<2048xi32> to vector<2048x1xi32>
    %add3A_127 = arith.addi %broadcast_in_dim3A_122, %broadcast_in_dim3A_126 : vector<2048x1xi32>
    %sub3A_128 = arith.constant 1 : i32
    %sub3A_129 = vector.broadcast %sub3A_128 : i32 to vector<2048x1xi32>
    %sub3A_130 = arith.subi %add3A_127, %sub3A_129 : vector<2048x1xi32>
    %reshape3A = vector.shape_cast %sub3A_130 : vector<2048x1xi32> to vector<16x128xi32>
    %swap3A = arith.constant 0 : index
    %swap3A_131 = arith.constant 0 : index
    %swap3A_132 = vector.load %arg2[%swap3A, %swap3A_131] : memref<16x128xi32, #tpu.memory_space<vmem>>, vector<16x128xi32>
    tpu.vector_store %arg2[%swap3A, %swap3A_131], %reshape3A {strides = array<i32>} : memref<16x128xi32, #tpu.memory_space<vmem>>, vector<16x128xi32>,
    %broadcast_in_dim3A_133 = vector.shape_cast %div3A_7 : vector<2048x1xf32> to vector<2048x1xf32>
    %broadcast_in_dim3A_134 = vector.broadcast %broadcast_in_dim3A_133 : vector<2048x1xf32> to vector<2048x128xf32>
    %swap3A_135 = arith.constant 0 : index
    %swap3A_136 = arith.constant 0 : index
    %swap3A_137 = vector.load %arg1[%swap3A_135, %swap3A_136] : memref<2048x128xf32, #tpu.memory_space<vmem>>, vector<2048x128xf32>
    tpu.vector_store %arg1[%swap3A_135, %swap3A_136], %broadcast_in_dim3A_134 {strides = array<i32>} : memref<2048x128xf32, #tpu.memory_space<vmem>>, vector<2048x128xf32>,
    %iota3A_138 = tpu.iota {dimensions = array<i32: 0>} : vector<128x8xi32>
    %mul3A_139 = arith.constant 256 : i32
    %mul3A_140 = vector.broadcast %mul3A_139 : i32 to vector<128x8xi32>
    %mul3A_141 = arith.muli %iota3A_138, %mul3A_140 : vector<128x8xi32>
    %ge3A_142 = vector.broadcast %add3A_117 : vector<1x8xi32> to vector<128x8xi32>
    %ge3A_143 = arith.cmpi sge, %mul3A_141, %ge3A_142 : vector<128x8xi32>
    %convert_element_type3A_144 = arith.extui %ge3A_143 : vector<128x8xi1> to vector<128x8xi32>
    %reduce_sum3A_145 = arith.constant dense<0> : vector<128xi32>
    %reduce_sum3A_146 = vector.multi_reduction <add>, %convert_element_type3A_144, %reduce_sum3A_145 [1] : vector<128x8xi32> to vector<128xi32>
    %broadcast_in_dim3A_147 = vector.shape_cast %reduce_sum3A_146 : vector<128xi32> to vector<128x1xi32>
    %min3A = arith.constant 7 : i32
    %min3A_148 = vector.broadcast %min3A : i32 to vector<128x1xi32>
    %min3A_149 = arith.minsi %broadcast_in_dim3A_147, %min3A_148 : vector<128x1xi32>
    %iota3A_150 = tpu.iota {dimensions = array<i32: 0>} : vector<128x1xi32>
    %slice3A_151 = vector.extract_strided_slice %add3A_117 {offsets = [0, 7], sizes = [1, 1], strides = [1, 1]} : vector<1x8xi32> to vector<1x1xi32>
    %jit3A_152 = arith.constant 256 : i32
    %div3A_153 = vector.broadcast %jit3A_152 : i32 to vector<1x1xi32>
    %div3A_154 = arith.divsi %slice3A_151, %div3A_153 : vector<1x1xi32>
    %sign3A_155 = arith.constant 0 : i32
    %sign3A_156 = vector.broadcast %sign3A_155 : i32 to vector<1x1xi32>
    %sign3A_157 = arith.cmpi sgt, %slice3A_151, %sign3A_156 : vector<1x1xi32>
    %sign3A_158 = arith.extui %sign3A_157 : vector<1x1xi1> to vector<1x1xi32>
    %sign3A_159 = arith.constant 0 : i32
    %sign3A_160 = vector.broadcast %sign3A_159 : i32 to vector<1x1xi32>
    %sign3A_161 = arith.cmpi slt, %slice3A_151, %sign3A_160 : vector<1x1xi32>
    %sign3A_162 = arith.extui %sign3A_161 : vector<1x1xi1> to vector<1x1xi32>
    %sign3A_163 = arith.subi %sign3A_158, %sign3A_162 : vector<1x1xi32>
    %sign3A_164 = arith.constant 0 : i32
    %sign3A_165 = arith.cmpi sgt, %jit3A_152, %sign3A_164 : i32
    %sign3A_166 = arith.extui %sign3A_165 : i1 to i32
    %sign3A_167 = arith.constant 0 : i32
    %sign3A_168 = arith.cmpi slt, %jit3A_152, %sign3A_167 : i32
    %sign3A_169 = arith.extui %sign3A_168 : i1 to i32
    %sign3A_170 = arith.subi %sign3A_166, %sign3A_169 : i32
    %ne3A_171 = vector.broadcast %sign3A_170 : i32 to vector<1x1xi32>
    %ne3A_172 = arith.cmpi ne, %sign3A_163, %ne3A_171 : vector<1x1xi32>
    %rem3A_173 = vector.broadcast %jit3A_152 : i32 to vector<1x1xi32>
    %rem3A_174 = arith.remsi %slice3A_151, %rem3A_173 : vector<1x1xi32>
    %ne3A_175 = arith.constant 0 : i32
    %ne3A_176 = vector.broadcast %ne3A_175 : i32 to vector<1x1xi32>
    %ne3A_177 = arith.cmpi ne, %rem3A_174, %ne3A_176 : vector<1x1xi32>
    %and3A_178 = arith.andi %ne3A_172, %ne3A_177 : vector<1x1xi1>
    %sub3A_179 = arith.constant 1 : i32
    %sub3A_180 = vector.broadcast %sub3A_179 : i32 to vector<1x1xi32>
    %sub3A_181 = arith.subi %div3A_154, %sub3A_180 : vector<1x1xi32>
    %select_n3A_182 = arith.select %and3A_178, %sub3A_181, %div3A_154 : vector<1x1xi1>, vector<1x1xi32>
    %lt3A = vector.broadcast %select_n3A_182 : vector<1x1xi32> to vector<128x1xi32>
    %lt3A_183 = arith.cmpi slt, %iota3A_150, %lt3A : vector<128x1xi32>
    %slice3A_184 = vector.extract_strided_slice %min3A_149 {offsets = [0, 0], sizes = [1, 1], strides = [1, 1]} : vector<128x1xi32> to vector<1x1xi32>
    %slice3A_185 = vector.extract_strided_slice %min3A_149 {offsets = [0, 0], sizes = [127, 1], strides = [1, 1]} : vector<128x1xi32> to vector<127x1xi32>
    %concatenate3A_186 = tpu.concatenate %slice3A_184, %slice3A_185 in 0 : vector<1x1xi32>, vector<127x1xi32> -> vector<128x1xi32>
    %gt3A = arith.constant 0 : i32
    %gt3A_187 = vector.broadcast %gt3A : i32 to vector<128x1xi32>
    %gt3A_188 = arith.cmpi sgt, %iota3A_150, %gt3A_187 : vector<128x1xi32>
    %and3A_189 = arith.andi %lt3A_183, %gt3A_188 : vector<128x1xi1>
    %ne3A_190 = arith.cmpi ne, %min3A_149, %concatenate3A_186 : vector<128x1xi32>
    %and3A_191 = arith.andi %and3A_189, %ne3A_190 : vector<128x1xi1>
    %convert_element_type3A_192 = arith.extui %and3A_191 : vector<128x1xi1> to vector<128x1xi32>
    %eq3A_193 = arith.constant 0 : i32
    %eq3A_194 = vector.broadcast %eq3A_193 : i32 to vector<128x1xi32>
    %eq3A_195 = arith.cmpi eq, %iota3A_150, %eq3A_194 : vector<128x1xi32>
    %eq3A_196 = arith.constant 1 : i32
    %eq3A_197 = vector.broadcast %eq3A_196 : i32 to vector<128x1xi32>
    %eq3A_198 = arith.cmpi eq, %convert_element_type3A_192, %eq3A_197 : vector<128x1xi32>
    %or3A = arith.ori %eq3A_195, %eq3A_198 : vector<128x1xi1>
    %convert_element_type3A_199 = arith.extui %or3A : vector<128x1xi1> to vector<128x1xi32>
    %broadcast_in_dim3A_200 = arith.constant 0 : i32
    %broadcast_in_dim3A_201 = vector.broadcast %broadcast_in_dim3A_200 : i32 to vector<1x1xi32>
    %slice3A_202 = vector.extract_strided_slice %convert_element_type3A_192 {offsets = [0, 0], sizes = [127, 1], strides = [1, 1]} : vector<128x1xi32> to vector<127x1xi32>
    %concatenate3A_203 = tpu.concatenate %broadcast_in_dim3A_201, %slice3A_202 in 0 : vector<1x1xi32>, vector<127x1xi32> -> vector<128x1xi32>
    %add3A_204 = arith.addi %convert_element_type3A_192, %concatenate3A_203 : vector<128x1xi32>
    %broadcast_in_dim3A_205 = arith.constant 0 : i32
    %broadcast_in_dim3A_206 = vector.broadcast %broadcast_in_dim3A_205 : i32 to vector<2x1xi32>
    %slice3A_207 = vector.extract_strided_slice %add3A_204 {offsets = [0, 0], sizes = [126, 1], strides = [1, 1]} : vector<128x1xi32> to vector<126x1xi32>
    %concatenate3A_208 = tpu.concatenate %broadcast_in_dim3A_206, %slice3A_207 in 0 : vector<2x1xi32>, vector<126x1xi32> -> vector<128x1xi32>
    %add3A_209 = arith.addi %add3A_204, %concatenate3A_208 : vector<128x1xi32>
    %broadcast_in_dim3A_210 = arith.constant 0 : i32
    %broadcast_in_dim3A_211 = vector.broadcast %broadcast_in_dim3A_210 : i32 to vector<4x1xi32>
    %slice3A_212 = vector.extract_strided_slice %add3A_209 {offsets = [0, 0], sizes = [124, 1], strides = [1, 1]} : vector<128x1xi32> to vector<124x1xi32>
    %concatenate3A_213 = tpu.concatenate %broadcast_in_dim3A_211, %slice3A_212 in 0 : vector<4x1xi32>, vector<124x1xi32> -> vector<128x1xi32>
    %add3A_214 = arith.addi %add3A_209, %concatenate3A_213 : vector<128x1xi32>
    %broadcast_in_dim3A_215 = arith.constant 0 : i32
    %broadcast_in_dim3A_216 = vector.broadcast %broadcast_in_dim3A_215 : i32 to vector<8x1xi32>
    %slice3A_217 = vector.extract_strided_slice %add3A_214 {offsets = [0, 0], sizes = [120, 1], strides = [1, 1]} : vector<128x1xi32> to vector<120x1xi32>
    %concatenate3A_218 = tpu.concatenate %broadcast_in_dim3A_216, %slice3A_217 in 0 : vector<8x1xi32>, vector<120x1xi32> -> vector<128x1xi32>
    %add3A_219 = arith.addi %add3A_214, %concatenate3A_218 : vector<128x1xi32>
    %broadcast_in_dim3A_220 = arith.constant 0 : i32
    %broadcast_in_dim3A_221 = vector.broadcast %broadcast_in_dim3A_220 : i32 to vector<16x1xi32>
    %slice3A_222 = vector.extract_strided_slice %add3A_219 {offsets = [0, 0], sizes = [112, 1], strides = [1, 1]} : vector<128x1xi32> to vector<112x1xi32>
    %concatenate3A_223 = tpu.concatenate %broadcast_in_dim3A_221, %slice3A_222 in 0 : vector<16x1xi32>, vector<112x1xi32> -> vector<128x1xi32>
    %add3A_224 = arith.addi %add3A_219, %concatenate3A_223 : vector<128x1xi32>
    %broadcast_in_dim3A_225 = arith.constant 0 : i32
    %broadcast_in_dim3A_226 = vector.broadcast %broadcast_in_dim3A_225 : i32 to vector<32x1xi32>
    %slice3A_227 = vector.extract_strided_slice %add3A_224 {offsets = [0, 0], sizes = [96, 1], strides = [1, 1]} : vector<128x1xi32> to vector<96x1xi32>
    %concatenate3A_228 = tpu.concatenate %broadcast_in_dim3A_226, %slice3A_227 in 0 : vector<32x1xi32>, vector<96x1xi32> -> vector<128x1xi32>
    %add3A_229 = arith.addi %add3A_224, %concatenate3A_228 : vector<128x1xi32>
    %broadcast_in_dim3A_230 = arith.constant 0 : i32
    %broadcast_in_dim3A_231 = vector.broadcast %broadcast_in_dim3A_230 : i32 to vector<64x1xi32>
    %slice3A_232 = vector.extract_strided_slice %add3A_229 {offsets = [0, 0], sizes = [64, 1], strides = [1, 1]} : vector<128x1xi32> to vector<64x1xi32>
    %concatenate3A_233 = tpu.concatenate %broadcast_in_dim3A_231, %slice3A_232 in 0 : vector<64x1xi32>, vector<64x1xi32> -> vector<128x1xi32>
    %add3A_234 = arith.addi %add3A_229, %concatenate3A_233 : vector<128x1xi32>
    %jit3A_235 = arith.constant 2 : i32
    %eq3A_236 = arith.constant 0 : i32
    %eq3A_237 = arith.cmpi eq, %jit3A_235, %eq3A_236 : i32
    %jit3A_238 = arith.constant 1 : i32
    %select_n3A_239 = arith.select %eq3A_237, %jit3A_238, %jit3A_235 : i32
    %rem3A_240 = vector.broadcast %select_n3A_239 : i32 to vector<128x1xi32>
    %rem3A_241 = arith.remsi %add3A_234, %rem3A_240 : vector<128x1xi32>
    %ne3A_242 = arith.constant 0 : i32
    %ne3A_243 = vector.broadcast %ne3A_242 : i32 to vector<128x1xi32>
    %ne3A_244 = arith.cmpi ne, %rem3A_241, %ne3A_243 : vector<128x1xi32>
    %lt3A_245 = arith.constant 0 : i32
    %lt3A_246 = vector.broadcast %lt3A_245 : i32 to vector<128x1xi32>
    %lt3A_247 = arith.cmpi slt, %rem3A_241, %lt3A_246 : vector<128x1xi32>
    %lt3A_248 = arith.constant 0 : i32
    %lt3A_249 = arith.cmpi slt, %select_n3A_239, %lt3A_248 : i32
    %ne3A_250 = vector.broadcast %lt3A_249 : i1 to vector<128x1xi1>
    %ne3A_251 = vector.broadcast %ne3A_250 : vector<128x1xi1> to vector<128x1xi1>
    %ne3A_252 = arith.xori %lt3A_247, %ne3A_251 : vector<128x1xi1>
    %and3A_253 = arith.andi %ne3A_252, %ne3A_244 : vector<128x1xi1>
    %add3A_254 = vector.broadcast %select_n3A_239 : i32 to vector<128x1xi32>
    %add3A_255 = arith.addi %rem3A_241, %add3A_254 : vector<128x1xi32>
    %select_n3A_256 = arith.select %and3A_253, %add3A_255, %rem3A_241 : vector<128x1xi1>, vector<128x1xi32>
    %gt3A_257 = arith.constant 0 : i32
    %gt3A_258 = vector.broadcast %gt3A_257 : i32 to vector<1x8xi32>
    %gt3A_259 = arith.cmpi sgt, %slice3A_65, %gt3A_258 : vector<1x8xi32>
    %iota3A_260 = tpu.iota {dimensions = array<i32: 1>} : vector<1x8xi32>
    %jit3A_261 = arith.constant 8 : i32
    %broadcast_in_dim3A_262 = vector.broadcast %jit3A_261 : i32 to vector<1x8xi32>
    %select_n3A_263 = arith.select %gt3A_259, %iota3A_260, %broadcast_in_dim3A_262 : vector<1x8xi1>, vector<1x8xi32>
    %slice3A_264 = vector.extract_strided_slice %select_n3A_263 {offsets = [0, 1], sizes = [1, 7], strides = [1, 1]} : vector<1x8xi32> to vector<1x7xi32>
    %broadcast_in_dim3A_265 = arith.constant 8 : i32
    %broadcast_in_dim3A_266 = vector.broadcast %broadcast_in_dim3A_265 : i32 to vector<1x1xi32>
    %concatenate3A_267 = tpu.concatenate %slice3A_264, %broadcast_in_dim3A_266 in 1 : vector<1x7xi32>, vector<1x1xi32> -> vector<1x8xi32>
    %slice3A_268 = vector.extract_strided_slice %concatenate3A_267 {offsets = [0, 1], sizes = [1, 7], strides = [1, 1]} : vector<1x8xi32> to vector<1x7xi32>
    %broadcast_in_dim3A_269 = arith.constant 8 : i32
    %broadcast_in_dim3A_270 = vector.broadcast %broadcast_in_dim3A_269 : i32 to vector<1x1xi32>
    %concatenate3A_271 = tpu.concatenate %slice3A_268, %broadcast_in_dim3A_270 in 1 : vector<1x7xi32>, vector<1x1xi32> -> vector<1x8xi32>
    %min3A_272 = arith.minsi %concatenate3A_267, %concatenate3A_271 : vector<1x8xi32>
    %slice3A_273 = vector.extract_strided_slice %min3A_272 {offsets = [0, 2], sizes = [1, 6], strides = [1, 1]} : vector<1x8xi32> to vector<1x6xi32>
    %broadcast_in_dim3A_274 = arith.constant 8 : i32
    %broadcast_in_dim3A_275 = vector.broadcast %broadcast_in_dim3A_274 : i32 to vector<1x2xi32>
    %concatenate3A_276 = tpu.concatenate %slice3A_273, %broadcast_in_dim3A_275 in 1 : vector<1x6xi32>, vector<1x2xi32> -> vector<1x8xi32>
    %min3A_277 = arith.minsi %min3A_272, %concatenate3A_276 : vector<1x8xi32>
    %slice3A_278 = vector.extract_strided_slice %min3A_277 {offsets = [0, 4], sizes = [1, 4], strides = [1, 1]} : vector<1x8xi32> to vector<1x4xi32>
    %broadcast_in_dim3A_279 = arith.constant 8 : i32
    %broadcast_in_dim3A_280 = vector.broadcast %broadcast_in_dim3A_279 : i32 to vector<1x4xi32>
    %concatenate3A_281 = tpu.concatenate %slice3A_278, %broadcast_in_dim3A_280 in 1 : vector<1x4xi32>, vector<1x4xi32> -> vector<1x8xi32>
    %min3A_282 = arith.minsi %min3A_277, %concatenate3A_281 : vector<1x8xi32>
    %gt3A_283 = arith.constant 7 : i32
    %gt3A_284 = vector.broadcast %gt3A_283 : i32 to vector<1x8xi32>
    %gt3A_285 = arith.cmpi sgt, %min3A_282, %gt3A_284 : vector<1x8xi32>
    %jit3A_286 = arith.constant -1 : i32
    %broadcast_in_dim3A_287 = vector.broadcast %jit3A_286 : i32 to vector<1x8xi32>
    %select_n3A_288 = arith.select %gt3A_285, %broadcast_in_dim3A_287, %min3A_282 : vector<1x8xi1>, vector<1x8xi32>
    %iota3A_289 = tpu.iota {dimensions = array<i32: 1>} : vector<128x8xi32>
    %eq3A_290 = vector.broadcast %min3A_149 : vector<128x1xi32> to vector<128x8xi32>
    %eq3A_291 = arith.cmpi eq, %iota3A_289, %eq3A_290 : vector<128x8xi32>
    %convert_element_type3A_292 = arith.extui %eq3A_291 : vector<128x8xi1> to vector<128x8xi32>
    %mul3A_293 = vector.broadcast %select_n3A_288 : vector<1x8xi32> to vector<128x8xi32>
    %mul3A_294 = arith.muli %convert_element_type3A_292, %mul3A_293 : vector<128x8xi32>
    %reduce_sum3A_295 = arith.constant dense<0> : vector<128xi32>
    %reduce_sum3A_296 = vector.multi_reduction <add>, %mul3A_294, %reduce_sum3A_295 [1] : vector<128x8xi32> to vector<128xi32>
    %broadcast_in_dim3A_297 = vector.shape_cast %reduce_sum3A_296 : vector<128xi32> to vector<128x1xi32>
    %eq3A_298 = arith.constant 16 : i32
    %eq3A_299 = vector.broadcast %eq3A_298 : i32 to vector<128x1xi32>
    %eq3A_300 = arith.cmpi eq, %iota3A_150, %eq3A_299 : vector<128x1xi32>
    %broadcast_in_dim3A_301 = vector.shape_cast %select_n3A_182 : vector<1x1xi32> to vector<1x1xi32>
    %broadcast_in_dim3A_302 = vector.broadcast %broadcast_in_dim3A_301 : vector<1x1xi32> to vector<128x1xi32>
    %select_n3A_303 = arith.select %eq3A_300, %broadcast_in_dim3A_302, %min3A_149 : vector<128x1xi1>, vector<128x1xi32>
    %concatenate3A_304 = tpu.concatenate %select_n3A_303, %select_n3A_256, %convert_element_type3A_199, %broadcast_in_dim3A_297 in 1 : vector<128x1xi32>, vector<128x1xi32>, vector<128x1xi32>, vector<128x1xi32> -> vector<128x4xi32>
    %transpose3A = tpu.transpose %concatenate3A_304, [1, 0] : vector<128x4xi32> -> vector<4x128xi32>
    %swap3A_305 = arith.constant 0 : index
    %swap3A_306 = arith.constant 0 : index
    %swap3A_307 = vector.load %arg3[%swap3A_305, %swap3A_306] : memref<4x128xi32, #tpu.memory_space<vmem>>, vector<4x128xi32>
    tpu.vector_store %arg3[%swap3A_305, %swap3A_306], %transpose3A {strides = array<i32>} : memref<4x128xi32, #tpu.memory_space<vmem>>, vector<4x128xi32>,
    return
  }
}

</mosaic_0001>

<sc_bundles>
// kernel: kernel.10.cloned.1.call-start
scs
__scs_entry_jumppad:
0x0: {  	(pc) =	sbr.rel $0x88, $3  }
0x1: {  	(tag) =	ssettag $0x0;
	lr =	simm.s32 $0x1  }
0x2: {  	[smem:$0x3F95] =	sst lr;
	_ =	strace $0xD0000000  }
0x3: {  	_ = 	snop  }
0x4: {  	_ = 	snop  }
0x5: {  	_ = 	snop  }
0x6: {  	_ = 	snop  }
0x7: {  	_ = 	snop  }
__scs_overlays_trampoline_lowered:
0x8: {  	[smem:$0x3FA4] =	sst s0  }
0x9: {  	[smem:$0x3FA5] =	sst s1  }
0xa: {  	[smem:$0x3FA6] =	sst s2  }
0xb: {  	[smem:$0x3FA7] =	sst s3  }
0xc: {  	[smem:$0x3FA8] =	sst s4  }
0xd: {  	[smem:$0x3FA9] =	sst s5  }
0xe: {  	[smem:$0x3FAA] =	sst s6  }
0xf: {  	[smem:$0x3FAB] =	sst s7  }
0x10: {  	[smem:$0x3FAC] =	sst s8  }
0x11: {  	[smem:$0x3FAD] =	sst s9;
	s0 =	simm.s32 @!p0 $0x0  }
0x12: {  	s1 =	sld [smem:$0x3F93];
	s0 =	simm.s32 @p0 $0x1  }
0x13: {  	[smem:$0x3FAE] =	sst s0;
	s0 =	simm.s32 @!p1 $0x0  }
0x14: {  	s2 =	sld [smem:$0x3F92];
	s0 =	simm.s32 @p1 $0x1  }
0x15: {  	[smem:$0x3FAF] =	sst s0;
	s0 =	simm.s32 @!p2 $0x0  }
0x16: {  	s3 =	sld [smem:$0x3FDB];
	s0 =	simm.s32 @p2 $0x1  }
0x17: {  	s4 =	simm.s32 $0x1BF5;
	[smem:$0x3FB1] =	sst s0  }
0x18: {  	s0 =	sld [smem:$0x3F94];
	_ =	swait.ge [sflag:s4], $0x0  }
0x19: {  	s7 =	sld [smem:$0x3F95]  }
0x1a: {  	s8 =	sadd.s32 $0xFFFFE003, lr  }
0x1b: {  	s9 =	sadd.s32 $0xFFFFFEF7, lr;
	s5 =	simm.s32 $0xFFFFFFFF;
	p2 =	slt.u32 s8, $0xFFFFF086  }
0x1c: {  	p1 =	slt.u32 s9, $0xF7A;
	s5 =	simm.s32 @!p2 $0x0  }
0x1d: {  	s5 =	simm.s32 @p1 $0x1;
	p0 =	seq.s32 s7, s2  }
0x1e: {  	s7 =	smul.u32 @!p0 $0xF7A, s2;
	p2 =	seq.s32 @!p0 s5, $0x0  }
0x1f: {  	s9 =	smul.u32 $0xF7A, s1;
	s8 =	simm.s32 @!p0 $0x1BF5;
	p2 =	por !p2, p0  }
0x20: {  	[sflag:s8] =	ssyncset.s32 @!p0 $0xFFFFF086;
	s6 =	sadd.s32 @!p0 s3, s7;
	s7 =	simm.s32 @!p0 $0x108  }
0x21: {  	s3 =	sadd.s32 s3, s9;
	s6 =	sadd.s32 @!p0 $0x88, s6;
	s7 =	simm.s32 @p2 $0x1082  }
0x22: {  	[simem:s7], [sflag:s8] =	dma.local @!p0 [hbm:s6], $0xF7A  }
0x23: {  	s9 =	sor.u32 $0xD0000000, s2;
	s6 =	simm.s32 $0x108;
	_ =	swait.ge @!p0 [sflag:s8], $0x0  }
0x24: {  	s3 =	sadd.s32 $0x88, s3;
	s6 =	simm.s32 @!p1 $0x1082;
	[sflag:s4] =	ssyncset.s32 $0xFFFFF086  }
0x25: {  	[simem:s6], [sflag:s4] =	dma.local [hbm:s3], $0xF7A  }
0x26: {  	[smem:$0x3F95] =	sst s1;
	(tag) =	ssettag s2;
	_ =	strace s9  }
0x27: {  	s1 =	sld [smem:$0x3FA5]  }
0x28: {  	s2 =	sld [smem:$0x3FA6]  }
0x29: {  	s4 =	sld [smem:$0x3FA8]  }
0x2a: {  	p0 =	seq.s32 s5, $0x0;
	s5 =	sld [smem:$0x3FA9]  }
0x2b: {  	s6 =	sld [smem:$0x3FAA]  }
0x2c: {  	s7 =	sld [smem:$0x3FAB]  }
0x2d: {  	s3 =	simm.s32 $0x108;
	s8 =	sld [smem:$0x3FAC]  }
0x2e: {  	s3 =	simm.s32 @!p0 $0x1082;
	s9 =	sld [smem:$0x3FAD]  }
0x2f: {  	lr =	sadd.s32 s0, s3;
	s0 =	sld [smem:$0x3FA4]  }
0x30: {  	s3 =	sld [smem:$0x3FA7]  }
0x31: {  	[smem:$0x3FB0] =	sst s10  }
0x32: {  	s10 =	sld [smem:$0x3FAE];
	_ =	sdelay $0x3  }
0x33: {  	p0 =	seq.s32 s10, $0x1;
	s10 =	sld [smem:$0x3FB0];
	_ =	sdelay $0x3  }
0x34: {  	[smem:$0x3FB0] =	sst s10  }
0x35: {  	s10 =	sld [smem:$0x3FAF];
	_ =	sdelay $0x3  }
0x36: {  	p1 =	seq.s32 s10, $0x1;
	s10 =	sld [smem:$0x3FB0];
	_ =	sdelay $0x3  }
0x37: {  	[smem:$0x3FB0] =	sst s10  }
0x38: {  	s10 =	sld [smem:$0x3FB1]  }
0x39: {  	_ = 	snop;
	(pc) =	sbr.ind lr, $3  }
0x3a: {  	_ = 	snop  }
0x3b: {  	_ = 	snop  }
0x3c: {  	p2 =	seq.s32 s10, $0x1;
	s10 =	sld [smem:$0x3FB0]  }
0x3d: {  	_ =	shalt  }
0x3e: {  	_ =	shalt  }
0x3f: {  	_ =	shalt  }
0x40: {  	_ =	shalt  }
0x41: {  	_ =	shalt  }
0x42: {  	_ =	shalt  }
0x43: {  	_ =	shalt  }
0x44: {  	_ =	shalt  }
0x45: {  	_ =	shalt  }
0x46: {  	_ =	shalt  }
0x47: {  	_ =	shalt  }
0x48: {  	_ =	shalt  }
0x49: {  	_ =	shalt  }
0x4a: {  	_ =	shalt  }
0x4b: {  	_ =	shalt  }
0x4c: {  	_ =	shalt  }
0x4d: {  	_ =	shalt  }
0x4e: {  	_ =	shalt  }
0x4f: {  	_ =	shalt  }
0x50: {  	_ =	shalt  }
0x51: {  	_ =	shalt  }
0x52: {  	_ =	shalt  }
0x53: {  	_ =	shalt  }
0x54: {  	_ =	shalt  }
0x55: {  	_ =	shalt  }
0x56: {  	_ =	shalt  }
0x57: {  	_ =	shalt  }
0x58: {  	_ =	shalt  }
0x59: {  	_ =	shalt  }
0x5a: {  	_ =	shalt  }
0x5b: {  	_ =	shalt  }
0x5c: {  	_ =	shalt  }
0x5d: {  	_ =	shalt  }
0x5e: {  	_ =	shalt  }
0x5f: {  	_ =	shalt  }
0x60: {  	_ =	shalt  }
0x61: {  	_ =	shalt  }
0x62: {  	_ =	shalt  }
0x63: {  	_ =	shalt  }
0x64: {  	_ =	shalt  }
0x65: {  	_ =	shalt  }
0x66: {  	_ =	shalt  }
0x67: {  	_ =	shalt  }
0x68: {  	_ =	shalt  }
0x69: {  	_ =	shalt  }
0x6a: {  	_ =	shalt  }
0x6b: {  	_ =	shalt  }
0x6c: {  	_ =	shalt  }
0x6d: {  	_ =	shalt  }
0x6e: {  	_ =	shalt  }
0x6f: {  	_ =	shalt  }
0x70: {  	_ =	shalt  }
0x71: {  	_ =	shalt  }
0x72: {  	_ =	shalt  }
0x73: {  	_ =	shalt  }
0x74: {  	_ =	shalt  }
0x75: {  	_ =	shalt  }
0x76: {  	_ =	shalt  }
0x77: {  	_ =	shalt  }
0x78: {  	_ =	shalt  }
0x79: {  	_ =	shalt  }
0x7a: {  	_ =	shalt  }
0x7b: {  	_ =	shalt  }
0x7c: {  	_ =	shalt  }
0x7d: {  	_ =	shalt  }
0x7e: {  	_ =	shalt  }
0x7f: {  	_ =	shalt  }
0x80: {  	_ =	shalt  }
0x81: {  	_ =	shalt  }
0x82: {  	_ =	shalt  }
0x83: {  	_ =	shalt  }
0x84: {  	_ =	shalt  }
0x85: {  	_ =	shalt  }
0x86: {  	_ =	shalt  }
0x87: {  	_ =	shalt  }
.Lfunc_end0:
.L_simem_size_0:
called_computation_lowered:
.L_overlay_start_0:
0x88: {  	s2 =	sld [smem:$0x3FD9]  }
0x89: {  	s3 =	sld [smem:$0x3FFE];
	_ =	sdelay $0x1  }
0x8a: {  	s1 =	srdreg.scid  }
0x8b: {  	s0 =	sand.u32 $0x1, s1  }
0x8c: {  	s14 =	sshll.u32 s0, $0xA;
	s2 =	sadd.s32 s3, s2  }
0x8d: {  	s2 =	sadd.s32 s2, s14  }
0x8e: {  	[smem:$0x3FBC] =	sst s2  }
0x8f: {  	_ = 	snop  }
0x90: {  	s2 =	sld [smem:$0x3FD0];
	_ =	sdelay $0x2  }
0x91: {  	s15 =	simm.s32 $0xA;
	s4 =	simm.s32 $0x10  }
0x92: {  	[smem:s4], [sflag:s15] =	dma.local [hbm:s2], $0x1  }
0x93: {  	_ =	swait.eq [sflag:s15], $0x1  }
0x94: {  	s16 =	sld [smem:$0x10];
	[sflag:s15] =	ssyncset.done $0x0  }
0x95: {  	s17 =	sld [smem:$0x11];
	[sflag:s15] =	ssyncadd.s32 $0xFFFFFFFF  }
0x96: {  	s18 =	sld [smem:$0x12];
	(tm) =	ssettm $0x1  }
0x97: {  	s5 =	sld [smem:$0x3FFB];
	_ =	sdelay $0x3  }
0x98: {  	_ =	strace s5  }
0x99: {  	s5 =	sld [smem:$0x3FFC];
	_ =	sdelay $0x3  }
0x9a: {  	_ =	strace s5  }
0x9b: {  	s5 =	sld [smem:$0x3FFD];
	_ =	sdelay $0x3  }
0x9c: {  	_ =	strace s5  }
0x9d: {  	_ =	strace $0x8FFFFFFF  }
0x9e: {  	s19 =	sld [smem:$0x3FDB];
	_ =	sdelay $0x1  }
0x9f: {  	s6 =	simm.s32 $_scs_section_size  }
0xa0: {  	s7 =	simm.s32 $_size__tile_overlayer_lowered;
	s8 =	simm.s32 $_tile_overlayer_lowered  }
0xa1: {  	s22 =	simm.s32 $0x1BFF;
	s21 =	sshll.u32 s8, $0x1;
	s5 =	sadd.s32 s6, s19  }
0xa2: {  	s9 =	simm.s32 $0x0;
	s20 =	sshll.u32 s7, $0x1;
	s7 =	sadd.s32 s21, s5  }
0xa3: {  	[timem:s9], [sflag:s22] =	dma.local [hbm:s7], s20  }
0xa4: {  	_ =	swait.ge [sflag:s22], s20  }
0xa5: {  	s6 =	ssub.s32 $0x0, s20;
	[sflag:s22] =	ssyncset.done $0x0  }
0xa6: {  	[sflag:s22] =	ssyncadd.s32 s6;
	_ =	sdelay $0x1  }
0xa7: {  	s23 =	simm.s32 $0x1B8B  }
0xa8: {  	_ =	swait.ge [sflag:s23], $0x1  }
0xa9: {  	[sflag:s23] =	ssyncset.done $0x0  }
0xaa: {  	s25 =	simm.s32 $0x1B8E;
	s24 =	sld [smem:$0x3FFE];
	[sflag:s23] =	ssyncadd.s32 $0xFFFFFFFF  }
0xab: {  	s26 =	simm.s32 $execute0_lowered;
	[smem:$0x3FD2] =	sst s25  }
0xac: {  	s7 =	sshll.u32 s26, $0x1;
	_ =	strace $0x80000046;
	[dreg:$0x1] =	wrdreg $0xFFFFFFFF  }
0xad: {  	s28 =	simm.s32 $_size_execute0_lowered;
	s5 =	sadd.s32 s5, s7;
	[dreg:$0x0] =	wrdreg $0x0  }
0xae: {  	s7 =	sshll.u32 s28, $0x1;
	[dreg:$0x2] =	wrdreg s5  }
0xaf: {  	[dreg:$0x3] =	wrdreg s7  }
0xb0: {  	[dreg:$0x4] =	wrdreg $0xC0  }
0xb1: {  	_ =	task [dreg:s9], $0x5FFFF  }
0xb2: {  	[dreg:$0x1] =	wrdreg $0xFFFFFFFF  }
0xb3: {  	[dreg:$0x0] =	wrdreg $0x60  }
0xb4: {  	[dreg:$0x2] =	wrdreg s18  }
0xb5: {  	[dreg:$0x3] =	wrdreg s24  }
0xb6: {  	[dreg:$0x4] =	wrdreg s16  }
0xb7: {  	[dreg:$0x5] =	wrdreg s17  }
0xb8: {  	[dreg:$0x6] =	wrdreg $0x9  }
0xb9: {  	_ =	task.clear_ibuf [dreg:s9], $0x7FFFF;
	_ =	strace $0x90000046  }
0xba: {  	s29 =	simm.s32 $0x9;
	_ =	strace $0x80000048  }
0xbb: {  	_ =	swait.ge [sflag:s29], $0x1  }
0xbc: {  	[sflag:s29] =	ssyncadd.s32 $0xFFFFFFFF  }
0xbd: {  	_ =	strace $0x90000048  }
0xbe: {  	_ =	sfence  }
0xbf: {  	s30 =	sld [smem:$0x0];
	_ =	sdelay $0x2  }
0xc0: {  	s31 =	sshll.u32 s1, $0xD;
	s1 =	sshrl.u32 s1, $0x2  }
0xc1: {  	s3 =	sand.u32 $0x4000, s31;
	s1 =	sadd.s32 s1, s30  }
0xc2: {  	s0 =	sor.u32 s3, s0;
	s1 =	sshll.u32 s1, $0x11  }
0xc3: {  	s0 =	sor.u32 s1, s0  }
0xc4: {  	s0 =	sadd.s32 $0x8F2B, s0  }
0xc5: {  	[sflag:s0] =	ssyncadd.remote.s32 $0x1  }
0xc6: {  	_ =	sfence.sel $0xFFFF  }
0xc7: {  	[dreg:$0x0] =	wrdreg $0xFFFFFFFF;
	(pc) =	sbr.abs _section_cstart, $3  }
0xc8: {  	[dreg:$0x1] =	wrdreg $0xFFFFFFFF  }
0xc9: {  	_ =	task.clear_ibuf [dreg:s9], $0x2FFFF;
	_ =	strace $0x9FFFFFFF  }
0xca: {  	(tm) =	ssettm $0x7FFFFFFF  }
0xcb: {  	_ =	shalt  }
tec
execute0_lowered:
.L_overlay_start_1:
0x0: {  	(tag) =	ssettag $0x1  }
0x1: {  	s0 =	rddreg [dreg:$0x0]  }
0x2: {  	s5 =	rddreg [dreg:$0x1]  }
0x3: {  	s4 =	rddreg [dreg:$0x2]  }
0x4: {  	s1 =	rddreg [dreg:$0x3];
	s2 =	srdreg.scid  }
0x5: {  	s22 =	stileid.u32;
	s25 =	simm.s32 $0x880;
	s26 =	simm.s32 $0x1080  }
0x6: {  	s11 =	simm.s32 $0x2080;
	s12 =	simm.s32 $0x2880;
	s13 =	simm.s32 $0x3080  }
0x7: {  	s14 =	simm.s32 $0x3880;
	s15 =	simm.s32 $0x4080;
	s16 =	simm.s32 $0x4880  }
0x8: {  	s17 =	simm.s32 $0x5080;
	s18 =	simm.s32 $0x5880;
	s19 =	simm.s32 $0x6080  }
0x9: {  	s20 =	simm.s32 $0x6880;
	s21 =	simm.s32 $0x7080;
	s28 =	simm.s32 $0xA080  }
0xa: {  	s29 =	simm.s32 $0xA880;
	s30 =	simm.s32 $0xB080;
	s31 =	simm.s32 $0xB880  }
0xb: {  	[dreg:$0x5] =	wrdreg s1;
	s3 =	sand.u32 $0x1, s2;
	s2 =	simm.s32 $0x0  }
0xc: {  	s6 =	sshll.u32 s22, $0x7;
	s22 =	simm.s32 $0x7880;
	s7 =	sshll.u32 s3, $0x6  }
0xd: {  	[smem:$0x7FF] =	sst s2;
	s9 =	ssub.s32 $0x2, s3;
	s3 =	sadd.s32 $0x3E00, s5  }
0xe: {  	s6 =	sor.u32 s7, s6;
	_ =	strace $0x80000047;
	[dreg:$0x9] =	wrdreg s25  }
0xf: {  	s10 =	sshrl.u32 s9, $0x1;
	[dreg:$0xa] =	wrdreg s26;
	s25 =	simm.s32 $0x9080  }
0x10: {  	s26 =	simm.s32 $0x9880;
	s7 =	sshrl.u32 s6, $0x3;
	s6 =	sshll.u32 s6, $0x4  }
0x11: {  	s23 =	ssub.s32 s9, s10;
	s9 =	simm.s32 $0x1;
	s8 =	sadd.s32 s7, s5  }
0x12: {  	s7 =	smul.u32 $0x300, s7;
	s24 =	sadd.s32 s4, s6;
	s4 =	sadd.s32 $0x3F00, s5  }
0x13: {  	s5 =	sadd.s32 $0x4000, s5;
	s6 =	smax.u32 s23, $0x1;
	s23 =	simm.s32 $0x8080  }
0x14: {  	v2 =	vlaneseq.u32;
	s8 =	sadd.s32 $0x3C00, s8;
	[dreg:$0x8] =	wrdreg s24;
	s24 =	simm.s32 $0x8880  }
0x15: {  	vm0 =	vmmov $0xffff;
	v1 =	vshrl.u32 v2, $0x3;
	[dreg:$0x6] =	wrdreg s8;
	s0 =	sadd.s32 s0, s7;
	s7 =	simm.s32 $0x80  }
0x16: {  	v0 =	vand.u32 $0x7, v2;
	v2 =	vor.u32 $0x8, v2;
	v1 =	vmul.u32 $0x8, v1;
	s8 =	simm.s32 $0xC080;
	[dreg:$0x7] =	wrdreg s0;
	s0 =	simm.s32 $0x40  }
.LBB2_1:
0x17: {  	s1 =	rddreg [dreg:$0x6]  }
0x18: {  	[tilespmem:s2], [sflag:$0x1] =	stream.linear.gather [hbm4b:s1+s2], $0x40, $0x38;
	[tilespmem:$0xE080] =	vst v63  }
0x19: {  	s10 =	rddreg [dreg:$0x7]  }
0x1a: {  	[tilespmem:s7], [sflag:$0x1] =	stream.linear.gather [hbm4b:s10+s2], $0xC000, $0x38;
	[tilespmem:$0xE080] =	vst v63  }
0x1b: {  	s1 =	rddreg [dreg:$0x8]  }
0x1c: {  	[tilespmem:s8], [sflag:$0x1] =	stream.linear.gather [hbm4b:s1+s2], $0x2000, $0x38;
	[tilespmem:$0xE080] =	vst v63  }
0x1d: {  	_ =	swait.ge [sflag:s9], $0x40  }
0x1e: {  	[sflag:s9] =	ssyncset.done $0x0  }
0x1f: {  	[sflag:s9] =	ssyncadd.s32 $0xFFFFFFC0  }
0x20: {  	_ =	swait.ge [sflag:s9], $0xC000  }
0x21: {  	[sflag:s9] =	ssyncset.done $0x0  }
0x22: {  	[sflag:s9] =	ssyncadd.s32 $0xFFFF4000  }
0x23: {  	_ =	swait.ge [sflag:s9], $0x2000  }
0x24: {  	[sflag:s9] =	ssyncset.done $0x0  }
0x25: {  	[sflag:s9] =	ssyncadd.s32 $0xFFFFE000  }
0x26: {  	v3 =	vld [tilespmem:$0x0];
	_ =	sdelay $0x4  }
0x27: {  	v4 =	vshrl.u32 v3, $0x3  }
0x28: {  	v4 =	vmul.u32 $0x30, v4  }
0x29: {  	v3 =	vand.u32 $0x7, v3  }
0x2a: {  	v3 =	vor.u32 v3, v4  }
0x2b: {  	v4 =	vperm.xlane v3, v0;
	_ =	sdelay $0x1  }
0x2c: {  	v4 =	vadd.s32 v1, v4;
	_ =	sdelay $0x3  }
0x2d: {  	v3 =	vperm.xlane v3, v2  }
0x2e: {  	[hbm4b:s3+s2] =	stream.indirect_vreg.scatter [tilespmem:s7], [sflag:$0x1], $0x80, v4, vm0, $0xb8;
	[tilespmem:$0xE080] =	vst v63  }
0x2f: {  	s1 =	rddreg [dreg:$0x9];
	v3 =	vadd.s32 v1, v3  }
0x30: {  	[hbm4b:s4+s2] =	stream.indirect_vreg.scatter [tilespmem:s1], [sflag:$0x1], $0x80, v4, vm0, $0xb8;
	[tilespmem:$0xE080] =	vst v63  }
0x31: {  	s10 =	rddreg [dreg:$0xa]  }
0x32: {  	[hbm4b:s5+s2] =	stream.indirect_vreg.scatter [tilespmem:s10], [sflag:$0x1], $0x80, v4, vm0, $0xb8;
	[tilespmem:$0xE080] =	vst v63  }
0x33: {  	s10 =	simm.s32 $0x1880  }
0x34: {  	[hbm4b:s3+s2] =	stream.indirect_vreg.scatter [tilespmem:s10], [sflag:$0x1], $0x80, v3, vm0, $0xb8;
	[tilespmem:$0xE080] =	vst v63  }
0x35: {  	_ = 	snop  }
0x36: {  	[hbm4b:s4+s2] =	stream.indirect_vreg.scatter [tilespmem:s11], [sflag:$0x1], $0x80, v3, vm0, $0xb8;
	[tilespmem:$0xE080] =	vst v63  }
0x37: {  	_ = 	snop  }
0x38: {  	[hbm4b:s5+s2] =	stream.indirect_vreg.scatter [tilespmem:s12], [sflag:$0x1], $0x80, v3, vm0, $0xb8;
	[tilespmem:$0xE080] =	vst v63  }
0x39: {  	v3 =	vld [tilespmem:$0x10];
	_ =	sdelay $0x4  }
0x3a: {  	v61 =	vshrl.u32 v3, $0x3  }
0x3b: {  	v4 =	vmul.u32 $0x30, v61  }
0x3c: {  	v3 =	vand.u32 $0x7, v3  }
0x3d: {  	v3 =	vor.u32 v3, v4  }
0x3e: {  	v4 =	vperm.xlane v3, v0;
	_ =	sdelay $0x1  }
0x3f: {  	v4 =	vadd.s32 v1, v4;
	_ =	sdelay $0x3  }
0x40: {  	v3 =	vperm.xlane v3, v2  }
0x41: {  	[hbm4b:s3+s2] =	stream.indirect_vreg.scatter [tilespmem:s13], [sflag:$0x1], $0x80, v4, vm0, $0xb8;
	[tilespmem:$0xE080] =	vst v63  }
0x42: {  	v3 =	vadd.s32 v1, v3  }
0x43: {  	[hbm4b:s4+s2] =	stream.indirect_vreg.scatter [tilespmem:s14], [sflag:$0x1], $0x80, v4, vm0, $0xb8;
	[tilespmem:$0xE080] =	vst v63  }
0x44: {  	_ = 	snop  }
0x45: {  	[hbm4b:s5+s2] =	stream.indirect_vreg.scatter [tilespmem:s15], [sflag:$0x1], $0x80, v4, vm0, $0xb8;
	[tilespmem:$0xE080] =	vst v63  }
0x46: {  	_ = 	snop  }
0x47: {  	[hbm4b:s3+s2] =	stream.indirect_vreg.scatter [tilespmem:s16], [sflag:$0x1], $0x80, v3, vm0, $0xb8;
	[tilespmem:$0xE080] =	vst v63  }
0x48: {  	_ = 	snop  }
0x49: {  	[hbm4b:s4+s2] =	stream.indirect_vreg.scatter [tilespmem:s17], [sflag:$0x1], $0x80, v3, vm0, $0xb8;
	[tilespmem:$0xE080] =	vst v63  }
0x4a: {  	_ = 	snop  }
0x4b: {  	[hbm4b:s5+s2] =	stream.indirect_vreg.scatter [tilespmem:s18], [sflag:$0x1], $0x80, v3, vm0, $0xb8;
	[tilespmem:$0xE080] =	vst v63  }
0x4c: {  	v3 =	vld [tilespmem:$0x20];
	_ =	sdelay $0x4  }
0x4d: {  	v62 =	vshrl.u32 v3, $0x3  }
0x4e: {  	v4 =	vmul.u32 $0x30, v62  }
0x4f: {  	v3 =	vand.u32 $0x7, v3  }
0x50: {  	v3 =	vor.u32 v3, v4  }
0x51: {  	v4 =	vperm.xlane v3, v0;
	_ =	sdelay $0x1  }
0x52: {  	v4 =	vadd.s32 v1, v4;
	_ =	sdelay $0x3  }
0x53: {  	v3 =	vperm.xlane v3, v2  }
0x54: {  	[hbm4b:s3+s2] =	stream.indirect_vreg.scatter [tilespmem:s19], [sflag:$0x1], $0x80, v4, vm0, $0xb8;
	[tilespmem:$0xE080] =	vst v63  }
0x55: {  	v3 =	vadd.s32 v1, v3  }
0x56: {  	[hbm4b:s4+s2] =	stream.indirect_vreg.scatter [tilespmem:s20], [sflag:$0x1], $0x80, v4, vm0, $0xb8;
	[tilespmem:$0xE080] =	vst v63  }
0x57: {  	_ = 	snop  }
0x58: {  	[hbm4b:s5+s2] =	stream.indirect_vreg.scatter [tilespmem:s21], [sflag:$0x1], $0x80, v4, vm0, $0xb8;
	[tilespmem:$0xE080] =	vst v63  }
0x59: {  	_ = 	snop  }
0x5a: {  	[hbm4b:s3+s2] =	stream.indirect_vreg.scatter [tilespmem:s22], [sflag:$0x1], $0x80, v3, vm0, $0xb8;
	[tilespmem:$0xE080] =	vst v63  }
0x5b: {  	_ = 	snop  }
0x5c: {  	[hbm4b:s4+s2] =	stream.indirect_vreg.scatter [tilespmem:s23], [sflag:$0x1], $0x80, v3, vm0, $0xb8;
	[tilespmem:$0xE080] =	vst v63  }
0x5d: {  	_ = 	snop  }
0x5e: {  	[hbm4b:s5+s2] =	stream.indirect_vreg.scatter [tilespmem:s24], [sflag:$0x1], $0x80, v3, vm0, $0xb8;
	[tilespmem:$0xE080] =	vst v63  }
0x5f: {  	v3 =	vld [tilespmem:$0x30];
	_ =	sdelay $0x4  }
0x60: {  	v63 =	vshrl.u32 v3, $0x3  }
0x61: {  	v4 =	vmul.u32 $0x30, v63  }
0x62: {  	v3 =	vand.u32 $0x7, v3  }
0x63: {  	v3 =	vor.u32 v3, v4  }
0x64: {  	v4 =	vperm.xlane v3, v0;
	_ =	sdelay $0x1  }
0x65: {  	v4 =	vadd.s32 v1, v4;
	_ =	sdelay $0x3  }
0x66: {  	v3 =	vperm.xlane v3, v2  }
0x67: {  	[hbm4b:s3+s2] =	stream.indirect_vreg.scatter [tilespmem:s25], [sflag:$0x1], $0x80, v4, vm0, $0xb8;
	[tilespmem:$0xE080] =	vst v63  }
0x68: {  	v3 =	vadd.s32 v1, v3  }
0x69: {  	[hbm4b:s4+s2] =	stream.indirect_vreg.scatter [tilespmem:s26], [sflag:$0x1], $0x80, v4, vm0, $0xb8;
	[tilespmem:$0xE080] =	vst v63  }
0x6a: {  	_ = 	snop  }
0x6b: {  	[hbm4b:s5+s2] =	stream.indirect_vreg.scatter [tilespmem:s28], [sflag:$0x1], $0x80, v4, vm0, $0xb8;
	[tilespmem:$0xE080] =	vst v63  }
0x6c: {  	_ = 	snop  }
0x6d: {  	[hbm4b:s3+s2] =	stream.indirect_vreg.scatter [tilespmem:s29], [sflag:$0x1], $0x80, v3, vm0, $0xb8;
	[tilespmem:$0xE080] =	vst v63  }
0x6e: {  	_ = 	snop  }
0x6f: {  	[hbm4b:s4+s2] =	stream.indirect_vreg.scatter [tilespmem:s30], [sflag:$0x1], $0x80, v3, vm0, $0xb8;
	[tilespmem:$0xE080] =	vst v63  }
0x70: {  	_ = 	snop  }
0x71: {  	[hbm4b:s5+s2] =	stream.indirect_vreg.scatter [tilespmem:s31], [sflag:$0x1], $0x80, v3, vm0, $0xb8;
	[tilespmem:$0xE080] =	vst v63  }
0x72: {  	s10 =	rddreg [dreg:$0x5]  }
0x73: {  	[hbm4b:s10+s0] =	stream.indirect.scatter [tilespmem:s8], [sflag:$0x1], $0x80, s2, s0, $0xb8;
	[tilespmem:$0xE080] =	vst v63  }
0x74: {  	p0 =	sne.s32 s6, $0x1;
	_ =	swait.ge [sflag:s9], $0xC000  }
.Ltmp0:
0x75: {  	[sflag:s9] =	ssyncset.done $0x0;
	(pc) =	sbr.rel @p0 .LBB2_1-.Ltmp0, $4  }
0x76: {  	[sflag:s9] =	ssyncadd.s32 $0xFFFF4000  }
0x77: {  	_ =	swait.ge [sflag:s9], $0x2000  }
0x78: {  	[sflag:s9] =	ssyncset.done $0x0  }
0x79: {  	s6 =	sadd.s32 $0xFFFFFFFF, s6;
	[sflag:s9] =	ssyncadd.s32 $0xFFFFE000  }
0x7a: {  	_ =	sfence.sel $0x180000  }
0x7b: {  	[bflag:$0x0] =	sbarrier.arrive $0xFFFF  }
0x7c: {  	_ =	strace $0x90000047  }
0x7d: {  	s0 =	stileid.u32;
	[bflag:$0x2] =	sbarrier.arrive $0xFFFF  }
0x7e: {  	p0 =	sne.s32 s0, $0x0;
	s0 =	rddreg [dreg:$0x4]  }
0x7f: {  	s0 =	sadd.s32 @!p0 $0x100000, s0  }
0x80: {  	[sflag:s0] =	ssyncadd.tile.s32 @!p0 $0x1;
	_ =	shalt  }
.Lfunc_end2:
_tile_overlayer_lowered:
.L_overlay_start_2:
0x81: {  	(tag) =	ssettag $0x2  }
0x82: {  	s0 =	rddreg [dreg:$0x0];
	s2 =	stileid.u32  }
0x83: {  	s1 =	rddreg [dreg:$0x1];
	p0 =	sne.s32 s2, $0x0  }
0x84: {  	s3 =	rddreg [dreg:$0x2];
	[bflag:$0x3] =	sbarrier.arrive $0xFFFF;
	s2 =	simm.s32 @!p0 $0x1C02  }
0x85: {  	[timem:s3], [sflag:s2] =	dma.local @!p0 [hbm:s0], s1  }
0x86: {  	s0 =	simm.s32 @!p0 $0x2  }
0x87: {  	_ =	swait.ge @!p0 [sflag:s0], s1  }
0x88: {  	s1 =	ssub.s32 @!p0 $0x0, s1;
	[sflag:s0] =	ssyncset.done @!p0 $0x0  }
0x89: {  	[sflag:s0] =	ssyncadd.s32 @!p0 s1  }
0x8a: {  	[bflag:$0x3] =	sbarrier.arrive $0xFFFF  }
0x8b: {  	_ =	shalt  }

// kernel: kernel.13.cloned.1.call-start
scs
__scs_entry_jumppad:
0x0: {  	(pc) =	sbr.rel $0x88, $3  }
0x1: {  	(tag) =	ssettag $0x0;
	lr =	simm.s32 $0x1  }
0x2: {  	[smem:$0x3F95] =	sst lr;
	_ =	strace $0xD0000000  }
0x3: {  	_ = 	snop  }
0x4: {  	_ = 	snop  }
0x5: {  	_ = 	snop  }
0x6: {  	_ = 	snop  }
0x7: {  	_ = 	snop  }
__scs_overlays_trampoline_lowered:
0x8: {  	[smem:$0x3FA4] =	sst s0  }
0x9: {  	[smem:$0x3FA5] =	sst s1  }
0xa: {  	[smem:$0x3FA6] =	sst s2  }
0xb: {  	[smem:$0x3FA7] =	sst s3  }
0xc: {  	[smem:$0x3FA8] =	sst s4  }
0xd: {  	[smem:$0x3FA9] =	sst s5  }
0xe: {  	[smem:$0x3FAA] =	sst s6  }
0xf: {  	[smem:$0x3FAB] =	sst s7  }
0x10: {  	[smem:$0x3FAC] =	sst s8  }
0x11: {  	[smem:$0x3FAD] =	sst s9;
	s0 =	simm.s32 @!p0 $0x0  }
0x12: {  	s1 =	sld [smem:$0x3F93];
	s0 =	simm.s32 @p0 $0x1  }
0x13: {  	[smem:$0x3FAE] =	sst s0;
	s0 =	simm.s32 @!p1 $0x0  }
0x14: {  	s2 =	sld [smem:$0x3F92];
	s0 =	simm.s32 @p1 $0x1  }
0x15: {  	[smem:$0x3FAF] =	sst s0;
	s0 =	simm.s32 @!p2 $0x0  }
0x16: {  	s3 =	sld [smem:$0x3FDB];
	s0 =	simm.s32 @p2 $0x1  }
0x17: {  	s4 =	simm.s32 $0x1BF5;
	[smem:$0x3FB1] =	sst s0  }
0x18: {  	s0 =	sld [smem:$0x3F94];
	_ =	swait.ge [sflag:s4], $0x0  }
0x19: {  	s7 =	sld [smem:$0x3F95]  }
0x1a: {  	s8 =	sadd.s32 $0xFFFFE003, lr  }
0x1b: {  	s9 =	sadd.s32 $0xFFFFFEF7, lr;
	s5 =	simm.s32 $0xFFFFFFFF;
	p2 =	slt.u32 s8, $0xFFFFF086  }
0x1c: {  	p1 =	slt.u32 s9, $0xF7A;
	s5 =	simm.s32 @!p2 $0x0  }
0x1d: {  	s5 =	simm.s32 @p1 $0x1;
	p0 =	seq.s32 s7, s2  }
0x1e: {  	s7 =	smul.u32 @!p0 $0xF7A, s2;
	p2 =	seq.s32 @!p0 s5, $0x0  }
0x1f: {  	s9 =	smul.u32 $0xF7A, s1;
	s8 =	simm.s32 @!p0 $0x1BF5;
	p2 =	por !p2, p0  }
0x20: {  	[sflag:s8] =	ssyncset.s32 @!p0 $0xFFFFF086;
	s6 =	sadd.s32 @!p0 s3, s7;
	s7 =	simm.s32 @!p0 $0x108  }
0x21: {  	s3 =	sadd.s32 s3, s9;
	s6 =	sadd.s32 @!p0 $0x88, s6;
	s7 =	simm.s32 @p2 $0x1082  }
0x22: {  	[simem:s7], [sflag:s8] =	dma.local @!p0 [hbm:s6], $0xF7A  }
0x23: {  	s9 =	sor.u32 $0xD0000000, s2;
	s6 =	simm.s32 $0x108;
	_ =	swait.ge @!p0 [sflag:s8], $0x0  }
0x24: {  	s3 =	sadd.s32 $0x88, s3;
	s6 =	simm.s32 @!p1 $0x1082;
	[sflag:s4] =	ssyncset.s32 $0xFFFFF086  }
0x25: {  	[simem:s6], [sflag:s4] =	dma.local [hbm:s3], $0xF7A  }
0x26: {  	[smem:$0x3F95] =	sst s1;
	(tag) =	ssettag s2;
	_ =	strace s9  }
0x27: {  	s1 =	sld [smem:$0x3FA5]  }
0x28: {  	s2 =	sld [smem:$0x3FA6]  }
0x29: {  	s4 =	sld [smem:$0x3FA8]  }
0x2a: {  	p0 =	seq.s32 s5, $0x0;
	s5 =	sld [smem:$0x3FA9]  }
0x2b: {  	s6 =	sld [smem:$0x3FAA]  }
0x2c: {  	s7 =	sld [smem:$0x3FAB]  }
0x2d: {  	s3 =	simm.s32 $0x108;
	s8 =	sld [smem:$0x3FAC]  }
0x2e: {  	s3 =	simm.s32 @!p0 $0x1082;
	s9 =	sld [smem:$0x3FAD]  }
0x2f: {  	lr =	sadd.s32 s0, s3;
	s0 =	sld [smem:$0x3FA4]  }
0x30: {  	s3 =	sld [smem:$0x3FA7]  }
0x31: {  	[smem:$0x3FB0] =	sst s10  }
0x32: {  	s10 =	sld [smem:$0x3FAE];
	_ =	sdelay $0x3  }
0x33: {  	p0 =	seq.s32 s10, $0x1;
	s10 =	sld [smem:$0x3FB0];
	_ =	sdelay $0x3  }
0x34: {  	[smem:$0x3FB0] =	sst s10  }
0x35: {  	s10 =	sld [smem:$0x3FAF];
	_ =	sdelay $0x3  }
0x36: {  	p1 =	seq.s32 s10, $0x1;
	s10 =	sld [smem:$0x3FB0];
	_ =	sdelay $0x3  }
0x37: {  	[smem:$0x3FB0] =	sst s10  }
0x38: {  	s10 =	sld [smem:$0x3FB1]  }
0x39: {  	_ = 	snop;
	(pc) =	sbr.ind lr, $3  }
0x3a: {  	_ = 	snop  }
0x3b: {  	_ = 	snop  }
0x3c: {  	p2 =	seq.s32 s10, $0x1;
	s10 =	sld [smem:$0x3FB0]  }
0x3d: {  	_ =	shalt  }
0x3e: {  	_ =	shalt  }
0x3f: {  	_ =	shalt  }
0x40: {  	_ =	shalt  }
0x41: {  	_ =	shalt  }
0x42: {  	_ =	shalt  }
0x43: {  	_ =	shalt  }
0x44: {  	_ =	shalt  }
0x45: {  	_ =	shalt  }
0x46: {  	_ =	shalt  }
0x47: {  	_ =	shalt  }
0x48: {  	_ =	shalt  }
0x49: {  	_ =	shalt  }
0x4a: {  	_ =	shalt  }
0x4b: {  	_ =	shalt  }
0x4c: {  	_ =	shalt  }
0x4d: {  	_ =	shalt  }
0x4e: {  	_ =	shalt  }
0x4f: {  	_ =	shalt  }
0x50: {  	_ =	shalt  }
0x51: {  	_ =	shalt  }
0x52: {  	_ =	shalt  }
0x53: {  	_ =	shalt  }
0x54: {  	_ =	shalt  }
0x55: {  	_ =	shalt  }
0x56: {  	_ =	shalt  }
0x57: {  	_ =	shalt  }
0x58: {  	_ =	shalt  }
0x59: {  	_ =	shalt  }
0x5a: {  	_ =	shalt  }
0x5b: {  	_ =	shalt  }
0x5c: {  	_ =	shalt  }
0x5d: {  	_ =	shalt  }
0x5e: {  	_ =	shalt  }
0x5f: {  	_ =	shalt  }
0x60: {  	_ =	shalt  }
0x61: {  	_ =	shalt  }
0x62: {  	_ =	shalt  }
0x63: {  	_ =	shalt  }
0x64: {  	_ =	shalt  }
0x65: {  	_ =	shalt  }
0x66: {  	_ =	shalt  }
0x67: {  	_ =	shalt  }
0x68: {  	_ =	shalt  }
0x69: {  	_ =	shalt  }
0x6a: {  	_ =	shalt  }
0x6b: {  	_ =	shalt  }
0x6c: {  	_ =	shalt  }
0x6d: {  	_ =	shalt  }
0x6e: {  	_ =	shalt  }
0x6f: {  	_ =	shalt  }
0x70: {  	_ =	shalt  }
0x71: {  	_ =	shalt  }
0x72: {  	_ =	shalt  }
0x73: {  	_ =	shalt  }
0x74: {  	_ =	shalt  }
0x75: {  	_ =	shalt  }
0x76: {  	_ =	shalt  }
0x77: {  	_ =	shalt  }
0x78: {  	_ =	shalt  }
0x79: {  	_ =	shalt  }
0x7a: {  	_ =	shalt  }
0x7b: {  	_ =	shalt  }
0x7c: {  	_ =	shalt  }
0x7d: {  	_ =	shalt  }
0x7e: {  	_ =	shalt  }
0x7f: {  	_ =	shalt  }
0x80: {  	_ =	shalt  }
0x81: {  	_ =	shalt  }
0x82: {  	_ =	shalt  }
0x83: {  	_ =	shalt  }
0x84: {  	_ =	shalt  }
0x85: {  	_ =	shalt  }
0x86: {  	_ =	shalt  }
0x87: {  	_ =	shalt  }
.Lfunc_end0:
.L_simem_size_0:
called_computation.1_lowered:
.L_overlay_start_0:
0x88: {  	s2 =	sld [smem:$0x3FD9]  }
0x89: {  	s3 =	sld [smem:$0x3FFE];
	_ =	sdelay $0x1  }
0x8a: {  	s1 =	srdreg.scid  }
0x8b: {  	s0 =	sand.u32 $0x1, s1  }
0x8c: {  	s14 =	sshll.u32 s0, $0xA;
	s2 =	sadd.s32 s3, s2  }
0x8d: {  	s2 =	sadd.s32 s2, s14  }
0x8e: {  	[smem:$0x3FBC] =	sst s2  }
0x8f: {  	_ = 	snop  }
0x90: {  	s2 =	sld [smem:$0x3FD0];
	_ =	sdelay $0x2  }
0x91: {  	s15 =	simm.s32 $0xA;
	s4 =	simm.s32 $0x10  }
0x92: {  	[smem:s4], [sflag:s15] =	dma.local [hbm:s2], $0x1  }
0x93: {  	_ =	swait.eq [sflag:s15], $0x1  }
0x94: {  	[sflag:s15] =	ssyncset.done $0x0  }
0x95: {  	s16 =	sld [smem:$0x11];
	[sflag:s15] =	ssyncadd.s32 $0xFFFFFFFF  }
0x96: {  	s17 =	sld [smem:$0x12];
	(tm) =	ssettm $0x1  }
0x97: {  	s18 =	sld [smem:$0x3FFB];
	_ =	sdelay $0x3  }
0x98: {  	_ =	strace s18  }
0x99: {  	s4 =	sld [smem:$0x3FFC];
	_ =	sdelay $0x3  }
0x9a: {  	_ =	strace s4  }
0x9b: {  	s4 =	sld [smem:$0x3FFD];
	_ =	sdelay $0x3  }
0x9c: {  	_ =	strace s4  }
0x9d: {  	_ =	strace $0x8FFFFFFF  }
0x9e: {  	s19 =	sld [smem:$0x3FDB];
	_ =	sdelay $0x1  }
0x9f: {  	s5 =	simm.s32 $_scs_section_size  }
0xa0: {  	s6 =	simm.s32 $_size__tile_overlayer_lowered;
	s7 =	simm.s32 $_tile_overlayer_lowered  }
0xa1: {  	s22 =	simm.s32 $0x1BFF;
	s21 =	sshll.u32 s7, $0x1;
	s4 =	sadd.s32 s5, s19  }
0xa2: {  	s8 =	simm.s32 $0x0;
	s20 =	sshll.u32 s6, $0x1;
	s6 =	sadd.s32 s21, s4  }
0xa3: {  	[timem:s8], [sflag:s22] =	dma.local [hbm:s6], s20  }
0xa4: {  	_ =	swait.ge [sflag:s22], s20  }
0xa5: {  	s5 =	ssub.s32 $0x0, s20;
	[sflag:s22] =	ssyncset.done $0x0  }
0xa6: {  	[sflag:s22] =	ssyncadd.s32 s5;
	_ =	sdelay $0x1  }
0xa7: {  	s23 =	simm.s32 $0x1B8B  }
0xa8: {  	_ =	swait.ge [sflag:s23], $0x1  }
0xa9: {  	[sflag:s23] =	ssyncset.done $0x0  }
0xaa: {  	s25 =	simm.s32 $0x1B8E;
	s24 =	sld [smem:$0x3FFE];
	[sflag:s23] =	ssyncadd.s32 $0xFFFFFFFF  }
0xab: {  	s26 =	simm.s32 $execute0_lowered;
	[smem:$0x3FD2] =	sst s25  }
0xac: {  	s6 =	sshll.u32 s26, $0x1;
	_ =	strace $0x80000049;
	[dreg:$0x1] =	wrdreg $0xFFFFFFFF  }
0xad: {  	s28 =	simm.s32 $_size_execute0_lowered;
	s4 =	sadd.s32 s4, s6;
	[dreg:$0x0] =	wrdreg $0x0  }
0xae: {  	s6 =	sshll.u32 s28, $0x1;
	[dreg:$0x2] =	wrdreg s4  }
0xaf: {  	[dreg:$0x3] =	wrdreg s6  }
0xb0: {  	[dreg:$0x4] =	wrdreg $0xC0  }
0xb1: {  	_ =	task [dreg:s8], $0x5FFFF  }
0xb2: {  	[dreg:$0x1] =	wrdreg $0xFFFFFFFF  }
0xb3: {  	[dreg:$0x0] =	wrdreg $0x60  }
0xb4: {  	[dreg:$0x2] =	wrdreg s17  }
0xb5: {  	[dreg:$0x3] =	wrdreg s24  }
0xb6: {  	[dreg:$0x4] =	wrdreg s16  }
0xb7: {  	[dreg:$0x5] =	wrdreg $0x9  }
0xb8: {  	_ =	task.clear_ibuf [dreg:s8], $0x6FFFF;
	_ =	strace $0x90000049  }
0xb9: {  	s29 =	simm.s32 $0x9;
	_ =	strace $0x8000004B  }
0xba: {  	_ =	swait.ge [sflag:s29], $0x1  }
0xbb: {  	[sflag:s29] =	ssyncadd.s32 $0xFFFFFFFF  }
0xbc: {  	_ =	strace $0x9000004B  }
0xbd: {  	_ =	sfence  }
0xbe: {  	s30 =	sld [smem:$0x0];
	_ =	sdelay $0x2  }
0xbf: {  	s31 =	sshll.u32 s1, $0xD;
	s1 =	sshrl.u32 s1, $0x2  }
0xc0: {  	s3 =	sand.u32 $0x4000, s31;
	s1 =	sadd.s32 s1, s30  }
0xc1: {  	s0 =	sor.u32 s3, s0;
	s1 =	sshll.u32 s1, $0x11  }
0xc2: {  	s0 =	sor.u32 s1, s0  }
0xc3: {  	s0 =	sadd.s32 $0x8F2B, s0  }
0xc4: {  	[sflag:s0] =	ssyncadd.remote.s32 $0x1  }
0xc5: {  	_ =	sfence.sel $0xFFFF  }
0xc6: {  	[dreg:$0x0] =	wrdreg $0xFFFFFFFF;
	(pc) =	sbr.abs _section_cstart, $3  }
0xc7: {  	[dreg:$0x1] =	wrdreg $0xFFFFFFFF  }
0xc8: {  	_ =	task.clear_ibuf [dreg:s8], $0x2FFFF;
	_ =	strace $0x9FFFFFFF  }
0xc9: {  	(tm) =	ssettm $0x7FFFFFFF  }
tec
execute0_lowered:
.L_overlay_start_1:
0x0: {  	(tag) =	ssettag $0x1  }
0x1: {  	s2 =	srdreg.scid  }
0x2: {  	s1 =	rddreg [dreg:$0x0];
	s0 =	stileid.u32;
	s6 =	sand.u32 $0x1, s2  }
0x3: {  	s4 =	rddreg [dreg:$0x1];
	s30 =	sshll.u32 s0, $0x7;
	s3 =	sshll.u32 s6, $0x6  }
0x4: {  	s9 =	rddreg [dreg:$0x2];
	s10 =	sor.u32 s3, s30  }
0x5: {  	s2 =	rddreg [dreg:$0x3];
	s3 =	simm.s32 $0x0;
	s5 =	sshrl.u32 s10, $0x3  }
0x6: {  	s11 =	ssub.s32 $0x2, s6;
	[smem:$0x7FF] =	sst s3;
	s4 =	sadd.s32 s5, s4  }
0x7: {  	_ =	strace $0x8000004A;
	s5 =	sadd.s32 $0x3C00, s4;
	s4 =	simm.s32 $0x2  }
0x8: {  	[tilespmem:s3], [sflag:$0x2] =	stream.linear.gather [hbm4b:s5+s3], $0x40, $0x38;
	[tilespmem:$0x2080] =	vst v63  }
0x9: {  	s7 =	simm.s32 $0x80;
	s12 =	sshrl.u32 s11, $0x1;
	_ =	swait.ge [sflag:s4], $0x40  }
0xa: {  	s8 =	simm.s32 $0x1;
	s11 =	ssub.s32 s11, s12;
	[sflag:s4] =	ssyncset.done $0x0  }
0xb: {  	s6 =	simm.s32 $0x40;
	s31 =	smax.u32 s11, $0x1;
	[sflag:s4] =	ssyncadd.s32 $0xFFFFFFC0  }
0xc: {  	[tilespmem:s7], [sflag:$0x1] =	stream.indirect.gather [hbm4b:s1+s6], $0x80, s3, s6, $0xb8;
	[tilespmem:$0x2080] =	vst v63  }
0xd: {  	p0 =	sne.s32 s31, $0x1;
	_ =	swait.ge [sflag:s8], $0x2000  }
.Ltmp0:
0xe: {  	s10 =	sshll.u32 s10, $0x4;
	[sflag:s8] =	ssyncset.done $0x0;
	(pc) =	sbr.rel @!p0 .LBB2_2-.Ltmp0, $4  }
0xf: {  	s9 =	sadd.s32 s9, s10;
	[sflag:s8] =	ssyncadd.s32 $0xFFFFE000  }
0x10: {  	[hbm4b:s9+s3] =	stream.linear.scatter [tilespmem:s7], [sflag:$0x2], $0x2000, $0x38;
	[tilespmem:$0x2080] =	vst v63  }
0x11: {  	_ =	swait.ge [sflag:s4], $0x2000  }
0x12: {  	s10 =	sadd.s32 $0xFFFFFFFF, s31;
	[sflag:s4] =	ssyncset.done $0x0  }
.LBB2_1:
0x13: {  	p0 =	sne.s32 s10, $0x1;
	s10 =	sadd.s32 $0xFFFFFFFF, s10;
	[sflag:s4] =	ssyncadd.s32 $0xFFFFE000  }
0x14: {  	[tilespmem:s3], [sflag:$0x2] =	stream.linear.gather [hbm4b:s5+s3], $0x40, $0x38;
	[tilespmem:$0x2080] =	vst v63  }
0x15: {  	_ =	swait.ge [sflag:s4], $0x40  }
0x16: {  	[sflag:s4] =	ssyncset.done $0x0  }
0x17: {  	[sflag:s4] =	ssyncadd.s32 $0xFFFFFFC0  }
0x18: {  	[tilespmem:s7], [sflag:$0x1] =	stream.indirect.gather [hbm4b:s1+s6], $0x80, s3, s6, $0xb8;
	[tilespmem:$0x2080] =	vst v63  }
0x19: {  	_ =	swait.ge [sflag:s8], $0x2000  }
.Ltmp1:
0x1a: {  	[sflag:s8] =	ssyncset.done $0x0;
	(pc) =	sbr.rel @p0 .LBB2_1-.Ltmp1, $4  }
0x1b: {  	[sflag:s8] =	ssyncadd.s32 $0xFFFFE000  }
0x1c: {  	[hbm4b:s9+s3] =	stream.linear.scatter [tilespmem:s7], [sflag:$0x2], $0x2000, $0x38;
	[tilespmem:$0x2080] =	vst v63  }
0x1d: {  	_ =	swait.ge [sflag:s4], $0x2000  }
0x1e: {  	[sflag:s4] =	ssyncset.done $0x0  }
.LBB2_2:
0x1f: {  	[sflag:s4] =	ssyncadd.s32 $0xFFFFE000  }
0x20: {  	_ =	sfence.sel $0x180000  }
0x21: {  	[bflag:$0x0] =	sbarrier.arrive $0xFFFF  }
0x22: {  	p0 =	sne.s32 s0, $0x0;
	_ =	strace $0x9000004A  }
0x23: {  	s0 =	sadd.s32 @!p0 $0x100000, s2;
	[bflag:$0x2] =	sbarrier.arrive $0xFFFF  }
0x24: {  	[sflag:s0] =	ssyncadd.tile.s32 @!p0 $0x1;
	_ =	shalt  }
.Lfunc_end2:
_tile_overlayer_lowered:
.L_overlay_start_2:
0x25: {  	(tag) =	ssettag $0x2  }
0x26: {  	s0 =	rddreg [dreg:$0x0];
	s2 =	stileid.u32  }
0x27: {  	s1 =	rddreg [dreg:$0x1];
	p0 =	sne.s32 s2, $0x0  }
0x28: {  	s3 =	rddreg [dreg:$0x2];
	[bflag:$0x3] =	sbarrier.arrive $0xFFFF;
	s2 =	simm.s32 @!p0 $0x1C02  }
0x29: {  	[timem:s3], [sflag:s2] =	dma.local @!p0 [hbm:s0], s1  }
0x2a: {  	s0 =	simm.s32 @!p0 $0x2  }
0x2b: {  	_ =	swait.ge @!p0 [sflag:s0], s1  }
0x2c: {  	s1 =	ssub.s32 @!p0 $0x0, s1;
	[sflag:s0] =	ssyncset.done @!p0 $0x0  }
0x2d: {  	[sflag:s0] =	ssyncadd.s32 @!p0 s1  }
0x2e: {  	[bflag:$0x3] =	sbarrier.arrive $0xFFFF  }
0x2f: {  	_ =	shalt  }

// kernel: kernel.16.cloned.1.call-start
scs
__scs_entry_jumppad:
0x0: {  	(pc) =	sbr.rel $0x88, $3  }
0x1: {  	(tag) =	ssettag $0x0;
	lr =	simm.s32 $0x1  }
0x2: {  	[smem:$0x3F95] =	sst lr;
	_ =	strace $0xD0000000  }
0x3: {  	_ = 	snop  }
0x4: {  	_ = 	snop  }
0x5: {  	_ = 	snop  }
0x6: {  	_ = 	snop  }
0x7: {  	_ = 	snop  }
__scs_overlays_trampoline_lowered:
0x8: {  	[smem:$0x3FA4] =	sst s0  }
0x9: {  	[smem:$0x3FA5] =	sst s1  }
0xa: {  	[smem:$0x3FA6] =	sst s2  }
0xb: {  	[smem:$0x3FA7] =	sst s3  }
0xc: {  	[smem:$0x3FA8] =	sst s4  }
0xd: {  	[smem:$0x3FA9] =	sst s5  }
0xe: {  	[smem:$0x3FAA] =	sst s6  }
0xf: {  	[smem:$0x3FAB] =	sst s7  }
0x10: {  	[smem:$0x3FAC] =	sst s8  }
0x11: {  	[smem:$0x3FAD] =	sst s9;
	s0 =	simm.s32 @!p0 $0x0  }
0x12: {  	s1 =	sld [smem:$0x3F93];
	s0 =	simm.s32 @p0 $0x1  }
0x13: {  	[smem:$0x3FAE] =	sst s0;
	s0 =	simm.s32 @!p1 $0x0  }
0x14: {  	s2 =	sld [smem:$0x3F92];
	s0 =	simm.s32 @p1 $0x1  }
0x15: {  	[smem:$0x3FAF] =	sst s0;
	s0 =	simm.s32 @!p2 $0x0  }
0x16: {  	s3 =	sld [smem:$0x3FDB];
	s0 =	simm.s32 @p2 $0x1  }
0x17: {  	s4 =	simm.s32 $0x1BF5;
	[smem:$0x3FB1] =	sst s0  }
0x18: {  	s0 =	sld [smem:$0x3F94];
	_ =	swait.ge [sflag:s4], $0x0  }
0x19: {  	s7 =	sld [smem:$0x3F95]  }
0x1a: {  	s8 =	sadd.s32 $0xFFFFE003, lr  }
0x1b: {  	s9 =	sadd.s32 $0xFFFFFEF7, lr;
	s5 =	simm.s32 $0xFFFFFFFF;
	p2 =	slt.u32 s8, $0xFFFFF086  }
0x1c: {  	p1 =	slt.u32 s9, $0xF7A;
	s5 =	simm.s32 @!p2 $0x0  }
0x1d: {  	s5 =	simm.s32 @p1 $0x1;
	p0 =	seq.s32 s7, s2  }
0x1e: {  	s7 =	smul.u32 @!p0 $0xF7A, s2;
	p2 =	seq.s32 @!p0 s5, $0x0  }
0x1f: {  	s9 =	smul.u32 $0xF7A, s1;
	s8 =	simm.s32 @!p0 $0x1BF5;
	p2 =	por !p2, p0  }
0x20: {  	[sflag:s8] =	ssyncset.s32 @!p0 $0xFFFFF086;
	s6 =	sadd.s32 @!p0 s3, s7;
	s7 =	simm.s32 @!p0 $0x108  }
0x21: {  	s3 =	sadd.s32 s3, s9;
	s6 =	sadd.s32 @!p0 $0x88, s6;
	s7 =	simm.s32 @p2 $0x1082  }
0x22: {  	[simem:s7], [sflag:s8] =	dma.local @!p0 [hbm:s6], $0xF7A  }
0x23: {  	s9 =	sor.u32 $0xD0000000, s2;
	s6 =	simm.s32 $0x108;
	_ =	swait.ge @!p0 [sflag:s8], $0x0  }
0x24: {  	s3 =	sadd.s32 $0x88, s3;
	s6 =	simm.s32 @!p1 $0x1082;
	[sflag:s4] =	ssyncset.s32 $0xFFFFF086  }
0x25: {  	[simem:s6], [sflag:s4] =	dma.local [hbm:s3], $0xF7A  }
0x26: {  	[smem:$0x3F95] =	sst s1;
	(tag) =	ssettag s2;
	_ =	strace s9  }
0x27: {  	s1 =	sld [smem:$0x3FA5]  }
0x28: {  	s2 =	sld [smem:$0x3FA6]  }
0x29: {  	s4 =	sld [smem:$0x3FA8]  }
0x2a: {  	p0 =	seq.s32 s5, $0x0;
	s5 =	sld [smem:$0x3FA9]  }
0x2b: {  	s6 =	sld [smem:$0x3FAA]  }
0x2c: {  	s7 =	sld [smem:$0x3FAB]  }
0x2d: {  	s3 =	simm.s32 $0x108;
	s8 =	sld [smem:$0x3FAC]  }
0x2e: {  	s3 =	simm.s32 @!p0 $0x1082;
	s9 =	sld [smem:$0x3FAD]  }
0x2f: {  	lr =	sadd.s32 s0, s3;
	s0 =	sld [smem:$0x3FA4]  }
0x30: {  	s3 =	sld [smem:$0x3FA7]  }
0x31: {  	[smem:$0x3FB0] =	sst s10  }
0x32: {  	s10 =	sld [smem:$0x3FAE];
	_ =	sdelay $0x3  }
0x33: {  	p0 =	seq.s32 s10, $0x1;
	s10 =	sld [smem:$0x3FB0];
	_ =	sdelay $0x3  }
0x34: {  	[smem:$0x3FB0] =	sst s10  }
0x35: {  	s10 =	sld [smem:$0x3FAF];
	_ =	sdelay $0x3  }
0x36: {  	p1 =	seq.s32 s10, $0x1;
	s10 =	sld [smem:$0x3FB0];
	_ =	sdelay $0x3  }
0x37: {  	[smem:$0x3FB0] =	sst s10  }
0x38: {  	s10 =	sld [smem:$0x3FB1]  }
0x39: {  	_ = 	snop;
	(pc) =	sbr.ind lr, $3  }
0x3a: {  	_ = 	snop  }
0x3b: {  	_ = 	snop  }
0x3c: {  	p2 =	seq.s32 s10, $0x1;
	s10 =	sld [smem:$0x3FB0]  }
0x3d: {  	_ =	shalt  }
0x3e: {  	_ =	shalt  }
0x3f: {  	_ =	shalt  }
0x40: {  	_ =	shalt  }
0x41: {  	_ =	shalt  }
0x42: {  	_ =	shalt  }
0x43: {  	_ =	shalt  }
0x44: {  	_ =	shalt  }
0x45: {  	_ =	shalt  }
0x46: {  	_ =	shalt  }
0x47: {  	_ =	shalt  }
0x48: {  	_ =	shalt  }
0x49: {  	_ =	shalt  }
0x4a: {  	_ =	shalt  }
0x4b: {  	_ =	shalt  }
0x4c: {  	_ =	shalt  }
0x4d: {  	_ =	shalt  }
0x4e: {  	_ =	shalt  }
0x4f: {  	_ =	shalt  }
0x50: {  	_ =	shalt  }
0x51: {  	_ =	shalt  }
0x52: {  	_ =	shalt  }
0x53: {  	_ =	shalt  }
0x54: {  	_ =	shalt  }
0x55: {  	_ =	shalt  }
0x56: {  	_ =	shalt  }
0x57: {  	_ =	shalt  }
0x58: {  	_ =	shalt  }
0x59: {  	_ =	shalt  }
0x5a: {  	_ =	shalt  }
0x5b: {  	_ =	shalt  }
0x5c: {  	_ =	shalt  }
0x5d: {  	_ =	shalt  }
0x5e: {  	_ =	shalt  }
0x5f: {  	_ =	shalt  }
0x60: {  	_ =	shalt  }
0x61: {  	_ =	shalt  }
0x62: {  	_ =	shalt  }
0x63: {  	_ =	shalt  }
0x64: {  	_ =	shalt  }
0x65: {  	_ =	shalt  }
0x66: {  	_ =	shalt  }
0x67: {  	_ =	shalt  }
0x68: {  	_ =	shalt  }
0x69: {  	_ =	shalt  }
0x6a: {  	_ =	shalt  }
0x6b: {  	_ =	shalt  }
0x6c: {  	_ =	shalt  }
0x6d: {  	_ =	shalt  }
0x6e: {  	_ =	shalt  }
0x6f: {  	_ =	shalt  }
0x70: {  	_ =	shalt  }
0x71: {  	_ =	shalt  }
0x72: {  	_ =	shalt  }
0x73: {  	_ =	shalt  }
0x74: {  	_ =	shalt  }
0x75: {  	_ =	shalt  }
0x76: {  	_ =	shalt  }
0x77: {  	_ =	shalt  }
0x78: {  	_ =	shalt  }
0x79: {  	_ =	shalt  }
0x7a: {  	_ =	shalt  }
0x7b: {  	_ =	shalt  }
0x7c: {  	_ =	shalt  }
0x7d: {  	_ =	shalt  }
0x7e: {  	_ =	shalt  }
0x7f: {  	_ =	shalt  }
0x80: {  	_ =	shalt  }
0x81: {  	_ =	shalt  }
0x82: {  	_ =	shalt  }
0x83: {  	_ =	shalt  }
0x84: {  	_ =	shalt  }
0x85: {  	_ =	shalt  }
0x86: {  	_ =	shalt  }
0x87: {  	_ =	shalt  }
.Lfunc_end0:
.L_simem_size_0:
called_computation.2_lowered:
.L_overlay_start_0:
0x88: {  	s2 =	sld [smem:$0x3FD9]  }
0x89: {  	s3 =	sld [smem:$0x3FFE];
	_ =	sdelay $0x1  }
0x8a: {  	s1 =	srdreg.scid  }
0x8b: {  	s0 =	sand.u32 $0x1, s1  }
0x8c: {  	s14 =	sshll.u32 s0, $0xA;
	s2 =	sadd.s32 s3, s2  }
0x8d: {  	s2 =	sadd.s32 s2, s14  }
0x8e: {  	[smem:$0x3FBC] =	sst s2  }
0x8f: {  	_ = 	snop  }
0x90: {  	s2 =	sld [smem:$0x3FD0];
	_ =	sdelay $0x2  }
0x91: {  	s15 =	simm.s32 $0xA;
	s4 =	simm.s32 $0x10  }
0x92: {  	[smem:s4], [sflag:s15] =	dma.local [hbm:s2], $0x1  }
0x93: {  	_ =	swait.eq [sflag:s15], $0x1  }
0x94: {  	[sflag:s15] =	ssyncset.done $0x0  }
0x95: {  	s16 =	sld [smem:$0x11];
	[sflag:s15] =	ssyncadd.s32 $0xFFFFFFFF  }
0x96: {  	s17 =	sld [smem:$0x12];
	(tm) =	ssettm $0x1  }
0x97: {  	s18 =	sld [smem:$0x3FFB];
	_ =	sdelay $0x3  }
0x98: {  	_ =	strace s18  }
0x99: {  	s4 =	sld [smem:$0x3FFC];
	_ =	sdelay $0x3  }
0x9a: {  	_ =	strace s4  }
0x9b: {  	s4 =	sld [smem:$0x3FFD];
	_ =	sdelay $0x3  }
0x9c: {  	_ =	strace s4  }
0x9d: {  	_ =	strace $0x8FFFFFFF  }
0x9e: {  	s19 =	sld [smem:$0x3FDB];
	_ =	sdelay $0x1  }
0x9f: {  	s5 =	simm.s32 $_scs_section_size  }
0xa0: {  	s6 =	simm.s32 $_size__tile_overlayer_lowered;
	s7 =	simm.s32 $_tile_overlayer_lowered  }
0xa1: {  	s22 =	simm.s32 $0x1BFF;
	s21 =	sshll.u32 s7, $0x1;
	s4 =	sadd.s32 s5, s19  }
0xa2: {  	s8 =	simm.s32 $0x0;
	s20 =	sshll.u32 s6, $0x1;
	s6 =	sadd.s32 s21, s4  }
0xa3: {  	[timem:s8], [sflag:s22] =	dma.local [hbm:s6], s20  }
0xa4: {  	_ =	swait.ge [sflag:s22], s20  }
0xa5: {  	s5 =	ssub.s32 $0x0, s20;
	[sflag:s22] =	ssyncset.done $0x0  }
0xa6: {  	[sflag:s22] =	ssyncadd.s32 s5;
	_ =	sdelay $0x1  }
0xa7: {  	s23 =	simm.s32 $0x1B8B  }
0xa8: {  	_ =	swait.ge [sflag:s23], $0x1  }
0xa9: {  	[sflag:s23] =	ssyncset.done $0x0  }
0xaa: {  	s25 =	simm.s32 $0x1B8E;
	s24 =	sld [smem:$0x3FFE];
	[sflag:s23] =	ssyncadd.s32 $0xFFFFFFFF  }
0xab: {  	s26 =	simm.s32 $execute0_lowered;
	[smem:$0x3FD2] =	sst s25  }
0xac: {  	s6 =	sshll.u32 s26, $0x1;
	_ =	strace $0x8000004C;
	[dreg:$0x1] =	wrdreg $0xFFFFFFFF  }
0xad: {  	s28 =	simm.s32 $_size_execute0_lowered;
	s4 =	sadd.s32 s4, s6;
	[dreg:$0x0] =	wrdreg $0x0  }
0xae: {  	s6 =	sshll.u32 s28, $0x1;
	[dreg:$0x2] =	wrdreg s4  }
0xaf: {  	[dreg:$0x3] =	wrdreg s6  }
0xb0: {  	[dreg:$0x4] =	wrdreg $0xC0  }
0xb1: {  	_ =	task [dreg:s8], $0x5FFFF  }
0xb2: {  	[dreg:$0x1] =	wrdreg $0xFFFFFFFF  }
0xb3: {  	[dreg:$0x0] =	wrdreg $0x60  }
0xb4: {  	[dreg:$0x2] =	wrdreg s24  }
0xb5: {  	[dreg:$0x3] =	wrdreg s16  }
0xb6: {  	[dreg:$0x4] =	wrdreg s17  }
0xb7: {  	[dreg:$0x5] =	wrdreg $0x9  }
0xb8: {  	_ =	task.clear_ibuf [dreg:s8], $0x6FFFF;
	_ =	strace $0x9000004C  }
0xb9: {  	s29 =	simm.s32 $0x9;
	_ =	strace $0x8000004E  }
0xba: {  	_ =	swait.ge [sflag:s29], $0x1  }
0xbb: {  	[sflag:s29] =	ssyncadd.s32 $0xFFFFFFFF  }
0xbc: {  	_ =	strace $0x9000004E  }
0xbd: {  	_ =	sfence  }
0xbe: {  	s30 =	sld [smem:$0x0];
	_ =	sdelay $0x2  }
0xbf: {  	s31 =	sshll.u32 s1, $0xD;
	s1 =	sshrl.u32 s1, $0x2  }
0xc0: {  	s3 =	sand.u32 $0x4000, s31;
	s1 =	sadd.s32 s1, s30  }
0xc1: {  	s0 =	sor.u32 s3, s0;
	s1 =	sshll.u32 s1, $0x11  }
0xc2: {  	s0 =	sor.u32 s1, s0  }
0xc3: {  	s0 =	sadd.s32 $0x8F2B, s0  }
0xc4: {  	[sflag:s0] =	ssyncadd.remote.s32 $0x1  }
0xc5: {  	_ =	sfence.sel $0xFFFF  }
0xc6: {  	[dreg:$0x0] =	wrdreg $0xFFFFFFFF;
	(pc) =	sbr.abs _section_cstart, $3  }
0xc7: {  	[dreg:$0x1] =	wrdreg $0xFFFFFFFF  }
0xc8: {  	_ =	task.clear_ibuf [dreg:s8], $0x2FFFF;
	_ =	strace $0x9FFFFFFF  }
0xc9: {  	(tm) =	ssettm $0x7FFFFFFF  }
tec
execute0_lowered:
.L_overlay_start_1:
0x0: {  	(tag) =	ssettag $0x1  }
0x1: {  	s0 =	rddreg [dreg:$0x0]  }
0x2: {  	s1 =	rddreg [dreg:$0x1];
	s2 =	srdreg.scid  }
0x3: {  	s3 =	rddreg [dreg:$0x2];
	s4 =	stileid.u32  }
0x4: {  	s12 =	simm.s32 $0x1;
	s26 =	simm.s32 $0x40;
	s19 =	simm.s32 $0x100  }
0x5: {  	s20 =	simm.s32 $0x900;
	s21 =	simm.s32 $0x1100;
	s22 =	simm.s32 $0x1900  }
0x6: {  	s28 =	simm.s32 $0x4100;
	s29 =	simm.s32 $0x4900;
	s30 =	simm.s32 $0x5100  }
0x7: {  	s31 =	simm.s32 $0x5900;
	s11 =	simm.s32 $0x7900;
	s13 =	simm.s32 $0x8100  }
0x8: {  	s14 =	simm.s32 $0x8900;
	s17 =	simm.s32 $0x9100;
	s18 =	simm.s32 $0x9900  }
0x9: {  	s10 =	simm.s32 $0xC100;
	s5 =	sand.u32 $0x1, s2;
	[dreg:$0x4] =	wrdreg s3  }
0xa: {  	s23 =	sshll.u32 s4, $0x7;
	s2 =	simm.s32 $0x0;
	s3 =	sadd.s32 $0x3E00, s0  }
0xb: {  	s24 =	sshll.u32 s5, $0x6;
	[smem:$0x7FF] =	sst s2;
	s5 =	ssub.s32 $0x2, s5  }
0xc: {  	s6 =	sor.u32 s24, s23;
	_ =	strace $0x8000004D;
	s25 =	sshrl.u32 s5, $0x1  }
0xd: {  	[dreg:$0x8] =	wrdreg s26;
	s23 =	simm.s32 $0x2100;
	s24 =	simm.s32 $0x2900  }
0xe: {  	s26 =	simm.s32 $0x3900;
	s4 =	sshrl.u32 s6, $0x3;
	s6 =	sshll.u32 s6, $0x4  }
0xf: {  	s9 =	ssub.s32 s5, s25;
	s5 =	sadd.s32 $0x3F00, s0;
	s25 =	simm.s32 $0x3100  }
0x10: {  	s7 =	sadd.s32 s4, s0;
	s4 =	sadd.s32 $0x64000, s0;
	s1 =	sadd.s32 s1, s6  }
0x11: {  	v2 =	vlaneseq.u32;
	s6 =	sadd.s32 $0x4000, s0;
	s8 =	sadd.s32 $0x3C00, s7;
	[dreg:$0x7] =	wrdreg s1  }
0x12: {  	vm0 =	vmmov $0xffff;
	v1 =	vshrl.u32 v2, $0x3;
	s9 =	smax.u32 s9, $0x1;
	s7 =	sadd.s32 $0x63E00, s7;
	[dreg:$0x5] =	wrdreg s8  }
0x13: {  	v0 =	vand.u32 $0x7, v2;
	v2 =	vor.u32 $0x8, v2;
	v1 =	vmul.u32 $0x8, v1;
	[dreg:$0x6] =	wrdreg s7;
	s7 =	sadd.s32 $0x64100, s0;
	s8 =	sadd.s32 $0x64200, s0  }
.LBB2_1:
0x14: {  	s15 =	rddreg [dreg:$0x5]  }
0x15: {  	[tilespmem:s2], [sflag:$0x1] =	stream.linear.gather [hbm4b:s15+s2], $0x40, $0x38;
	[tilespmem:$0xE100] =	vst v63  }
0x16: {  	s16 =	rddreg [dreg:$0x6];
	s0 =	simm.s32 $0x80  }
0x17: {  	[tilespmem:s0], [sflag:$0x1] =	stream.linear.gather [hbm4b:s16+s2], $0x40, $0x38;
	[tilespmem:$0xE100] =	vst v63  }
0x18: {  	s1 =	simm.s32 $0xC100;
	s15 =	rddreg [dreg:$0x7]  }
0x19: {  	[tilespmem:s1], [sflag:$0x1] =	stream.linear.gather [hbm4b:s15+s2], $0x2000, $0x38;
	[tilespmem:$0xE100] =	vst v63  }
0x1a: {  	_ =	swait.ge [sflag:s12], $0x40  }
0x1b: {  	[sflag:s12] =	ssyncset.done $0x0  }
0x1c: {  	[sflag:s12] =	ssyncadd.s32 $0xFFFFFFC0  }
0x1d: {  	_ =	swait.ge [sflag:s12], $0x40  }
0x1e: {  	[sflag:s12] =	ssyncset.done $0x0  }
0x1f: {  	[sflag:s12] =	ssyncadd.s32 $0xFFFFFFC0  }
0x20: {  	_ =	swait.ge [sflag:s12], $0x2000  }
0x21: {  	[sflag:s12] =	ssyncset.done $0x0  }
0x22: {  	[sflag:s12] =	ssyncadd.s32 $0xFFFFE000  }
0x23: {  	v3 =	vld [tilespmem:$0x0];
	_ =	sdelay $0x4  }
0x24: {  	v4 =	vshrl.u32 v3, $0x3  }
0x25: {  	v4 =	vmul.u32 $0x30, v4  }
0x26: {  	v3 =	vand.u32 $0x7, v3  }
0x27: {  	v3 =	vor.u32 v3, v4  }
0x28: {  	v4 =	vperm.xlane v3, v0;
	_ =	sdelay $0x1  }
0x29: {  	v4 =	vadd.s32 v1, v4;
	_ =	sdelay $0x3  }
0x2a: {  	v3 =	vperm.xlane v3, v2  }
0x2b: {  	[tilespmem:s19], [sflag:$0x1] =	stream.indirect_vreg.gather [hbm4b:s3+s2], $0x80, v4, vm0, $0xb8;
	[tilespmem:$0xE100] =	vst v63  }
0x2c: {  	v3 =	vadd.s32 v1, v3  }
0x2d: {  	[tilespmem:s20], [sflag:$0x1] =	stream.indirect_vreg.gather [hbm4b:s5+s2], $0x80, v4, vm0, $0xb8;
	[tilespmem:$0xE100] =	vst v63  }
0x2e: {  	_ = 	snop  }
0x2f: {  	[tilespmem:s21], [sflag:$0x1] =	stream.indirect_vreg.gather [hbm4b:s6+s2], $0x80, v4, vm0, $0xb8;
	[tilespmem:$0xE100] =	vst v63  }
0x30: {  	_ = 	snop  }
0x31: {  	[tilespmem:s22], [sflag:$0x1] =	stream.indirect_vreg.gather [hbm4b:s3+s2], $0x80, v3, vm0, $0xb8;
	[tilespmem:$0xE100] =	vst v63  }
0x32: {  	_ = 	snop  }
0x33: {  	[tilespmem:s23], [sflag:$0x1] =	stream.indirect_vreg.gather [hbm4b:s5+s2], $0x80, v3, vm0, $0xb8;
	[tilespmem:$0xE100] =	vst v63  }
0x34: {  	_ = 	snop  }
0x35: {  	[tilespmem:s24], [sflag:$0x1] =	stream.indirect_vreg.gather [hbm4b:s6+s2], $0x80, v3, vm0, $0xb8;
	[tilespmem:$0xE100] =	vst v63  }
0x36: {  	v3 =	vld [tilespmem:$0x10];
	_ =	sdelay $0x4  }
0x37: {  	v57 =	vshrl.u32 v3, $0x3  }
0x38: {  	v4 =	vmul.u32 $0x30, v57  }
0x39: {  	v3 =	vand.u32 $0x7, v3  }
0x3a: {  	v3 =	vor.u32 v3, v4  }
0x3b: {  	v4 =	vperm.xlane v3, v0;
	_ =	sdelay $0x1  }
0x3c: {  	v4 =	vadd.s32 v1, v4;
	_ =	sdelay $0x3  }
0x3d: {  	v3 =	vperm.xlane v3, v2  }
0x3e: {  	[tilespmem:s25], [sflag:$0x1] =	stream.indirect_vreg.gather [hbm4b:s3+s2], $0x80, v4, vm0, $0xb8;
	[tilespmem:$0xE100] =	vst v63  }
0x3f: {  	v3 =	vadd.s32 v1, v3  }
0x40: {  	[tilespmem:s26], [sflag:$0x1] =	stream.indirect_vreg.gather [hbm4b:s5+s2], $0x80, v4, vm0, $0xb8;
	[tilespmem:$0xE100] =	vst v63  }
0x41: {  	_ = 	snop  }
0x42: {  	[tilespmem:s28], [sflag:$0x1] =	stream.indirect_vreg.gather [hbm4b:s6+s2], $0x80, v4, vm0, $0xb8;
	[tilespmem:$0xE100] =	vst v63  }
0x43: {  	_ = 	snop  }
0x44: {  	[tilespmem:s29], [sflag:$0x1] =	stream.indirect_vreg.gather [hbm4b:s3+s2], $0x80, v3, vm0, $0xb8;
	[tilespmem:$0xE100] =	vst v63  }
0x45: {  	_ = 	snop  }
0x46: {  	[tilespmem:s30], [sflag:$0x1] =	stream.indirect_vreg.gather [hbm4b:s5+s2], $0x80, v3, vm0, $0xb8;
	[tilespmem:$0xE100] =	vst v63  }
0x47: {  	_ = 	snop  }
0x48: {  	[tilespmem:s31], [sflag:$0x1] =	stream.indirect_vreg.gather [hbm4b:s6+s2], $0x80, v3, vm0, $0xb8;
	[tilespmem:$0xE100] =	vst v63  }
0x49: {  	v3 =	vld [tilespmem:$0x20];
	_ =	sdelay $0x4  }
0x4a: {  	v58 =	vshrl.u32 v3, $0x3  }
0x4b: {  	v4 =	vmul.u32 $0x30, v58  }
0x4c: {  	v3 =	vand.u32 $0x7, v3  }
0x4d: {  	v3 =	vor.u32 v3, v4  }
0x4e: {  	v4 =	vperm.xlane v3, v0;
	_ =	sdelay $0x1  }
0x4f: {  	v4 =	vadd.s32 v1, v4;
	_ =	sdelay $0x3  }
0x50: {  	s15 =	simm.s32 $0x6100;
	v3 =	vperm.xlane v3, v2  }
0x51: {  	[tilespmem:s15], [sflag:$0x1] =	stream.indirect_vreg.gather [hbm4b:s3+s2], $0x80, v4, vm0, $0xb8;
	[tilespmem:$0xE100] =	vst v63  }
0x52: {  	s16 =	simm.s32 $0x6900;
	v3 =	vadd.s32 v1, v3  }
0x53: {  	[tilespmem:s16], [sflag:$0x1] =	stream.indirect_vreg.gather [hbm4b:s5+s2], $0x80, v4, vm0, $0xb8;
	[tilespmem:$0xE100] =	vst v63  }
0x54: {  	s1 =	simm.s32 $0x7100  }
0x55: {  	[tilespmem:s1], [sflag:$0x1] =	stream.indirect_vreg.gather [hbm4b:s6+s2], $0x80, v4, vm0, $0xb8;
	[tilespmem:$0xE100] =	vst v63  }
0x56: {  	_ = 	snop  }
0x57: {  	[tilespmem:s11], [sflag:$0x1] =	stream.indirect_vreg.gather [hbm4b:s3+s2], $0x80, v3, vm0, $0xb8;
	[tilespmem:$0xE100] =	vst v63  }
0x58: {  	_ = 	snop  }
0x59: {  	[tilespmem:s13], [sflag:$0x1] =	stream.indirect_vreg.gather [hbm4b:s5+s2], $0x80, v3, vm0, $0xb8;
	[tilespmem:$0xE100] =	vst v63  }
0x5a: {  	_ = 	snop  }
0x5b: {  	[tilespmem:s14], [sflag:$0x1] =	stream.indirect_vreg.gather [hbm4b:s6+s2], $0x80, v3, vm0, $0xb8;
	[tilespmem:$0xE100] =	vst v63  }
0x5c: {  	v3 =	vld [tilespmem:$0x30];
	_ =	sdelay $0x4  }
0x5d: {  	v59 =	vshrl.u32 v3, $0x3  }
0x5e: {  	v4 =	vmul.u32 $0x30, v59  }
0x5f: {  	v3 =	vand.u32 $0x7, v3  }
0x60: {  	v3 =	vor.u32 v3, v4  }
0x61: {  	v4 =	vperm.xlane v3, v0;
	_ =	sdelay $0x1  }
0x62: {  	v4 =	vadd.s32 v1, v4;
	_ =	sdelay $0x3  }
0x63: {  	v3 =	vperm.xlane v3, v2  }
0x64: {  	[tilespmem:s17], [sflag:$0x1] =	stream.indirect_vreg.gather [hbm4b:s3+s2], $0x80, v4, vm0, $0xb8;
	[tilespmem:$0xE100] =	vst v63  }
0x65: {  	v3 =	vadd.s32 v1, v3  }
0x66: {  	[tilespmem:s18], [sflag:$0x1] =	stream.indirect_vreg.gather [hbm4b:s5+s2], $0x80, v4, vm0, $0xb8;
	[tilespmem:$0xE100] =	vst v63  }
0x67: {  	s15 =	simm.s32 $0xA100  }
0x68: {  	[tilespmem:s15], [sflag:$0x1] =	stream.indirect_vreg.gather [hbm4b:s6+s2], $0x80, v4, vm0, $0xb8;
	[tilespmem:$0xE100] =	vst v63  }
0x69: {  	s16 =	simm.s32 $0xA900  }
0x6a: {  	[tilespmem:s16], [sflag:$0x1] =	stream.indirect_vreg.gather [hbm4b:s3+s2], $0x80, v3, vm0, $0xb8;
	[tilespmem:$0xE100] =	vst v63  }
0x6b: {  	s1 =	simm.s32 $0xB100  }
0x6c: {  	[tilespmem:s1], [sflag:$0x1] =	stream.indirect_vreg.gather [hbm4b:s5+s2], $0x80, v3, vm0, $0xb8;
	[tilespmem:$0xE100] =	vst v63  }
0x6d: {  	s0 =	simm.s32 $0xB900;
	s15 =	rddreg [dreg:$0x4]  }
0x6e: {  	[tilespmem:s0], [sflag:$0x1] =	stream.indirect_vreg.gather [hbm4b:s6+s2], $0x80, v3, vm0, $0xb8;
	[tilespmem:$0xE100] =	vst v63  }
0x6f: {  	s16 =	rddreg [dreg:$0x8];
	s1 =	simm.s32 $0x80  }
0x70: {  	[hbm4b:s15+s16] =	stream.indirect.scatter [tilespmem:s10], [sflag:$0x1], $0x80, s1, s16, $0xb8;
	[tilespmem:$0xE100] =	vst v63  }
0x71: {  	_ =	swait.ge [sflag:s12], $0xC000  }
0x72: {  	[sflag:s12] =	ssyncset.done $0x0  }
0x73: {  	[sflag:s12] =	ssyncadd.s32 $0xFFFF4000  }
0x74: {  	v3 =	vld [tilespmem:$0x80];
	_ =	sdelay $0x4  }
0x75: {  	v60 =	vshrl.u32 v3, $0x3  }
0x76: {  	v4 =	vmul.u32 $0x30, v60  }
0x77: {  	v3 =	vand.u32 $0x7, v3  }
0x78: {  	v3 =	vor.u32 v3, v4  }
0x79: {  	v4 =	vperm.xlane v3, v0;
	_ =	sdelay $0x1  }
0x7a: {  	v4 =	vadd.s32 v1, v4;
	_ =	sdelay $0x3  }
0x7b: {  	v3 =	vperm.xlane v3, v2  }
0x7c: {  	[hbm4b:s4+s2] =	stream.indirect_vreg.scatter [tilespmem:s19], [sflag:$0x1], $0x80, v4, vm0, $0xb8;
	[tilespmem:$0xE100] =	vst v63  }
0x7d: {  	v3 =	vadd.s32 v1, v3  }
0x7e: {  	[hbm4b:s7+s2] =	stream.indirect_vreg.scatter [tilespmem:s20], [sflag:$0x1], $0x80, v4, vm0, $0xb8;
	[tilespmem:$0xE100] =	vst v63  }
0x7f: {  	_ = 	snop  }
0x80: {  	[hbm4b:s8+s2] =	stream.indirect_vreg.scatter [tilespmem:s21], [sflag:$0x1], $0x80, v4, vm0, $0xb8;
	[tilespmem:$0xE100] =	vst v63  }
0x81: {  	_ = 	snop  }
0x82: {  	[hbm4b:s4+s2] =	stream.indirect_vreg.scatter [tilespmem:s22], [sflag:$0x1], $0x80, v3, vm0, $0xb8;
	[tilespmem:$0xE100] =	vst v63  }
0x83: {  	_ = 	snop  }
0x84: {  	[hbm4b:s7+s2] =	stream.indirect_vreg.scatter [tilespmem:s23], [sflag:$0x1], $0x80, v3, vm0, $0xb8;
	[tilespmem:$0xE100] =	vst v63  }
0x85: {  	_ = 	snop  }
0x86: {  	[hbm4b:s8+s2] =	stream.indirect_vreg.scatter [tilespmem:s24], [sflag:$0x1], $0x80, v3, vm0, $0xb8;
	[tilespmem:$0xE100] =	vst v63  }
0x87: {  	v3 =	vld [tilespmem:$0x90];
	_ =	sdelay $0x4  }
0x88: {  	v61 =	vshrl.u32 v3, $0x3  }
0x89: {  	v4 =	vmul.u32 $0x30, v61  }
0x8a: {  	v3 =	vand.u32 $0x7, v3  }
0x8b: {  	v3 =	vor.u32 v3, v4  }
0x8c: {  	v4 =	vperm.xlane v3, v0;
	_ =	sdelay $0x1  }
0x8d: {  	v4 =	vadd.s32 v1, v4;
	_ =	sdelay $0x3  }
0x8e: {  	v3 =	vperm.xlane v3, v2  }
0x8f: {  	[hbm4b:s4+s2] =	stream.indirect_vreg.scatter [tilespmem:s25], [sflag:$0x1], $0x80, v4, vm0, $0xb8;
	[tilespmem:$0xE100] =	vst v63  }
0x90: {  	v3 =	vadd.s32 v1, v3  }
0x91: {  	[hbm4b:s7+s2] =	stream.indirect_vreg.scatter [tilespmem:s26], [sflag:$0x1], $0x80, v4, vm0, $0xb8;
	[tilespmem:$0xE100] =	vst v63  }
0x92: {  	_ = 	snop  }
0x93: {  	[hbm4b:s8+s2] =	stream.indirect_vreg.scatter [tilespmem:s28], [sflag:$0x1], $0x80, v4, vm0, $0xb8;
	[tilespmem:$0xE100] =	vst v63  }
0x94: {  	_ = 	snop  }
0x95: {  	[hbm4b:s4+s2] =	stream.indirect_vreg.scatter [tilespmem:s29], [sflag:$0x1], $0x80, v3, vm0, $0xb8;
	[tilespmem:$0xE100] =	vst v63  }
0x96: {  	_ = 	snop  }
0x97: {  	[hbm4b:s7+s2] =	stream.indirect_vreg.scatter [tilespmem:s30], [sflag:$0x1], $0x80, v3, vm0, $0xb8;
	[tilespmem:$0xE100] =	vst v63  }
0x98: {  	_ = 	snop  }
0x99: {  	[hbm4b:s8+s2] =	stream.indirect_vreg.scatter [tilespmem:s31], [sflag:$0x1], $0x80, v3, vm0, $0xb8;
	[tilespmem:$0xE100] =	vst v63  }
0x9a: {  	v3 =	vld [tilespmem:$0xA0];
	_ =	sdelay $0x4  }
0x9b: {  	v62 =	vshrl.u32 v3, $0x3  }
0x9c: {  	v4 =	vmul.u32 $0x30, v62  }
0x9d: {  	v3 =	vand.u32 $0x7, v3  }
0x9e: {  	v3 =	vor.u32 v3, v4  }
0x9f: {  	v4 =	vperm.xlane v3, v0;
	_ =	sdelay $0x1  }
0xa0: {  	v4 =	vadd.s32 v1, v4;
	_ =	sdelay $0x3  }
0xa1: {  	s15 =	simm.s32 $0x6100;
	v3 =	vperm.xlane v3, v2  }
0xa2: {  	[hbm4b:s4+s2] =	stream.indirect_vreg.scatter [tilespmem:s15], [sflag:$0x1], $0x80, v4, vm0, $0xb8;
	[tilespmem:$0xE100] =	vst v63  }
0xa3: {  	s16 =	simm.s32 $0x6900;
	v3 =	vadd.s32 v1, v3  }
0xa4: {  	[hbm4b:s7+s2] =	stream.indirect_vreg.scatter [tilespmem:s16], [sflag:$0x1], $0x80, v4, vm0, $0xb8;
	[tilespmem:$0xE100] =	vst v63  }
0xa5: {  	s15 =	simm.s32 $0x7100  }
0xa6: {  	[hbm4b:s8+s2] =	stream.indirect_vreg.scatter [tilespmem:s15], [sflag:$0x1], $0x80, v4, vm0, $0xb8;
	[tilespmem:$0xE100] =	vst v63  }
0xa7: {  	_ = 	snop  }
0xa8: {  	[hbm4b:s4+s2] =	stream.indirect_vreg.scatter [tilespmem:s11], [sflag:$0x1], $0x80, v3, vm0, $0xb8;
	[tilespmem:$0xE100] =	vst v63  }
0xa9: {  	_ = 	snop  }
0xaa: {  	[hbm4b:s7+s2] =	stream.indirect_vreg.scatter [tilespmem:s13], [sflag:$0x1], $0x80, v3, vm0, $0xb8;
	[tilespmem:$0xE100] =	vst v63  }
0xab: {  	_ = 	snop  }
0xac: {  	[hbm4b:s8+s2] =	stream.indirect_vreg.scatter [tilespmem:s14], [sflag:$0x1], $0x80, v3, vm0, $0xb8;
	[tilespmem:$0xE100] =	vst v63  }
0xad: {  	v3 =	vld [tilespmem:$0xB0];
	_ =	sdelay $0x4  }
0xae: {  	v63 =	vshrl.u32 v3, $0x3  }
0xaf: {  	v4 =	vmul.u32 $0x30, v63  }
0xb0: {  	v3 =	vand.u32 $0x7, v3  }
0xb1: {  	v3 =	vor.u32 v3, v4  }
0xb2: {  	v4 =	vperm.xlane v3, v0;
	_ =	sdelay $0x1  }
0xb3: {  	v4 =	vadd.s32 v1, v4;
	_ =	sdelay $0x3  }
0xb4: {  	v3 =	vperm.xlane v3, v2  }
0xb5: {  	[hbm4b:s4+s2] =	stream.indirect_vreg.scatter [tilespmem:s17], [sflag:$0x1], $0x80, v4, vm0, $0xb8;
	[tilespmem:$0xE100] =	vst v63  }
0xb6: {  	v3 =	vadd.s32 v1, v3  }
0xb7: {  	[hbm4b:s7+s2] =	stream.indirect_vreg.scatter [tilespmem:s18], [sflag:$0x1], $0x80, v4, vm0, $0xb8;
	[tilespmem:$0xE100] =	vst v63  }
0xb8: {  	s16 =	simm.s32 $0xA100  }
0xb9: {  	[hbm4b:s8+s2] =	stream.indirect_vreg.scatter [tilespmem:s16], [sflag:$0x1], $0x80, v4, vm0, $0xb8;
	[tilespmem:$0xE100] =	vst v63  }
0xba: {  	s15 =	simm.s32 $0xA900  }
0xbb: {  	[hbm4b:s4+s2] =	stream.indirect_vreg.scatter [tilespmem:s15], [sflag:$0x1], $0x80, v3, vm0, $0xb8;
	[tilespmem:$0xE100] =	vst v63  }
0xbc: {  	s16 =	simm.s32 $0xB100  }
0xbd: {  	[hbm4b:s7+s2] =	stream.indirect_vreg.scatter [tilespmem:s16], [sflag:$0x1], $0x80, v3, vm0, $0xb8;
	[tilespmem:$0xE100] =	vst v63  }
0xbe: {  	_ = 	snop  }
0xbf: {  	[hbm4b:s8+s2] =	stream.indirect_vreg.scatter [tilespmem:s0], [sflag:$0x1], $0x80, v3, vm0, $0xb8;
	[tilespmem:$0xE100] =	vst v63  }
0xc0: {  	p0 =	sne.s32 s9, $0x1;
	_ =	swait.ge [sflag:s12], $0x2000  }
.Ltmp0:
0xc1: {  	[sflag:s12] =	ssyncset.done $0x0;
	(pc) =	sbr.rel @p0 .LBB2_1-.Ltmp0, $4  }
0xc2: {  	[sflag:s12] =	ssyncadd.s32 $0xFFFFE000  }
0xc3: {  	_ =	swait.ge [sflag:s12], $0xC000  }
0xc4: {  	[sflag:s12] =	ssyncset.done $0x0  }
0xc5: {  	s9 =	sadd.s32 $0xFFFFFFFF, s9;
	[sflag:s12] =	ssyncadd.s32 $0xFFFF4000  }
0xc6: {  	_ =	sfence.sel $0x180000  }
0xc7: {  	[bflag:$0x0] =	sbarrier.arrive $0xFFFF  }
0xc8: {  	_ =	strace $0x9000004D  }
0xc9: {  	s0 =	stileid.u32;
	[bflag:$0x2] =	sbarrier.arrive $0xFFFF  }
0xca: {  	p0 =	sne.s32 s0, $0x0;
	s0 =	rddreg [dreg:$0x3]  }
0xcb: {  	s0 =	sadd.s32 @!p0 $0x100000, s0  }
0xcc: {  	[sflag:s0] =	ssyncadd.tile.s32 @!p0 $0x1;
	_ =	shalt  }
.Lfunc_end2:
_tile_overlayer_lowered:
.L_overlay_start_2:
0xcd: {  	(tag) =	ssettag $0x2  }
0xce: {  	s0 =	rddreg [dreg:$0x0];
	s2 =	stileid.u32  }
0xcf: {  	s1 =	rddreg [dreg:$0x1];
	p0 =	sne.s32 s2, $0x0  }
0xd0: {  	s3 =	rddreg [dreg:$0x2];
	[bflag:$0x3] =	sbarrier.arrive $0xFFFF;
	s2 =	simm.s32 @!p0 $0x1C02  }
0xd1: {  	[timem:s3], [sflag:s2] =	dma.local @!p0 [hbm:s0], s1  }
0xd2: {  	s0 =	simm.s32 @!p0 $0x2  }
0xd3: {  	_ =	swait.ge @!p0 [sflag:s0], s1  }
0xd4: {  	s1 =	ssub.s32 @!p0 $0x0, s1;
	[sflag:s0] =	ssyncset.done @!p0 $0x0  }
0xd5: {  	[sflag:s0] =	ssyncadd.s32 @!p0 s1  }
0xd6: {  	[bflag:$0x3] =	sbarrier.arrive $0xFFFF  }
0xd7: {  	_ =	shalt  }

// kernel: kernel.19.cloned.1.call-start
scs
__scs_entry_jumppad:
0x0: {  	(pc) =	sbr.rel $0x88, $3  }
0x1: {  	(tag) =	ssettag $0x0;
	lr =	simm.s32 $0x1  }
0x2: {  	[smem:$0x3F95] =	sst lr;
	_ =	strace $0xD0000000  }
0x3: {  	_ = 	snop  }
0x4: {  	_ = 	snop  }
0x5: {  	_ = 	snop  }
0x6: {  	_ = 	snop  }
0x7: {  	_ = 	snop  }
__scs_overlays_trampoline_lowered:
0x8: {  	[smem:$0x3FA4] =	sst s0  }
0x9: {  	[smem:$0x3FA5] =	sst s1  }
0xa: {  	[smem:$0x3FA6] =	sst s2  }
0xb: {  	[smem:$0x3FA7] =	sst s3  }
0xc: {  	[smem:$0x3FA8] =	sst s4  }
0xd: {  	[smem:$0x3FA9] =	sst s5  }
0xe: {  	[smem:$0x3FAA] =	sst s6  }
0xf: {  	[smem:$0x3FAB] =	sst s7  }
0x10: {  	[smem:$0x3FAC] =	sst s8  }
0x11: {  	[smem:$0x3FAD] =	sst s9;
	s0 =	simm.s32 @!p0 $0x0  }
0x12: {  	s1 =	sld [smem:$0x3F93];
	s0 =	simm.s32 @p0 $0x1  }
0x13: {  	[smem:$0x3FAE] =	sst s0;
	s0 =	simm.s32 @!p1 $0x0  }
0x14: {  	s2 =	sld [smem:$0x3F92];
	s0 =	simm.s32 @p1 $0x1  }
0x15: {  	[smem:$0x3FAF] =	sst s0;
	s0 =	simm.s32 @!p2 $0x0  }
0x16: {  	s3 =	sld [smem:$0x3FDB];
	s0 =	simm.s32 @p2 $0x1  }
0x17: {  	s4 =	simm.s32 $0x1BF5;
	[smem:$0x3FB1] =	sst s0  }
0x18: {  	s0 =	sld [smem:$0x3F94];
	_ =	swait.ge [sflag:s4], $0x0  }
0x19: {  	s7 =	sld [smem:$0x3F95]  }
0x1a: {  	s8 =	sadd.s32 $0xFFFFE003, lr  }
0x1b: {  	s9 =	sadd.s32 $0xFFFFFEF7, lr;
	s5 =	simm.s32 $0xFFFFFFFF;
	p2 =	slt.u32 s8, $0xFFFFF086  }
0x1c: {  	p1 =	slt.u32 s9, $0xF7A;
	s5 =	simm.s32 @!p2 $0x0  }
0x1d: {  	s5 =	simm.s32 @p1 $0x1;
	p0 =	seq.s32 s7, s2  }
0x1e: {  	s7 =	smul.u32 @!p0 $0xF7A, s2;
	p2 =	seq.s32 @!p0 s5, $0x0  }
0x1f: {  	s9 =	smul.u32 $0xF7A, s1;
	s8 =	simm.s32 @!p0 $0x1BF5;
	p2 =	por !p2, p0  }
0x20: {  	[sflag:s8] =	ssyncset.s32 @!p0 $0xFFFFF086;
	s6 =	sadd.s32 @!p0 s3, s7;
	s7 =	simm.s32 @!p0 $0x108  }
0x21: {  	s3 =	sadd.s32 s3, s9;
	s6 =	sadd.s32 @!p0 $0x88, s6;
	s7 =	simm.s32 @p2 $0x1082  }
0x22: {  	[simem:s7], [sflag:s8] =	dma.local @!p0 [hbm:s6], $0xF7A  }
0x23: {  	s9 =	sor.u32 $0xD0000000, s2;
	s6 =	simm.s32 $0x108;
	_ =	swait.ge @!p0 [sflag:s8], $0x0  }
0x24: {  	s3 =	sadd.s32 $0x88, s3;
	s6 =	simm.s32 @!p1 $0x1082;
	[sflag:s4] =	ssyncset.s32 $0xFFFFF086  }
0x25: {  	[simem:s6], [sflag:s4] =	dma.local [hbm:s3], $0xF7A  }
0x26: {  	[smem:$0x3F95] =	sst s1;
	(tag) =	ssettag s2;
	_ =	strace s9  }
0x27: {  	s1 =	sld [smem:$0x3FA5]  }
0x28: {  	s2 =	sld [smem:$0x3FA6]  }
0x29: {  	s4 =	sld [smem:$0x3FA8]  }
0x2a: {  	p0 =	seq.s32 s5, $0x0;
	s5 =	sld [smem:$0x3FA9]  }
0x2b: {  	s6 =	sld [smem:$0x3FAA]  }
0x2c: {  	s7 =	sld [smem:$0x3FAB]  }
0x2d: {  	s3 =	simm.s32 $0x108;
	s8 =	sld [smem:$0x3FAC]  }
0x2e: {  	s3 =	simm.s32 @!p0 $0x1082;
	s9 =	sld [smem:$0x3FAD]  }
0x2f: {  	lr =	sadd.s32 s0, s3;
	s0 =	sld [smem:$0x3FA4]  }
0x30: {  	s3 =	sld [smem:$0x3FA7]  }
0x31: {  	[smem:$0x3FB0] =	sst s10  }
0x32: {  	s10 =	sld [smem:$0x3FAE];
	_ =	sdelay $0x3  }
0x33: {  	p0 =	seq.s32 s10, $0x1;
	s10 =	sld [smem:$0x3FB0];
	_ =	sdelay $0x3  }
0x34: {  	[smem:$0x3FB0] =	sst s10  }
0x35: {  	s10 =	sld [smem:$0x3FAF];
	_ =	sdelay $0x3  }
0x36: {  	p1 =	seq.s32 s10, $0x1;
	s10 =	sld [smem:$0x3FB0];
	_ =	sdelay $0x3  }
0x37: {  	[smem:$0x3FB0] =	sst s10  }
0x38: {  	s10 =	sld [smem:$0x3FB1]  }
0x39: {  	_ = 	snop;
	(pc) =	sbr.ind lr, $3  }
0x3a: {  	_ = 	snop  }
0x3b: {  	_ = 	snop  }
0x3c: {  	p2 =	seq.s32 s10, $0x1;
	s10 =	sld [smem:$0x3FB0]  }
0x3d: {  	_ =	shalt  }
0x3e: {  	_ =	shalt  }
0x3f: {  	_ =	shalt  }
0x40: {  	_ =	shalt  }
0x41: {  	_ =	shalt  }
0x42: {  	_ =	shalt  }
0x43: {  	_ =	shalt  }
0x44: {  	_ =	shalt  }
0x45: {  	_ =	shalt  }
0x46: {  	_ =	shalt  }
0x47: {  	_ =	shalt  }
0x48: {  	_ =	shalt  }
0x49: {  	_ =	shalt  }
0x4a: {  	_ =	shalt  }
0x4b: {  	_ =	shalt  }
0x4c: {  	_ =	shalt  }
0x4d: {  	_ =	shalt  }
0x4e: {  	_ =	shalt  }
0x4f: {  	_ =	shalt  }
0x50: {  	_ =	shalt  }
0x51: {  	_ =	shalt  }
0x52: {  	_ =	shalt  }
0x53: {  	_ =	shalt  }
0x54: {  	_ =	shalt  }
0x55: {  	_ =	shalt  }
0x56: {  	_ =	shalt  }
0x57: {  	_ =	shalt  }
0x58: {  	_ =	shalt  }
0x59: {  	_ =	shalt  }
0x5a: {  	_ =	shalt  }
0x5b: {  	_ =	shalt  }
0x5c: {  	_ =	shalt  }
0x5d: {  	_ =	shalt  }
0x5e: {  	_ =	shalt  }
0x5f: {  	_ =	shalt  }
0x60: {  	_ =	shalt  }
0x61: {  	_ =	shalt  }
0x62: {  	_ =	shalt  }
0x63: {  	_ =	shalt  }
0x64: {  	_ =	shalt  }
0x65: {  	_ =	shalt  }
0x66: {  	_ =	shalt  }
0x67: {  	_ =	shalt  }
0x68: {  	_ =	shalt  }
0x69: {  	_ =	shalt  }
0x6a: {  	_ =	shalt  }
0x6b: {  	_ =	shalt  }
0x6c: {  	_ =	shalt  }
0x6d: {  	_ =	shalt  }
0x6e: {  	_ =	shalt  }
0x6f: {  	_ =	shalt  }
0x70: {  	_ =	shalt  }
0x71: {  	_ =	shalt  }
0x72: {  	_ =	shalt  }
0x73: {  	_ =	shalt  }
0x74: {  	_ =	shalt  }
0x75: {  	_ =	shalt  }
0x76: {  	_ =	shalt  }
0x77: {  	_ =	shalt  }
0x78: {  	_ =	shalt  }
0x79: {  	_ =	shalt  }
0x7a: {  	_ =	shalt  }
0x7b: {  	_ =	shalt  }
0x7c: {  	_ =	shalt  }
0x7d: {  	_ =	shalt  }
0x7e: {  	_ =	shalt  }
0x7f: {  	_ =	shalt  }
0x80: {  	_ =	shalt  }
0x81: {  	_ =	shalt  }
0x82: {  	_ =	shalt  }
0x83: {  	_ =	shalt  }
0x84: {  	_ =	shalt  }
0x85: {  	_ =	shalt  }
0x86: {  	_ =	shalt  }
0x87: {  	_ =	shalt  }
.Lfunc_end0:
.L_simem_size_0:
called_computation.3_lowered:
.L_overlay_start_0:
0x88: {  	s2 =	sld [smem:$0x3FD9]  }
0x89: {  	s3 =	sld [smem:$0x3FFE];
	_ =	sdelay $0x1  }
0x8a: {  	s1 =	srdreg.scid  }
0x8b: {  	s0 =	sand.u32 $0x1, s1  }
0x8c: {  	s14 =	sshll.u32 s0, $0xA;
	s2 =	sadd.s32 s3, s2  }
0x8d: {  	s2 =	sadd.s32 s2, s14  }
0x8e: {  	[smem:$0x3FBC] =	sst s2  }
0x8f: {  	_ = 	snop  }
0x90: {  	s2 =	sld [smem:$0x3FD0];
	_ =	sdelay $0x2  }
0x91: {  	s15 =	simm.s32 $0xA;
	s4 =	simm.s32 $0x10  }
0x92: {  	[smem:s4], [sflag:s15] =	dma.local [hbm:s2], $0x1  }
0x93: {  	_ =	swait.eq [sflag:s15], $0x1  }
0x94: {  	s16 =	sld [smem:$0x10];
	[sflag:s15] =	ssyncset.done $0x0  }
0x95: {  	s17 =	sld [smem:$0x11];
	[sflag:s15] =	ssyncadd.s32 $0xFFFFFFFF  }
0x96: {  	s18 =	sld [smem:$0x12];
	(tm) =	ssettm $0x1  }
0x97: {  	s5 =	sld [smem:$0x3FFB];
	_ =	sdelay $0x3  }
0x98: {  	_ =	strace s5  }
0x99: {  	s5 =	sld [smem:$0x3FFC];
	_ =	sdelay $0x3  }
0x9a: {  	_ =	strace s5  }
0x9b: {  	s5 =	sld [smem:$0x3FFD];
	_ =	sdelay $0x3  }
0x9c: {  	_ =	strace s5  }
0x9d: {  	_ =	strace $0x8FFFFFFF  }
0x9e: {  	s19 =	sld [smem:$0x3FDB];
	_ =	sdelay $0x1  }
0x9f: {  	s6 =	simm.s32 $_scs_section_size  }
0xa0: {  	s7 =	simm.s32 $_size__tile_overlayer_lowered;
	s8 =	simm.s32 $_tile_overlayer_lowered  }
0xa1: {  	s22 =	simm.s32 $0x1BFF;
	s21 =	sshll.u32 s8, $0x1;
	s5 =	sadd.s32 s6, s19  }
0xa2: {  	s9 =	simm.s32 $0x0;
	s20 =	sshll.u32 s7, $0x1;
	s7 =	sadd.s32 s21, s5  }
0xa3: {  	[timem:s9], [sflag:s22] =	dma.local [hbm:s7], s20  }
0xa4: {  	_ =	swait.ge [sflag:s22], s20  }
0xa5: {  	s6 =	ssub.s32 $0x0, s20;
	[sflag:s22] =	ssyncset.done $0x0  }
0xa6: {  	[sflag:s22] =	ssyncadd.s32 s6;
	_ =	sdelay $0x1  }
0xa7: {  	s23 =	simm.s32 $0x1B8B  }
0xa8: {  	_ =	swait.ge [sflag:s23], $0x1  }
0xa9: {  	[sflag:s23] =	ssyncset.done $0x0  }
0xaa: {  	s25 =	simm.s32 $0x1B8E;
	s24 =	sld [smem:$0x3FFE];
	[sflag:s23] =	ssyncadd.s32 $0xFFFFFFFF  }
0xab: {  	s26 =	simm.s32 $execute0_lowered;
	[smem:$0x3FD2] =	sst s25  }
0xac: {  	s7 =	sshll.u32 s26, $0x1;
	_ =	strace $0x8000004F;
	[dreg:$0x1] =	wrdreg $0xFFFFFFFF  }
0xad: {  	s28 =	simm.s32 $_size_execute0_lowered;
	s5 =	sadd.s32 s5, s7;
	[dreg:$0x0] =	wrdreg $0x0  }
0xae: {  	s7 =	sshll.u32 s28, $0x1;
	[dreg:$0x2] =	wrdreg s5  }
0xaf: {  	[dreg:$0x3] =	wrdreg s7  }
0xb0: {  	[dreg:$0x4] =	wrdreg $0xC0  }
0xb1: {  	_ =	task [dreg:s9], $0x5FFFF  }
0xb2: {  	[dreg:$0x1] =	wrdreg $0xFFFFFFFF  }
0xb3: {  	[dreg:$0x0] =	wrdreg $0x60  }
0xb4: {  	[dreg:$0x2] =	wrdreg s24  }
0xb5: {  	[dreg:$0x3] =	wrdreg s16  }
0xb6: {  	[dreg:$0x4] =	wrdreg s17  }
0xb7: {  	[dreg:$0x5] =	wrdreg s18  }
0xb8: {  	[dreg:$0x6] =	wrdreg $0x9  }
0xb9: {  	_ =	task.clear_ibuf [dreg:s9], $0x7FFFF;
	_ =	strace $0x9000004F  }
0xba: {  	s29 =	simm.s32 $0x9;
	_ =	strace $0x80000051  }
0xbb: {  	_ =	swait.ge [sflag:s29], $0x1  }
0xbc: {  	[sflag:s29] =	ssyncadd.s32 $0xFFFFFFFF  }
0xbd: {  	_ =	strace $0x90000051  }
0xbe: {  	_ =	sfence  }
0xbf: {  	s30 =	sld [smem:$0x0];
	_ =	sdelay $0x2  }
0xc0: {  	s31 =	sshll.u32 s1, $0xD;
	s1 =	sshrl.u32 s1, $0x2  }
0xc1: {  	s3 =	sand.u32 $0x4000, s31;
	s1 =	sadd.s32 s1, s30  }
0xc2: {  	s0 =	sor.u32 s3, s0;
	s1 =	sshll.u32 s1, $0x11  }
0xc3: {  	s0 =	sor.u32 s1, s0  }
0xc4: {  	s0 =	sadd.s32 $0x8F2B, s0  }
0xc5: {  	[sflag:s0] =	ssyncadd.remote.s32 $0x1  }
0xc6: {  	_ =	sfence.sel $0xFFFF  }
0xc7: {  	[dreg:$0x0] =	wrdreg $0xFFFFFFFF;
	(pc) =	sbr.abs _section_cstart, $3  }
0xc8: {  	[dreg:$0x1] =	wrdreg $0xFFFFFFFF  }
0xc9: {  	_ =	task.clear_ibuf [dreg:s9], $0x2FFFF;
	_ =	strace $0x9FFFFFFF  }
0xca: {  	(tm) =	ssettm $0x7FFFFFFF  }
0xcb: {  	_ =	shalt  }
tec
execute0_lowered:
.L_overlay_start_1:
0x0: {  	(tag) =	ssettag $0x1  }
0x1: {  	s0 =	rddreg [dreg:$0x0]  }
0x2: {  	s1 =	rddreg [dreg:$0x1];
	s2 =	srdreg.scid  }
0x3: {  	s3 =	rddreg [dreg:$0x2];
	s5 =	stileid.u32  }
0x4: {  	s4 =	rddreg [dreg:$0x3];
	s6 =	sand.u32 $0x1, s2;
	s2 =	simm.s32 $0x0  }
0x5: {  	s21 =	simm.s32 $0xC880;
	s22 =	simm.s32 $0xD080;
	[smem:$0x7FF] =	sst s2  }
0x6: {  	s23 =	simm.s32 $0xD880;
	_ =	strace $0x80000050;
	[dreg:$0x9] =	wrdreg s21  }
0x7: {  	s24 =	simm.s32 $0xE080;
	s26 =	simm.s32 $0xE880;
	[dreg:$0xa] =	wrdreg s22  }
0x8: {  	s8 =	simm.s32 $0xF080;
	s9 =	simm.s32 $0xF880;
	[dreg:$0xb] =	wrdreg s23  }
0x9: {  	s10 =	simm.s32 $0x10080;
	s11 =	simm.s32 $0x10880;
	[dreg:$0xc] =	wrdreg s24  }
0xa: {  	s13 =	simm.s32 $0x11080;
	s14 =	simm.s32 $0x11880;
	[dreg:$0xd] =	wrdreg s26  }
0xb: {  	s15 =	simm.s32 $0x12080;
	s16 =	simm.s32 $0x12880;
	[dreg:$0xe] =	wrdreg s8  }
0xc: {  	s17 =	simm.s32 $0x13080;
	s18 =	simm.s32 $0x13880;
	[dreg:$0xf] =	wrdreg s9  }
0xd: {  	s28 =	simm.s32 $0x2080;
	s29 =	simm.s32 $0x2880;
	[dreg:$0x10] =	wrdreg s10  }
0xe: {  	s30 =	simm.s32 $0x3080;
	s31 =	simm.s32 $0x3880;
	[dreg:$0x11] =	wrdreg s11  }
0xf: {  	s5 =	sshll.u32 s5, $0x4;
	s7 =	sshll.u32 s6, $0x3;
	[dreg:$0x12] =	wrdreg s13  }
0x10: {  	s6 =	ssub.s32 $0x2, s6;
	s5 =	sor.u32 s7, s5;
	[dreg:$0x13] =	wrdreg s14  }
0x11: {  	s25 =	sshrl.u32 s6, $0x1;
	s8 =	sadd.s32 $0x3D00, s0;
	[dreg:$0x14] =	wrdreg s15  }
0x12: {  	s9 =	sadd.s32 $0x3E00, s0;
	s10 =	sadd.s32 $0xC4100, s0;
	[dreg:$0x15] =	wrdreg s16  }
0x13: {  	s11 =	sadd.s32 $0xC4200, s0;
	s13 =	simm.s32 $0x2;
	[dreg:$0x16] =	wrdreg s17  }
0x14: {  	[dreg:$0x17] =	wrdreg s18;
	s21 =	simm.s32 $0x15080;
	s22 =	simm.s32 $0x15880  }
0x15: {  	s23 =	simm.s32 $0x16080;
	s24 =	simm.s32 $0x16880;
	s26 =	simm.s32 $0x17880  }
0x16: {  	s15 =	simm.s32 $0x5080;
	s16 =	simm.s32 $0x5880;
	[dreg:$0x1a] =	wrdreg s21  }
0x17: {  	s17 =	simm.s32 $0x6080;
	s18 =	simm.s32 $0x6880;
	[dreg:$0x1b] =	wrdreg s22  }
0x18: {  	s7 =	sadd.s32 s5, s0;
	s5 =	smul.u32 $0x300, s5;
	[dreg:$0x1c] =	wrdreg s23  }
0x19: {  	s12 =	ssub.s32 s6, s25;
	s6 =	sadd.s32 $0x64100, s0;
	[dreg:$0x1d] =	wrdreg s24  }
0x1a: {  	s25 =	simm.s32 $0x17080;
	[dreg:$0x1f] =	wrdreg s26;
	s24 =	simm.s32 $0x880  }
0x1b: {  	s26 =	simm.s32 $0x1880;
	s21 =	simm.s32 $0x7880;
	s7 =	sadd.s32 $0x63E00, s7  }
0x1c: {  	s12 =	smax.u32 s12, $0x1;
	[dreg:$0x1e] =	wrdreg s25;
	s25 =	simm.s32 $0x1080  }
0x1d: {  	[dreg:$0x5] =	wrdreg s7;
	s1 =	sadd.s32 s1, s5;
	s19 =	sadd.s32 s3, s5  }
0x1e: {  	s20 =	sadd.s32 s4, s5;
	s3 =	sadd.s32 $0x64000, s0;
	[dreg:$0x6] =	wrdreg s1  }
0x1f: {  	s4 =	sadd.s32 $0x3C00, s0;
	s5 =	sadd.s32 $0xC4000, s0;
	[dreg:$0x7] =	wrdreg s19  }
0x20: {  	v2 =	vlaneseq.u32;
	s7 =	sadd.s32 $0x64200, s0;
	[dreg:$0x8] =	wrdreg s20;
	s19 =	simm.s32 $0x14080  }
0x21: {  	vm0 =	vmmov $0xffff;
	v1 =	vshrl.u32 v2, $0x3;
	s0 =	simm.s32 $0x80;
	s20 =	simm.s32 $0x14880;
	[dreg:$0x18] =	wrdreg s19  }
0x22: {  	v0 =	vand.u32 $0x7, v2;
	v2 =	vor.u32 $0x8, v2;
	v1 =	vmul.u32 $0x8, v1;
	[dreg:$0x19] =	wrdreg s20;
	s20 =	simm.s32 $0x1;
	s19 =	simm.s32 $0x7080  }
.LBB2_1:
0x23: {  	s22 =	rddreg [dreg:$0x5]  }
0x24: {  	[tilespmem:s2], [sflag:$0x2] =	stream.linear.gather [hbm4b:s22+s2], $0x40, $0x38;
	[tilespmem:$0x18080] =	vst v63  }
0x25: {  	_ =	swait.ge [sflag:s13], $0x40  }
0x26: {  	[sflag:s13] =	ssyncset.done $0x0  }
0x27: {  	[sflag:s13] =	ssyncadd.s32 $0xFFFFFFC0  }
0x28: {  	v3 =	vld [tilespmem:$0x0];
	_ =	sdelay $0x4  }
0x29: {  	v4 =	vshrl.u32 v3, $0x3  }
0x2a: {  	v4 =	vmul.u32 $0x30, v4  }
0x2b: {  	v3 =	vand.u32 $0x7, v3  }
0x2c: {  	v3 =	vor.u32 v3, v4  }
0x2d: {  	v4 =	vperm.xlane v3, v0;
	_ =	sdelay $0x1  }
0x2e: {  	v4 =	vadd.s32 v1, v4;
	_ =	sdelay $0x3  }
0x2f: {  	v3 =	vperm.xlane v3, v2  }
0x30: {  	[tilespmem:s0], [sflag:$0x1] =	stream.indirect_vreg.gather [hbm4b:s3+s2], $0x80, v4, vm0, $0xb8;
	[tilespmem:$0x18080] =	vst v63  }
0x31: {  	v3 =	vadd.s32 v1, v3  }
0x32: {  	[tilespmem:s24], [sflag:$0x1] =	stream.indirect_vreg.gather [hbm4b:s6+s2], $0x80, v4, vm0, $0xb8;
	[tilespmem:$0x18080] =	vst v63  }
0x33: {  	_ = 	snop  }
0x34: {  	[tilespmem:s25], [sflag:$0x1] =	stream.indirect_vreg.gather [hbm4b:s7+s2], $0x80, v4, vm0, $0xb8;
	[tilespmem:$0x18080] =	vst v63  }
0x35: {  	_ = 	snop  }
0x36: {  	[tilespmem:s26], [sflag:$0x1] =	stream.indirect_vreg.gather [hbm4b:s3+s2], $0x80, v3, vm0, $0xb8;
	[tilespmem:$0x18080] =	vst v63  }
0x37: {  	_ = 	snop  }
0x38: {  	[tilespmem:s28], [sflag:$0x1] =	stream.indirect_vreg.gather [hbm4b:s6+s2], $0x80, v3, vm0, $0xb8;
	[tilespmem:$0x18080] =	vst v63  }
0x39: {  	_ = 	snop  }
0x3a: {  	[tilespmem:s29], [sflag:$0x1] =	stream.indirect_vreg.gather [hbm4b:s7+s2], $0x80, v3, vm0, $0xb8;
	[tilespmem:$0x18080] =	vst v63  }
0x3b: {  	v3 =	vld [tilespmem:$0x10];
	_ =	sdelay $0x4  }
0x3c: {  	v53 =	vshrl.u32 v3, $0x3  }
0x3d: {  	v4 =	vmul.u32 $0x30, v53  }
0x3e: {  	v3 =	vand.u32 $0x7, v3  }
0x3f: {  	v3 =	vor.u32 v3, v4  }
0x40: {  	v4 =	vperm.xlane v3, v0;
	_ =	sdelay $0x1  }
0x41: {  	v4 =	vadd.s32 v1, v4;
	_ =	sdelay $0x3  }
0x42: {  	v3 =	vperm.xlane v3, v2  }
0x43: {  	[tilespmem:s30], [sflag:$0x1] =	stream.indirect_vreg.gather [hbm4b:s3+s2], $0x80, v4, vm0, $0xb8;
	[tilespmem:$0x18080] =	vst v63  }
0x44: {  	v3 =	vadd.s32 v1, v3  }
0x45: {  	[tilespmem:s31], [sflag:$0x1] =	stream.indirect_vreg.gather [hbm4b:s6+s2], $0x80, v4, vm0, $0xb8;
	[tilespmem:$0x18080] =	vst v63  }
0x46: {  	s1 =	simm.s32 $0x4080  }
0x47: {  	[tilespmem:s1], [sflag:$0x1] =	stream.indirect_vreg.gather [hbm4b:s7+s2], $0x80, v4, vm0, $0xb8;
	[tilespmem:$0x18080] =	vst v63  }
0x48: {  	s14 =	simm.s32 $0x4880  }
0x49: {  	[tilespmem:s14], [sflag:$0x1] =	stream.indirect_vreg.gather [hbm4b:s3+s2], $0x80, v3, vm0, $0xb8;
	[tilespmem:$0x18080] =	vst v63  }
0x4a: {  	_ = 	snop  }
0x4b: {  	[tilespmem:s15], [sflag:$0x1] =	stream.indirect_vreg.gather [hbm4b:s6+s2], $0x80, v3, vm0, $0xb8;
	[tilespmem:$0x18080] =	vst v63  }
0x4c: {  	_ = 	snop  }
0x4d: {  	[tilespmem:s16], [sflag:$0x1] =	stream.indirect_vreg.gather [hbm4b:s7+s2], $0x80, v3, vm0, $0xb8;
	[tilespmem:$0x18080] =	vst v63  }
0x4e: {  	v3 =	vld [tilespmem:$0x20];
	_ =	sdelay $0x4  }
0x4f: {  	v54 =	vshrl.u32 v3, $0x3  }
0x50: {  	v4 =	vmul.u32 $0x30, v54  }
0x51: {  	v3 =	vand.u32 $0x7, v3  }
0x52: {  	v3 =	vor.u32 v3, v4  }
0x53: {  	v4 =	vperm.xlane v3, v0;
	_ =	sdelay $0x1  }
0x54: {  	v4 =	vadd.s32 v1, v4;
	_ =	sdelay $0x3  }
0x55: {  	v3 =	vperm.xlane v3, v2  }
0x56: {  	[tilespmem:s17], [sflag:$0x1] =	stream.indirect_vreg.gather [hbm4b:s3+s2], $0x80, v4, vm0, $0xb8;
	[tilespmem:$0x18080] =	vst v63  }
0x57: {  	v3 =	vadd.s32 v1, v3  }
0x58: {  	[tilespmem:s18], [sflag:$0x1] =	stream.indirect_vreg.gather [hbm4b:s6+s2], $0x80, v4, vm0, $0xb8;
	[tilespmem:$0x18080] =	vst v63  }
0x59: {  	_ = 	snop  }
0x5a: {  	[tilespmem:s19], [sflag:$0x1] =	stream.indirect_vreg.gather [hbm4b:s7+s2], $0x80, v4, vm0, $0xb8;
	[tilespmem:$0x18080] =	vst v63  }
0x5b: {  	_ = 	snop  }
0x5c: {  	[tilespmem:s21], [sflag:$0x1] =	stream.indirect_vreg.gather [hbm4b:s3+s2], $0x80, v3, vm0, $0xb8;
	[tilespmem:$0x18080] =	vst v63  }
0x5d: {  	s14 =	simm.s32 $0x8080  }
0x5e: {  	[tilespmem:s14], [sflag:$0x1] =	stream.indirect_vreg.gather [hbm4b:s6+s2], $0x80, v3, vm0, $0xb8;
	[tilespmem:$0x18080] =	vst v63  }
0x5f: {  	s22 =	simm.s32 $0x8880  }
0x60: {  	[tilespmem:s22], [sflag:$0x1] =	stream.indirect_vreg.gather [hbm4b:s7+s2], $0x80, v3, vm0, $0xb8;
	[tilespmem:$0x18080] =	vst v63  }
0x61: {  	v3 =	vld [tilespmem:$0x30];
	_ =	sdelay $0x4  }
0x62: {  	v55 =	vshrl.u32 v3, $0x3  }
0x63: {  	v4 =	vmul.u32 $0x30, v55  }
0x64: {  	v3 =	vand.u32 $0x7, v3  }
0x65: {  	v3 =	vor.u32 v3, v4  }
0x66: {  	v4 =	vperm.xlane v3, v0;
	_ =	sdelay $0x1  }
0x67: {  	v4 =	vadd.s32 v1, v4;
	_ =	sdelay $0x3  }
0x68: {  	s23 =	simm.s32 $0x9080;
	v3 =	vperm.xlane v3, v2  }
0x69: {  	[tilespmem:s23], [sflag:$0x1] =	stream.indirect_vreg.gather [hbm4b:s3+s2], $0x80, v4, vm0, $0xb8;
	[tilespmem:$0x18080] =	vst v63  }
0x6a: {  	s22 =	simm.s32 $0x9880;
	v3 =	vadd.s32 v1, v3  }
0x6b: {  	[tilespmem:s22], [sflag:$0x1] =	stream.indirect_vreg.gather [hbm4b:s6+s2], $0x80, v4, vm0, $0xb8;
	[tilespmem:$0x18080] =	vst v63  }
0x6c: {  	s23 =	simm.s32 $0xA080  }
0x6d: {  	[tilespmem:s23], [sflag:$0x1] =	stream.indirect_vreg.gather [hbm4b:s7+s2], $0x80, v4, vm0, $0xb8;
	[tilespmem:$0x18080] =	vst v63  }
0x6e: {  	s22 =	simm.s32 $0xA880  }
0x6f: {  	[tilespmem:s22], [sflag:$0x1] =	stream.indirect_vreg.gather [hbm4b:s3+s2], $0x80, v3, vm0, $0xb8;
	[tilespmem:$0x18080] =	vst v63  }
0x70: {  	s23 =	simm.s32 $0xB080  }
0x71: {  	[tilespmem:s23], [sflag:$0x1] =	stream.indirect_vreg.gather [hbm4b:s6+s2], $0x80, v3, vm0, $0xb8;
	[tilespmem:$0x18080] =	vst v63  }
0x72: {  	s22 =	simm.s32 $0xB880  }
0x73: {  	[tilespmem:s22], [sflag:$0x1] =	stream.indirect_vreg.gather [hbm4b:s7+s2], $0x80, v3, vm0, $0xb8;
	[tilespmem:$0x18080] =	vst v63  }
0x74: {  	_ =	swait.ge [sflag:s20], $0xC000  }
0x75: {  	[sflag:s20] =	ssyncset.done $0x0  }
0x76: {  	[sflag:s20] =	ssyncadd.s32 $0xFFFF4000  }
0x77: {  	v3 =	vld [tilespmem:$0x0];
	_ =	sdelay $0x4  }
0x78: {  	v56 =	vshrl.u32 v3, $0x3  }
0x79: {  	v4 =	vmul.u32 $0x30, v56  }
0x7a: {  	v3 =	vand.u32 $0x7, v3  }
0x7b: {  	v3 =	vor.u32 v3, v4  }
0x7c: {  	v4 =	vperm.xlane v3, v0;
	_ =	sdelay $0x1  }
0x7d: {  	v4 =	vadd.s32 v1, v4;
	_ =	sdelay $0x3  }
0x7e: {  	s1 =	simm.s32 $0xC080;
	v3 =	vperm.xlane v3, v2  }
0x7f: {  	[tilespmem:s1], [sflag:$0x1] =	stream.indirect_vreg.gather [hbm4b:s4+s2], $0x80, v4, vm0, $0xb8;
	[tilespmem:$0x18080] =	vst v63  }
0x80: {  	s22 =	rddreg [dreg:$0x9];
	v3 =	vadd.s32 v1, v3  }
0x81: {  	[tilespmem:s22], [sflag:$0x1] =	stream.indirect_vreg.gather [hbm4b:s8+s2], $0x80, v4, vm0, $0xb8;
	[tilespmem:$0x18080] =	vst v63  }
0x82: {  	s23 =	rddreg [dreg:$0xa]  }
0x83: {  	[tilespmem:s23], [sflag:$0x1] =	stream.indirect_vreg.gather [hbm4b:s9+s2], $0x80, v4, vm0, $0xb8;
	[tilespmem:$0x18080] =	vst v63  }
0x84: {  	s22 =	rddreg [dreg:$0xb]  }
0x85: {  	[tilespmem:s22], [sflag:$0x1] =	stream.indirect_vreg.gather [hbm4b:s4+s2], $0x80, v3, vm0, $0xb8;
	[tilespmem:$0x18080] =	vst v63  }
0x86: {  	s23 =	rddreg [dreg:$0xc]  }
0x87: {  	[tilespmem:s23], [sflag:$0x1] =	stream.indirect_vreg.gather [hbm4b:s8+s2], $0x80, v3, vm0, $0xb8;
	[tilespmem:$0x18080] =	vst v63  }
0x88: {  	s22 =	rddreg [dreg:$0xd]  }
0x89: {  	[tilespmem:s22], [sflag:$0x1] =	stream.indirect_vreg.gather [hbm4b:s9+s2], $0x80, v3, vm0, $0xb8;
	[tilespmem:$0x18080] =	vst v63  }
0x8a: {  	v3 =	vld [tilespmem:$0x10];
	_ =	sdelay $0x4  }
0x8b: {  	v57 =	vshrl.u32 v3, $0x3  }
0x8c: {  	v4 =	vmul.u32 $0x30, v57  }
0x8d: {  	v3 =	vand.u32 $0x7, v3  }
0x8e: {  	v3 =	vor.u32 v3, v4  }
0x8f: {  	v4 =	vperm.xlane v3, v0;
	_ =	sdelay $0x1  }
0x90: {  	v4 =	vadd.s32 v1, v4;
	_ =	sdelay $0x3  }
0x91: {  	s22 =	rddreg [dreg:$0xe];
	v3 =	vperm.xlane v3, v2  }
0x92: {  	[tilespmem:s22], [sflag:$0x1] =	stream.indirect_vreg.gather [hbm4b:s4+s2], $0x80, v4, vm0, $0xb8;
	[tilespmem:$0x18080] =	vst v63  }
0x93: {  	s23 =	rddreg [dreg:$0xf];
	v3 =	vadd.s32 v1, v3  }
0x94: {  	[tilespmem:s23], [sflag:$0x1] =	stream.indirect_vreg.gather [hbm4b:s8+s2], $0x80, v4, vm0, $0xb8;
	[tilespmem:$0x18080] =	vst v63  }
0x95: {  	s22 =	rddreg [dreg:$0x10]  }
0x96: {  	[tilespmem:s22], [sflag:$0x1] =	stream.indirect_vreg.gather [hbm4b:s9+s2], $0x80, v4, vm0, $0xb8;
	[tilespmem:$0x18080] =	vst v63  }
0x97: {  	s23 =	rddreg [dreg:$0x11]  }
0x98: {  	[tilespmem:s23], [sflag:$0x1] =	stream.indirect_vreg.gather [hbm4b:s4+s2], $0x80, v3, vm0, $0xb8;
	[tilespmem:$0x18080] =	vst v63  }
0x99: {  	s22 =	rddreg [dreg:$0x12]  }
0x9a: {  	[tilespmem:s22], [sflag:$0x1] =	stream.indirect_vreg.gather [hbm4b:s8+s2], $0x80, v3, vm0, $0xb8;
	[tilespmem:$0x18080] =	vst v63  }
0x9b: {  	s23 =	rddreg [dreg:$0x13]  }
0x9c: {  	[tilespmem:s23], [sflag:$0x1] =	stream.indirect_vreg.gather [hbm4b:s9+s2], $0x80, v3, vm0, $0xb8;
	[tilespmem:$0x18080] =	vst v63  }
0x9d: {  	v3 =	vld [tilespmem:$0x20];
	_ =	sdelay $0x4  }
0x9e: {  	v58 =	vshrl.u32 v3, $0x3  }
0x9f: {  	v4 =	vmul.u32 $0x30, v58  }
0xa0: {  	v3 =	vand.u32 $0x7, v3  }
0xa1: {  	v3 =	vor.u32 v3, v4  }
0xa2: {  	v4 =	vperm.xlane v3, v0;
	_ =	sdelay $0x1  }
0xa3: {  	v4 =	vadd.s32 v1, v4;
	_ =	sdelay $0x3  }
0xa4: {  	s22 =	rddreg [dreg:$0x14];
	v3 =	vperm.xlane v3, v2  }
0xa5: {  	[tilespmem:s22], [sflag:$0x1] =	stream.indirect_vreg.gather [hbm4b:s4+s2], $0x80, v4, vm0, $0xb8;
	[tilespmem:$0x18080] =	vst v63  }
0xa6: {  	s23 =	rddreg [dreg:$0x15];
	v3 =	vadd.s32 v1, v3  }
0xa7: {  	[tilespmem:s23], [sflag:$0x1] =	stream.indirect_vreg.gather [hbm4b:s8+s2], $0x80, v4, vm0, $0xb8;
	[tilespmem:$0x18080] =	vst v63  }
0xa8: {  	s22 =	rddreg [dreg:$0x16]  }
0xa9: {  	[tilespmem:s22], [sflag:$0x1] =	stream.indirect_vreg.gather [hbm4b:s9+s2], $0x80, v4, vm0, $0xb8;
	[tilespmem:$0x18080] =	vst v63  }
0xaa: {  	s23 =	rddreg [dreg:$0x17]  }
0xab: {  	[tilespmem:s23], [sflag:$0x1] =	stream.indirect_vreg.gather [hbm4b:s4+s2], $0x80, v3, vm0, $0xb8;
	[tilespmem:$0x18080] =	vst v63  }
0xac: {  	s22 =	rddreg [dreg:$0x18]  }
0xad: {  	[tilespmem:s22], [sflag:$0x1] =	stream.indirect_vreg.gather [hbm4b:s8+s2], $0x80, v3, vm0, $0xb8;
	[tilespmem:$0x18080] =	vst v63  }
0xae: {  	s23 =	rddreg [dreg:$0x19]  }
0xaf: {  	[tilespmem:s23], [sflag:$0x1] =	stream.indirect_vreg.gather [hbm4b:s9+s2], $0x80, v3, vm0, $0xb8;
	[tilespmem:$0x18080] =	vst v63  }
0xb0: {  	v3 =	vld [tilespmem:$0x30];
	_ =	sdelay $0x4  }
0xb1: {  	v59 =	vshrl.u32 v3, $0x3  }
0xb2: {  	v4 =	vmul.u32 $0x30, v59  }
0xb3: {  	v3 =	vand.u32 $0x7, v3  }
0xb4: {  	v3 =	vor.u32 v3, v4  }
0xb5: {  	v4 =	vperm.xlane v3, v0;
	_ =	sdelay $0x1  }
0xb6: {  	v4 =	vadd.s32 v1, v4;
	_ =	sdelay $0x3  }
0xb7: {  	s22 =	rddreg [dreg:$0x1a];
	v3 =	vperm.xlane v3, v2  }
0xb8: {  	[tilespmem:s22], [sflag:$0x1] =	stream.indirect_vreg.gather [hbm4b:s4+s2], $0x80, v4, vm0, $0xb8;
	[tilespmem:$0x18080] =	vst v63  }
0xb9: {  	s23 =	rddreg [dreg:$0x1b];
	v3 =	vadd.s32 v1, v3  }
0xba: {  	[tilespmem:s23], [sflag:$0x1] =	stream.indirect_vreg.gather [hbm4b:s8+s2], $0x80, v4, vm0, $0xb8;
	[tilespmem:$0x18080] =	vst v63  }
0xbb: {  	s22 =	rddreg [dreg:$0x1c]  }
0xbc: {  	[tilespmem:s22], [sflag:$0x1] =	stream.indirect_vreg.gather [hbm4b:s9+s2], $0x80, v4, vm0, $0xb8;
	[tilespmem:$0x18080] =	vst v63  }
0xbd: {  	s23 =	rddreg [dreg:$0x1d]  }
0xbe: {  	[tilespmem:s23], [sflag:$0x1] =	stream.indirect_vreg.gather [hbm4b:s4+s2], $0x80, v3, vm0, $0xb8;
	[tilespmem:$0x18080] =	vst v63  }
0xbf: {  	s22 =	rddreg [dreg:$0x1e]  }
0xc0: {  	[tilespmem:s22], [sflag:$0x1] =	stream.indirect_vreg.gather [hbm4b:s8+s2], $0x80, v3, vm0, $0xb8;
	[tilespmem:$0x18080] =	vst v63  }
0xc1: {  	s23 =	rddreg [dreg:$0x1f]  }
0xc2: {  	[tilespmem:s23], [sflag:$0x1] =	stream.indirect_vreg.gather [hbm4b:s9+s2], $0x80, v3, vm0, $0xb8;
	[tilespmem:$0x18080] =	vst v63  }
0xc3: {  	s22 =	rddreg [dreg:$0x6]  }
0xc4: {  	[hbm4b:s22+s2] =	stream.linear.scatter [tilespmem:s0], [sflag:$0x2], $0xC000, $0x38;
	[tilespmem:$0x18080] =	vst v63  }
0xc5: {  	_ =	swait.ge [sflag:s13], $0xC000  }
0xc6: {  	[sflag:s13] =	ssyncset.done $0x0  }
0xc7: {  	[sflag:s13] =	ssyncadd.s32 $0xFFFF4000  }
0xc8: {  	_ =	swait.ge [sflag:s20], $0xC000  }
0xc9: {  	[sflag:s20] =	ssyncset.done $0x0  }
0xca: {  	[sflag:s20] =	ssyncadd.s32 $0xFFFF4000  }
0xcb: {  	v3 =	vld [tilespmem:$0x0];
	_ =	sdelay $0x4  }
0xcc: {  	v60 =	vshrl.u32 v3, $0x3  }
0xcd: {  	v4 =	vmul.u32 $0x30, v60  }
0xce: {  	v3 =	vand.u32 $0x7, v3  }
0xcf: {  	v3 =	vor.u32 v3, v4  }
0xd0: {  	v4 =	vperm.xlane v3, v0;
	_ =	sdelay $0x1  }
0xd1: {  	v4 =	vadd.s32 v1, v4;
	_ =	sdelay $0x3  }
0xd2: {  	v3 =	vperm.xlane v3, v2  }
0xd3: {  	[tilespmem:s0], [sflag:$0x1] =	stream.indirect_vreg.gather [hbm4b:s5+s2], $0x80, v4, vm0, $0xb8;
	[tilespmem:$0x18080] =	vst v63  }
0xd4: {  	v3 =	vadd.s32 v1, v3  }
0xd5: {  	[tilespmem:s24], [sflag:$0x1] =	stream.indirect_vreg.gather [hbm4b:s10+s2], $0x80, v4, vm0, $0xb8;
	[tilespmem:$0x18080] =	vst v63  }
0xd6: {  	_ = 	snop  }
0xd7: {  	[tilespmem:s25], [sflag:$0x1] =	stream.indirect_vreg.gather [hbm4b:s11+s2], $0x80, v4, vm0, $0xb8;
	[tilespmem:$0x18080] =	vst v63  }
0xd8: {  	_ = 	snop  }
0xd9: {  	[tilespmem:s26], [sflag:$0x1] =	stream.indirect_vreg.gather [hbm4b:s5+s2], $0x80, v3, vm0, $0xb8;
	[tilespmem:$0x18080] =	vst v63  }
0xda: {  	_ = 	snop  }
0xdb: {  	[tilespmem:s28], [sflag:$0x1] =	stream.indirect_vreg.gather [hbm4b:s10+s2], $0x80, v3, vm0, $0xb8;
	[tilespmem:$0x18080] =	vst v63  }
0xdc: {  	_ = 	snop  }
0xdd: {  	[tilespmem:s29], [sflag:$0x1] =	stream.indirect_vreg.gather [hbm4b:s11+s2], $0x80, v3, vm0, $0xb8;
	[tilespmem:$0x18080] =	vst v63  }
0xde: {  	v3 =	vld [tilespmem:$0x10];
	_ =	sdelay $0x4  }
0xdf: {  	v61 =	vshrl.u32 v3, $0x3  }
0xe0: {  	v4 =	vmul.u32 $0x30, v61  }
0xe1: {  	v3 =	vand.u32 $0x7, v3  }
0xe2: {  	v3 =	vor.u32 v3, v4  }
0xe3: {  	v4 =	vperm.xlane v3, v0;
	_ =	sdelay $0x1  }
0xe4: {  	v4 =	vadd.s32 v1, v4;
	_ =	sdelay $0x3  }
0xe5: {  	v3 =	vperm.xlane v3, v2  }
0xe6: {  	[tilespmem:s30], [sflag:$0x1] =	stream.indirect_vreg.gather [hbm4b:s5+s2], $0x80, v4, vm0, $0xb8;
	[tilespmem:$0x18080] =	vst v63  }
0xe7: {  	v3 =	vadd.s32 v1, v3  }
0xe8: {  	[tilespmem:s31], [sflag:$0x1] =	stream.indirect_vreg.gather [hbm4b:s10+s2], $0x80, v4, vm0, $0xb8;
	[tilespmem:$0x18080] =	vst v63  }
0xe9: {  	s23 =	simm.s32 $0x4080  }
0xea: {  	[tilespmem:s23], [sflag:$0x1] =	stream.indirect_vreg.gather [hbm4b:s11+s2], $0x80, v4, vm0, $0xb8;
	[tilespmem:$0x18080] =	vst v63  }
0xeb: {  	s23 =	simm.s32 $0x4880  }
0xec: {  	[tilespmem:s23], [sflag:$0x1] =	stream.indirect_vreg.gather [hbm4b:s5+s2], $0x80, v3, vm0, $0xb8;
	[tilespmem:$0x18080] =	vst v63  }
0xed: {  	_ = 	snop  }
0xee: {  	[tilespmem:s15], [sflag:$0x1] =	stream.indirect_vreg.gather [hbm4b:s10+s2], $0x80, v3, vm0, $0xb8;
	[tilespmem:$0x18080] =	vst v63  }
0xef: {  	_ = 	snop  }
0xf0: {  	[tilespmem:s16], [sflag:$0x1] =	stream.indirect_vreg.gather [hbm4b:s11+s2], $0x80, v3, vm0, $0xb8;
	[tilespmem:$0x18080] =	vst v63  }
0xf1: {  	v3 =	vld [tilespmem:$0x20];
	_ =	sdelay $0x4  }
0xf2: {  	v62 =	vshrl.u32 v3, $0x3  }
0xf3: {  	v4 =	vmul.u32 $0x30, v62  }
0xf4: {  	v3 =	vand.u32 $0x7, v3  }
0xf5: {  	v3 =	vor.u32 v3, v4  }
0xf6: {  	v4 =	vperm.xlane v3, v0;
	_ =	sdelay $0x1  }
0xf7: {  	v4 =	vadd.s32 v1, v4;
	_ =	sdelay $0x3  }
0xf8: {  	v3 =	vperm.xlane v3, v2  }
0xf9: {  	[tilespmem:s17], [sflag:$0x1] =	stream.indirect_vreg.gather [hbm4b:s5+s2], $0x80, v4, vm0, $0xb8;
	[tilespmem:$0x18080] =	vst v63  }
0xfa: {  	v3 =	vadd.s32 v1, v3  }
0xfb: {  	[tilespmem:s18], [sflag:$0x1] =	stream.indirect_vreg.gather [hbm4b:s10+s2], $0x80, v4, vm0, $0xb8;
	[tilespmem:$0x18080] =	vst v63  }
0xfc: {  	_ = 	snop  }
0xfd: {  	[tilespmem:s19], [sflag:$0x1] =	stream.indirect_vreg.gather [hbm4b:s11+s2], $0x80, v4, vm0, $0xb8;
	[tilespmem:$0x18080] =	vst v63  }
0xfe: {  	_ = 	snop  }
0xff: {  	[tilespmem:s21], [sflag:$0x1] =	stream.indirect_vreg.gather [hbm4b:s5+s2], $0x80, v3, vm0, $0xb8;
	[tilespmem:$0x18080] =	vst v63  }
0x100: {  	_ = 	snop  }
0x101: {  	[tilespmem:s14], [sflag:$0x1] =	stream.indirect_vreg.gather [hbm4b:s10+s2], $0x80, v3, vm0, $0xb8;
	[tilespmem:$0x18080] =	vst v63  }
0x102: {  	s23 =	simm.s32 $0x8880  }
0x103: {  	[tilespmem:s23], [sflag:$0x1] =	stream.indirect_vreg.gather [hbm4b:s11+s2], $0x80, v3, vm0, $0xb8;
	[tilespmem:$0x18080] =	vst v63  }
0x104: {  	v3 =	vld [tilespmem:$0x30];
	_ =	sdelay $0x4  }
0x105: {  	v63 =	vshrl.u32 v3, $0x3  }
0x106: {  	v4 =	vmul.u32 $0x30, v63  }
0x107: {  	v3 =	vand.u32 $0x7, v3  }
0x108: {  	v3 =	vor.u32 v3, v4  }
0x109: {  	v4 =	vperm.xlane v3, v0;
	_ =	sdelay $0x1  }
0x10a: {  	v4 =	vadd.s32 v1, v4;
	_ =	sdelay $0x3  }
0x10b: {  	s22 =	simm.s32 $0x9080;
	v3 =	vperm.xlane v3, v2  }
0x10c: {  	[tilespmem:s22], [sflag:$0x1] =	stream.indirect_vreg.gather [hbm4b:s5+s2], $0x80, v4, vm0, $0xb8;
	[tilespmem:$0x18080] =	vst v63  }
0x10d: {  	s23 =	simm.s32 $0x9880;
	v3 =	vadd.s32 v1, v3  }
0x10e: {  	[tilespmem:s23], [sflag:$0x1] =	stream.indirect_vreg.gather [hbm4b:s10+s2], $0x80, v4, vm0, $0xb8;
	[tilespmem:$0x18080] =	vst v63  }
0x10f: {  	s22 =	simm.s32 $0xA080  }
0x110: {  	[tilespmem:s22], [sflag:$0x1] =	stream.indirect_vreg.gather [hbm4b:s11+s2], $0x80, v4, vm0, $0xb8;
	[tilespmem:$0x18080] =	vst v63  }
0x111: {  	s23 =	simm.s32 $0xA880  }
0x112: {  	[tilespmem:s23], [sflag:$0x1] =	stream.indirect_vreg.gather [hbm4b:s5+s2], $0x80, v3, vm0, $0xb8;
	[tilespmem:$0x18080] =	vst v63  }
0x113: {  	s22 =	simm.s32 $0xB080  }
0x114: {  	[tilespmem:s22], [sflag:$0x1] =	stream.indirect_vreg.gather [hbm4b:s10+s2], $0x80, v3, vm0, $0xb8;
	[tilespmem:$0x18080] =	vst v63  }
0x115: {  	s23 =	simm.s32 $0xB880  }
0x116: {  	[tilespmem:s23], [sflag:$0x1] =	stream.indirect_vreg.gather [hbm4b:s11+s2], $0x80, v3, vm0, $0xb8;
	[tilespmem:$0x18080] =	vst v63  }
0x117: {  	s22 =	rddreg [dreg:$0x7]  }
0x118: {  	[hbm4b:s22+s2] =	stream.linear.scatter [tilespmem:s1], [sflag:$0x2], $0xC000, $0x38;
	[tilespmem:$0x18080] =	vst v63  }
0x119: {  	_ =	swait.ge [sflag:s13], $0xC000  }
0x11a: {  	[sflag:s13] =	ssyncset.done $0x0  }
0x11b: {  	[sflag:s13] =	ssyncadd.s32 $0xFFFF4000  }
0x11c: {  	_ =	swait.ge [sflag:s20], $0xC000  }
0x11d: {  	p0 =	sne.s32 s12, $0x1;
	[sflag:s20] =	ssyncset.done $0x0  }
.Ltmp0:
0x11e: {  	s23 =	rddreg [dreg:$0x8];
	[sflag:s20] =	ssyncadd.s32 $0xFFFF4000;
	(pc) =	sbr.rel @p0 .LBB2_1-.Ltmp0, $4  }
0x11f: {  	[hbm4b:s23+s2] =	stream.linear.scatter [tilespmem:s0], [sflag:$0x2], $0xC000, $0x38;
	[tilespmem:$0x18080] =	vst v63  }
0x120: {  	_ =	swait.ge [sflag:s13], $0xC000  }
0x121: {  	[sflag:s13] =	ssyncset.done $0x0  }
0x122: {  	s12 =	sadd.s32 $0xFFFFFFFF, s12;
	[sflag:s13] =	ssyncadd.s32 $0xFFFF4000  }
0x123: {  	_ =	sfence.sel $0x180000  }
0x124: {  	[bflag:$0x0] =	sbarrier.arrive $0xFFFF  }
0x125: {  	_ =	strace $0x90000050  }
0x126: {  	s0 =	stileid.u32;
	[bflag:$0x2] =	sbarrier.arrive $0xFFFF  }
0x127: {  	p0 =	sne.s32 s0, $0x0;
	s0 =	rddreg [dreg:$0x4]  }
0x128: {  	s0 =	sadd.s32 @!p0 $0x100000, s0  }
0x129: {  	[sflag:s0] =	ssyncadd.tile.s32 @!p0 $0x1;
	_ =	shalt  }
.Lfunc_end2:
_tile_overlayer_lowered:
.L_overlay_start_2:
0x12a: {  	(tag) =	ssettag $0x2  }
0x12b: {  	s0 =	rddreg [dreg:$0x0];
	s2 =	stileid.u32  }
0x12c: {  	s1 =	rddreg [dreg:$0x1];
	p0 =	sne.s32 s2, $0x0  }
0x12d: {  	s3 =	rddreg [dreg:$0x2];
	[bflag:$0x3] =	sbarrier.arrive $0xFFFF;
	s2 =	simm.s32 @!p0 $0x1C02  }
0x12e: {  	[timem:s3], [sflag:s2] =	dma.local @!p0 [hbm:s0], s1  }
0x12f: {  	s0 =	simm.s32 @!p0 $0x2  }
0x130: {  	_ =	swait.ge @!p0 [sflag:s0], s1  }
0x131: {  	s1 =	ssub.s32 @!p0 $0x0, s1;
	[sflag:s0] =	ssyncset.done @!p0 $0x0  }
0x132: {  	[sflag:s0] =	ssyncadd.s32 @!p0 s1  }
0x133: {  	[bflag:$0x3] =	sbarrier.arrive $0xFFFF  }
0x134: {  	_ =	shalt  }

</sc_bundles>
